<compile_context>
chip_gen: v7x
topology: tpu7x:2x2x1
jax: 0.10.2.dev20260603
libtpu: 0.0.44.dev20260713+nightly
codegen_flags: <defaults>
</compile_context>

<pallas_src>
import functools

import jax
import jax.numpy as jnp
from jax import lax
from jax.experimental import pallas as pl
from jax.experimental.pallas import tpu as pltpu
from jax.experimental.pallas import tpu_sc as plsc

B = 2
IN_C = 768
H = 128
W = 128
MAX_PROPOSALS = 30
H_BLK = 16
N_H_BLK = H // H_BLK
L = 16
C_CHUNK = 128
N_CHUNK = IN_C // C_CHUNK


def _center_topk_body(f_ref, w_ref, b_ref, s_ref, i_ref, pb_ref, center_ref):
    j = pl.program_id(0)

    x = f_ref[...].astype(jnp.bfloat16).astype(jnp.float32)
    wv = w_ref[...].astype(jnp.bfloat16).astype(jnp.float32)[None, :, :, None]
    logits = jnp.sum(x * wv, axis=1) + b_ref[0, 0]
    p = jnp.clip(1.0 / (1.0 + jnp.exp(-logits)), 0.0001, 1.0 - 0.0001)
    center_ref[pl.ds(j * H_BLK, H_BLK), :] = (p[0] + p[1]) * 0.5

    @pl.when(j == N_H_BLK - 1)
    def _():
        center = center_ref[...]

        def win3(t, pad_val, red):
            prow = jnp.full((1, W), pad_val, dtype=t.dtype)
            pcol = jnp.full((H, 1), pad_val, dtype=t.dtype)
            up = jnp.concatenate([t[1:, :], prow], axis=0)
            dn = jnp.concatenate([prow, t[:-1, :]], axis=0)
            acc = red(red(up, t), dn)
            lf = jnp.concatenate([acc[:, 1:], pcol], axis=1)
            rt = jnp.concatenate([pcol, acc[:, :-1]], axis=1)
            return red(red(lf, acc), rt)

        pool = win3(center, 0.0, jnp.add) / 9.0
        c2 = (center + pool) * 0.5
        mx = win3(c2, -jnp.inf, jnp.maximum)
        sup = jnp.where(mx == c2, c2, 0.0)

        row = jax.lax.broadcasted_iota(jnp.int32, (H, W), 0)
        col = jax.lax.broadcasted_iota(jnp.int32, (H, W), 1)
        lin = row * W + col
        out_lane = jax.lax.broadcasted_iota(jnp.int32, (1, 32), 1)
        sub8 = jax.lax.broadcasted_iota(jnp.int32, (8, W), 0)
        col8 = jax.lax.broadcasted_iota(jnp.int32, (8, W), 1)
        base8 = sub8 * W + col8

        def body(i, carry):
            v, sc, ix = carry
            r8 = v[0:8, :]
            t8 = jnp.zeros((8, W), jnp.int32)
            for t in range(1, 16):
                vt = v[8 * t:8 * t + 8, :]
                gt = vt > r8
                r8 = jnp.where(gt, vt, r8)
                t8 = jnp.where(gt, t, t8)
            m = jnp.max(r8)
            idx = jnp.min(jnp.where(r8 == m, t8 * (8 * W) + base8,
                                    jnp.int32(2**30)))
            sc = jnp.where(out_lane == i, m, sc)
            ix = jnp.where(out_lane == i, idx, ix)
            return (jnp.where(lin == idx, -jnp.inf, v), sc, ix)

        sc0 = jnp.zeros((1, 32), jnp.float32)
        ix0 = jnp.zeros((1, 32), jnp.int32)
        _, sc, ix = jax.lax.fori_loop(0, MAX_PROPOSALS, body, (sup, sc0, ix0))
        s_ref[...] = sc
        i_ref[...] = ix
        t32 = jax.lax.transpose(jnp.broadcast_to(ix, (32, 32)), (1, 0))
        pb_ref[...] = jnp.concatenate([t32, t32, t32, t32], axis=1)


def _sc_gather_body(feat_ref, posb_ref, out_ref, posrow_ref,
                    cidx0_ref, cidx1_ref, row0_ref, row1_ref, sem):
    wid = lax.axis_index("s") * 2 + lax.axis_index("c")

    @pl.when(wid < MAX_PROPOSALS)
    def _():
        lane = lax.broadcasted_iota(jnp.int32, (L,), 0)
        pltpu.sync_copy(posb_ref.at[wid], posrow_ref)
        posv = posrow_ref[pl.ds(0, L)]
        for k in range(N_CHUNK):
            for m in range(C_CHUNK // L):
                c0 = k * C_CHUNK + m * L
                cidx0_ref[k, pl.ds(m * L, L)] = posv + (c0 + lane) * (H * W)
                cidx1_ref[k, pl.ds(m * L, L)] = (IN_C * H * W) + posv + (c0 + lane) * (H * W)
        cps = []
        for k in range(N_CHUNK):
            cp = pltpu.async_copy(
                feat_ref.at[cidx0_ref.at[k]],
                row0_ref.at[pl.ds(k * C_CHUNK, C_CHUNK)], sem)
            cp.start()
            cps.append(cp)
            cp = pltpu.async_copy(
                feat_ref.at[cidx1_ref.at[k]],
                row1_ref.at[pl.ds(k * C_CHUNK, C_CHUNK)], sem)
            cp.start()
            cps.append(cp)
        for cp in cps:
            cp.wait()
        pltpu.sync_copy(row0_ref, out_ref.at[wid])
        pltpu.sync_copy(row1_ref, out_ref.at[wid + MAX_PROPOSALS])


def _sc_gather(feat_flat, posb):
    mesh = plsc.VectorSubcoreMesh(core_axis_name="c", subcore_axis_name="s")
    kf = functools.partial(
        pl.kernel,
        out_type=jax.ShapeDtypeStruct((2 * MAX_PROPOSALS, IN_C), jnp.float32),
        mesh=mesh,
        scratch_types=[
            pltpu.VMEM((128,), jnp.int32),
            pltpu.VMEM((N_CHUNK, C_CHUNK), jnp.int32),
            pltpu.VMEM((N_CHUNK, C_CHUNK), jnp.int32),
            pltpu.VMEM((IN_C,), jnp.float32),
            pltpu.VMEM((IN_C,), jnp.float32),
            pltpu.SemaphoreType.DMA,
        ],
        name="sc_peak_gather",
    )(_sc_gather_body)
    return kf(feat_flat, posb)


def kernel(features, Wc, bc):
    wv = Wc[-1].reshape(IN_C, 1)
    b0 = bc[-1].reshape(1, 1)

    scores32, idx32, posb = pl.pallas_call(
        _center_topk_body,
        grid=(N_H_BLK,),
        in_specs=[
            pl.BlockSpec((B, IN_C, H_BLK, W), lambda j: (0, 0, j, 0)),
            pl.BlockSpec((IN_C, 1), lambda j: (0, 0)),
            pl.BlockSpec((1, 1), lambda j: (0, 0)),
        ],
        out_specs=[
            pl.BlockSpec((1, 32), lambda j: (0, 0)),
            pl.BlockSpec((1, 32), lambda j: (0, 0)),
            pl.BlockSpec((32, 128), lambda j: (0, 0)),
        ],
        out_shape=[
            jax.ShapeDtypeStruct((1, 32), jnp.float32),
            jax.ShapeDtypeStruct((1, 32), jnp.int32),
            jax.ShapeDtypeStruct((32, 128), jnp.int32),
        ],
        scratch_shapes=[
            pltpu.VMEM((H, W), jnp.float32),
        ],
    )(features, wv, b0)

    param = _sc_gather(features.reshape(-1), posb)

    scores = scores32[0, :MAX_PROPOSALS]
    pos = idx32[0, :MAX_PROPOSALS]
    y = pos // W
    x = pos % W
    instance_coord = jnp.tile(jnp.stack((y, x), axis=1), (2, 1))
    instance_imgid = jnp.concatenate([jnp.zeros((MAX_PROPOSALS,), jnp.int32),
                                      jnp.ones((MAX_PROPOSALS,), jnp.int32)])
    return (instance_coord, instance_imgid, param, scores)

# --- scband reference (transcript-rebuilt; emitter-appended) ---
"""Pipeline reference for scband-iia-3272765079973 (READ-ONLY COPY).

The authoritative reference and input builder live on the scoring server;
editing this copy changes nothing except your own understanding.
"""

import jax, jax.numpy as jnp
import numpy as np
import math

B = 2
IN_C = 768
OUT_C = 18
H = 128
W = 128
MAX_PROPOSALS = 30
KPT_THRE = 0.001
CENTER_POOL_K = 3
POOL_T1 = 300
POOL_T2 = 200
PRIOR_PROB = 0.01


def _avg_pool2d(x, k):
    # x: [C, H, W], torch F.avg_pool2d(kernel=k, stride=1, pad=(k-1)//2), count_include_pad=True -> divide by k*k
    pad = (k - 1) // 2
    s = jax.lax.reduce_window(x, 0.0, jax.lax.add, (1, k, k), (1, 1, 1), [(0, 0), (pad, pad), (pad, pad)])
    return s / float(k * k)


def _max_pool2d(x, k):
    pad = (k - 1) // 2
    return jax.lax.reduce_window(x, -jnp.inf, jax.lax.max, (1, k, k), (1, 1, 1), [(0, 0), (pad, pad), (pad, pad)])


def setup_inputs(seed: int = 0) -> dict:
    key = jax.random.key(seed)
    k1, k2 = jax.random.split(key, 2)
    features = jax.random.normal(k1, (B, IN_C, H, W), dtype=jnp.float32)
    # keypoint_center_conv: 1x1 conv, weight ~ N(0, 0.001), bias = -log((1-p)/p)
    Wc = jax.random.normal(k2, (OUT_C, IN_C), dtype=jnp.float32) * 0.001
    bias_value = -math.log((1 - PRIOR_PROB) / PRIOR_PROB)
    bc = jnp.full((OUT_C,), bias_value, dtype=jnp.float32)
    return {"features": features, "Wc": Wc, "bc": bc}


def reference(features, Wc, bc):
    # 1x1 conv + clamped sigmoid
    logits = jnp.einsum('bchw,oc->bohw', features, Wc) + bc[None, :, None, None]
    pred = jnp.clip(jax.nn.sigmoid(logits), 0.0001, 1 - 0.0001)
    # flip_test=True: average center channel over the 2-image (orig, flip) batch
    center = jnp.mean(pred[:, -1, :, :], axis=0, keepdims=True)  # [1, H, W]
    pool = _avg_pool2d(center, CENTER_POOL_K)
    center = (center + pool) / 2.0
    # hierarchical pooling NMS
    map_size = (center.shape[1] + center.shape[2]) / 2.0
    if map_size > POOL_T1:
        k = 7
    elif map_size > POOL_T2:
        k = 5
    else:
        k = 3
    maxm = _max_pool2d(center, k)
    maxm = (maxm == center).astype(jnp.float32)
    center = center * maxm
    scores = center.reshape(-1)
    scores, pos_ind = jax.lax.top_k(scores, MAX_PROPOSALS)
    keep = scores > KPT_THRE  # eager (non-jit) boolean mask; with random init all top-k peaks pass
    scores = jnp.where(keep, scores, scores)
    pos_ind = jnp.where(keep, pos_ind, pos_ind)
    x = pos_ind % W
    y = pos_ind // W
    instance_coord = jnp.stack((y, x), axis=1)
    # _sample_feats: features[:, y, x].T
    instance_param = features[0][:, y, x].T  # [n, C]
    n = instance_coord.shape[0]
    instance_imgid = jnp.zeros((n,), dtype=jnp.int32)
    # flip branch
    instance_param_flip = features[1][:, y, x].T
    instance_imgid_flip = jnp.ones((n,), dtype=jnp.int32)
    instance_coord = jnp.concatenate((instance_coord, instance_coord), axis=0)
    instance_param = jnp.concatenate((instance_param, instance_param_flip), axis=0)
    instance_imgid = jnp.concatenate((instance_imgid, instance_imgid_flip), axis=0)
    return (instance_coord, instance_imgid, instance_param, scores)

if __name__ == "__main__":
    import jax
    _d = setup_inputs()
    print(jax.jit(kernel)(*tuple(_d.values())))

</pallas_src>

<mosaic_0001>
#map = affine_map<(d0, d1) -> (0)>
#map1 = affine_map<(d0, d1) -> (0, 0)>
module attributes {stable_mosaic.version = 14 : i64} {
  func.func @sc_peak_gather(%arg0: i32, %arg1: i32, %arg2: memref<25165824xf32, #tpu.memory_space<hbm>>, %arg3: memref<32x128xi32, #tpu.memory_space<hbm>>, %arg4: memref<60x768xf32, #tpu.memory_space<hbm>>, %arg5: memref<128xi32, #tpu.memory_space<vmem>>, %arg6: memref<6x128xi32, #tpu.memory_space<vmem>>, %arg7: memref<6x128xi32, #tpu.memory_space<vmem>>, %arg8: memref<768xf32, #tpu.memory_space<vmem>>, %arg9: memref<768xf32, #tpu.memory_space<vmem>>, %arg10: memref<!tpu.dma_semaphore, #tpu.memory_space<semaphore_mem>>) attributes {dimension_semantics = [#tpu.dimension_semantics<core_parallel>, #tpu.dimension_semantics<subcore_parallel>], iteration_bounds = array<i64: 2, 16>, scalar_prefetch = 0 : i64, scratch_operands = 6 : i64, tpu.core_type = #tpu.core_type<sc_vector_subcore>, window_params = [{transform_indices = #map}, {transform_indices = #map1}, {transform_indices = #map1}]} {
    %mul3A = arith.constant 2 : i32
    %mul3A_0 = arith.muli %arg1, %mul3A : i32
    %add3A = arith.addi %mul3A_0, %arg0 : i32
    %lt3A = arith.constant 30 : i32
    %lt3A_1 = arith.cmpi slt, %add3A, %lt3A : i32
    %convert_element_type3A = arith.extui %lt3A_1 : i1 to i32
    %cond3A = arith.constant 0 : i32
    %cond3A_2 = arith.cmpi ne, %convert_element_type3A, %cond3A : i32
    scf.if %cond3A_2 {
      %iota3A = tpu.iota {dimensions = array<i32: 0>} : vector<16xi32>
      "tpu.region"() ({
        %run_scoped3A = tpu.sem_alloc : memref<!tpu.dma_semaphore, #tpu.memory_space<semaphore_mem>>
        %dma_start3A_1684 = arith.constant 0 : i32
        %dma_start3A_1685 = tpu.memref_slice %arg3[%add3A, %dma_start3A_1684] : memref<32x128xi32, #tpu.memory_space<hbm>> -> memref<1x128xi32, #tpu.memory_space<hbm>>
        %dma_start3A_1686 = tpu.memref_squeeze %dma_start3A_1685 : memref<1x128xi32, #tpu.memory_space<hbm>> -> memref<128xi32, #tpu.memory_space<hbm>>
        %dma_start3A_1687 = arith.constant 0 : i32
        %dma_start3A_1688 = tpu.memref_slice %arg3[%add3A, %dma_start3A_1687] : memref<32x128xi32, #tpu.memory_space<hbm>> -> memref<1x128xi32, #tpu.memory_space<hbm>>
        %dma_start3A_1689 = tpu.memref_squeeze %dma_start3A_1688 : memref<1x128xi32, #tpu.memory_space<hbm>> -> memref<128xi32, #tpu.memory_space<hbm>>
        tpu.enqueue_dma source(%dma_start3A_1689 : memref<128xi32, #tpu.memory_space<hbm>>) target(%arg5 : memref<128xi32, #tpu.memory_space<vmem>>) target_semaphore(%run_scoped3A : memref<!tpu.dma_semaphore, #tpu.memory_space<semaphore_mem>>)
        %dma_wait3A_1690 = arith.constant 0 : i32
        %dma_wait3A_1691 = tpu.memref_slice %arg3[%add3A, %dma_wait3A_1690] : memref<32x128xi32, #tpu.memory_space<hbm>> -> memref<1x128xi32, #tpu.memory_space<hbm>>
        %dma_wait3A_1692 = tpu.memref_squeeze %dma_wait3A_1691 : memref<1x128xi32, #tpu.memory_space<hbm>> -> memref<128xi32, #tpu.memory_space<hbm>>
        %dma_wait3A_1693 = arith.constant 0 : i32
        %dma_wait3A_1694 = tpu.memref_slice %arg3[%add3A, %dma_wait3A_1693] : memref<32x128xi32, #tpu.memory_space<hbm>> -> memref<1x128xi32, #tpu.memory_space<hbm>>
        %dma_wait3A_1695 = tpu.memref_squeeze %dma_wait3A_1694 : memref<1x128xi32, #tpu.memory_space<hbm>> -> memref<128xi32, #tpu.memory_space<hbm>>
        tpu.wait_dma2 semaphore(%run_scoped3A : memref<!tpu.dma_semaphore, #tpu.memory_space<semaphore_mem>>) src(%dma_wait3A_1695 : memref<128xi32, #tpu.memory_space<hbm>>) dst(%arg5 : memref<128xi32, #tpu.memory_space<vmem>>)
        tpu.yield
      }) : () -> ()
      %get3A = arith.constant 0 : index
      %get3A_3 = tpu.vector_load %arg5[%get3A] {strides = array<i32>} : memref<128xi32, #tpu.memory_space<vmem>>, vector<16xi32>,
      %get3A_4 = vector.shape_cast %get3A_3 : vector<16xi32> to vector<16xi32>
      %add3A_5 = arith.constant 0 : i32
      %add3A_6 = vector.broadcast %add3A_5 : i32 to vector<16xi32>
      %add3A_7 = arith.addi %add3A_6, %iota3A : vector<16xi32>
      %mul3A_8 = arith.constant 16384 : i32
      %mul3A_9 = vector.broadcast %mul3A_8 : i32 to vector<16xi32>
      %mul3A_10 = arith.muli %add3A_7, %mul3A_9 : vector<16xi32>
      %add3A_11 = arith.addi %get3A_4, %mul3A_10 : vector<16xi32>
      %swap3A = arith.constant 0 : i32
      %swap3A_12 = arith.index_cast %swap3A : i32 to index
      %swap3A_13 = arith.constant 0 : index
      %swap3A_14 = tpu.vector_load %arg6[%swap3A_12, %swap3A_13] {strides = array<i32>} : memref<6x128xi32, #tpu.memory_space<vmem>>, vector<1x16xi32>,
      %swap3A_15 = vector.shape_cast %swap3A_14 : vector<1x16xi32> to vector<16xi32>
      %swap3A_16 = vector.shape_cast %add3A_11 : vector<16xi32> to vector<1x16xi32>
      tpu.vector_store %arg6[%swap3A_12, %swap3A_13], %swap3A_16 {strides = array<i32>} : memref<6x128xi32, #tpu.memory_space<vmem>>, vector<1x16xi32>,
      %add3A_17 = arith.constant 12582912 : i32
      %add3A_18 = vector.broadcast %add3A_17 : i32 to vector<16xi32>
      %add3A_19 = arith.addi %add3A_18, %get3A_4 : vector<16xi32>
      %add3A_20 = arith.constant 0 : i32
      %add3A_21 = vector.broadcast %add3A_20 : i32 to vector<16xi32>
      %add3A_22 = arith.addi %add3A_21, %iota3A : vector<16xi32>
      %mul3A_23 = arith.constant 16384 : i32
      %mul3A_24 = vector.broadcast %mul3A_23 : i32 to vector<16xi32>
      %mul3A_25 = arith.muli %add3A_22, %mul3A_24 : vector<16xi32>
      %add3A_26 = arith.addi %add3A_19, %mul3A_25 : vector<16xi32>
      %swap3A_27 = arith.constant 0 : i32
      %swap3A_28 = arith.index_cast %swap3A_27 : i32 to index
      %swap3A_29 = arith.constant 0 : index
      %swap3A_30 = tpu.vector_load %arg7[%swap3A_28, %swap3A_29] {strides = array<i32>} : memref<6x128xi32, #tpu.memory_space<vmem>>, vector<1x16xi32>,
      %swap3A_31 = vector.shape_cast %swap3A_30 : vector<1x16xi32> to vector<16xi32>
      %swap3A_32 = vector.shape_cast %add3A_26 : vector<16xi32> to vector<1x16xi32>
      tpu.vector_store %arg7[%swap3A_28, %swap3A_29], %swap3A_32 {strides = array<i32>} : memref<6x128xi32, #tpu.memory_space<vmem>>, vector<1x16xi32>,
      %add3A_33 = arith.constant 16 : i32
      %add3A_34 = vector.broadcast %add3A_33 : i32 to vector<16xi32>
      %add3A_35 = arith.addi %add3A_34, %iota3A : vector<16xi32>
      %mul3A_36 = arith.constant 16384 : i32
      %mul3A_37 = vector.broadcast %mul3A_36 : i32 to vector<16xi32>
      %mul3A_38 = arith.muli %add3A_35, %mul3A_37 : vector<16xi32>
      %add3A_39 = arith.addi %get3A_4, %mul3A_38 : vector<16xi32>
      %swap3A_40 = arith.constant 0 : i32
      %swap3A_41 = arith.index_cast %swap3A_40 : i32 to index
      %swap3A_42 = arith.constant 16 : index
      %swap3A_43 = tpu.vector_load %arg6[%swap3A_41, %swap3A_42] {strides = array<i32>} : memref<6x128xi32, #tpu.memory_space<vmem>>, vector<1x16xi32>,
      %swap3A_44 = vector.shape_cast %swap3A_43 : vector<1x16xi32> to vector<16xi32>
      %swap3A_45 = vector.shape_cast %add3A_39 : vector<16xi32> to vector<1x16xi32>
      tpu.vector_store %arg6[%swap3A_41, %swap3A_42], %swap3A_45 {strides = array<i32>} : memref<6x128xi32, #tpu.memory_space<vmem>>, vector<1x16xi32>,
      %add3A_46 = arith.constant 12582912 : i32
      %add3A_47 = vector.broadcast %add3A_46 : i32 to vector<16xi32>
      %add3A_48 = arith.addi %add3A_47, %get3A_4 : vector<16xi32>
      %add3A_49 = arith.constant 16 : i32
      %add3A_50 = vector.broadcast %add3A_49 : i32 to vector<16xi32>
      %add3A_51 = arith.addi %add3A_50, %iota3A : vector<16xi32>
      %mul3A_52 = arith.constant 16384 : i32
      %mul3A_53 = vector.broadcast %mul3A_52 : i32 to vector<16xi32>
      %mul3A_54 = arith.muli %add3A_51, %mul3A_53 : vector<16xi32>
      %add3A_55 = arith.addi %add3A_48, %mul3A_54 : vector<16xi32>
      %swap3A_56 = arith.constant 0 : i32
      %swap3A_57 = arith.index_cast %swap3A_56 : i32 to index
      %swap3A_58 = arith.constant 16 : index
      %swap3A_59 = tpu.vector_load %arg7[%swap3A_57, %swap3A_58] {strides = array<i32>} : memref<6x128xi32, #tpu.memory_space<vmem>>, vector<1x16xi32>,
      %swap3A_60 = vector.shape_cast %swap3A_59 : vector<1x16xi32> to vector<16xi32>
      %swap3A_61 = vector.shape_cast %add3A_55 : vector<16xi32> to vector<1x16xi32>
      tpu.vector_store %arg7[%swap3A_57, %swap3A_58], %swap3A_61 {strides = array<i32>} : memref<6x128xi32, #tpu.memory_space<vmem>>, vector<1x16xi32>,
      %add3A_62 = arith.constant 32 : i32
      %add3A_63 = vector.broadcast %add3A_62 : i32 to vector<16xi32>
      %add3A_64 = arith.addi %add3A_63, %iota3A : vector<16xi32>
      %mul3A_65 = arith.constant 16384 : i32
      %mul3A_66 = vector.broadcast %mul3A_65 : i32 to vector<16xi32>
      %mul3A_67 = arith.muli %add3A_64, %mul3A_66 : vector<16xi32>
      %add3A_68 = arith.addi %get3A_4, %mul3A_67 : vector<16xi32>
      %swap3A_69 = arith.constant 0 : i32
      %swap3A_70 = arith.index_cast %swap3A_69 : i32 to index
      %swap3A_71 = arith.constant 32 : index
      %swap3A_72 = tpu.vector_load %arg6[%swap3A_70, %swap3A_71] {strides = array<i32>} : memref<6x128xi32, #tpu.memory_space<vmem>>, vector<1x16xi32>,
      %swap3A_73 = vector.shape_cast %swap3A_72 : vector<1x16xi32> to vector<16xi32>
      %swap3A_74 = vector.shape_cast %add3A_68 : vector<16xi32> to vector<1x16xi32>
      tpu.vector_store %arg6[%swap3A_70, %swap3A_71], %swap3A_74 {strides = array<i32>} : memref<6x128xi32, #tpu.memory_space<vmem>>, vector<1x16xi32>,
      %add3A_75 = arith.constant 12582912 : i32
      %add3A_76 = vector.broadcast %add3A_75 : i32 to vector<16xi32>
      %add3A_77 = arith.addi %add3A_76, %get3A_4 : vector<16xi32>
      %add3A_78 = arith.constant 32 : i32
      %add3A_79 = vector.broadcast %add3A_78 : i32 to vector<16xi32>
      %add3A_80 = arith.addi %add3A_79, %iota3A : vector<16xi32>
      %mul3A_81 = arith.constant 16384 : i32
      %mul3A_82 = vector.broadcast %mul3A_81 : i32 to vector<16xi32>
      %mul3A_83 = arith.muli %add3A_80, %mul3A_82 : vector<16xi32>
      %add3A_84 = arith.addi %add3A_77, %mul3A_83 : vector<16xi32>
      %swap3A_85 = arith.constant 0 : i32
      %swap3A_86 = arith.index_cast %swap3A_85 : i32 to index
      %swap3A_87 = arith.constant 32 : index
      %swap3A_88 = tpu.vector_load %arg7[%swap3A_86, %swap3A_87] {strides = array<i32>} : memref<6x128xi32, #tpu.memory_space<vmem>>, vector<1x16xi32>,
      %swap3A_89 = vector.shape_cast %swap3A_88 : vector<1x16xi32> to vector<16xi32>
      %swap3A_90 = vector.shape_cast %add3A_84 : vector<16xi32> to vector<1x16xi32>
      tpu.vector_store %arg7[%swap3A_86, %swap3A_87], %swap3A_90 {strides = array<i32>} : memref<6x128xi32, #tpu.memory_space<vmem>>, vector<1x16xi32>,
      %add3A_91 = arith.constant 48 : i32
      %add3A_92 = vector.broadcast %add3A_91 : i32 to vector<16xi32>
      %add3A_93 = arith.addi %add3A_92, %iota3A : vector<16xi32>
      %mul3A_94 = arith.constant 16384 : i32
      %mul3A_95 = vector.broadcast %mul3A_94 : i32 to vector<16xi32>
      %mul3A_96 = arith.muli %add3A_93, %mul3A_95 : vector<16xi32>
      %add3A_97 = arith.addi %get3A_4, %mul3A_96 : vector<16xi32>
      %swap3A_98 = arith.constant 0 : i32
      %swap3A_99 = arith.index_cast %swap3A_98 : i32 to index
      %swap3A_100 = arith.constant 48 : index
      %swap3A_101 = tpu.vector_load %arg6[%swap3A_99, %swap3A_100] {strides = array<i32>} : memref<6x128xi32, #tpu.memory_space<vmem>>, vector<1x16xi32>,
      %swap3A_102 = vector.shape_cast %swap3A_101 : vector<1x16xi32> to vector<16xi32>
      %swap3A_103 = vector.shape_cast %add3A_97 : vector<16xi32> to vector<1x16xi32>
      tpu.vector_store %arg6[%swap3A_99, %swap3A_100], %swap3A_103 {strides = array<i32>} : memref<6x128xi32, #tpu.memory_space<vmem>>, vector<1x16xi32>,
      %add3A_104 = arith.constant 12582912 : i32
      %add3A_105 = vector.broadcast %add3A_104 : i32 to vector<16xi32>
      %add3A_106 = arith.addi %add3A_105, %get3A_4 : vector<16xi32>
      %add3A_107 = arith.constant 48 : i32
      %add3A_108 = vector.broadcast %add3A_107 : i32 to vector<16xi32>
      %add3A_109 = arith.addi %add3A_108, %iota3A : vector<16xi32>
      %mul3A_110 = arith.constant 16384 : i32
      %mul3A_111 = vector.broadcast %mul3A_110 : i32 to vector<16xi32>
      %mul3A_112 = arith.muli %add3A_109, %mul3A_111 : vector<16xi32>
      %add3A_113 = arith.addi %add3A_106, %mul3A_112 : vector<16xi32>
      %swap3A_114 = arith.constant 0 : i32
      %swap3A_115 = arith.index_cast %swap3A_114 : i32 to index
      %swap3A_116 = arith.constant 48 : index
      %swap3A_117 = tpu.vector_load %arg7[%swap3A_115, %swap3A_116] {strides = array<i32>} : memref<6x128xi32, #tpu.memory_space<vmem>>, vector<1x16xi32>,
      %swap3A_118 = vector.shape_cast %swap3A_117 : vector<1x16xi32> to vector<16xi32>
      %swap3A_119 = vector.shape_cast %add3A_113 : vector<16xi32> to vector<1x16xi32>
      tpu.vector_store %arg7[%swap3A_115, %swap3A_116], %swap3A_119 {strides = array<i32>} : memref<6x128xi32, #tpu.memory_space<vmem>>, vector<1x16xi32>,
      %add3A_120 = arith.constant 64 : i32
      %add3A_121 = vector.broadcast %add3A_120 : i32 to vector<16xi32>
      %add3A_122 = arith.addi %add3A_121, %iota3A : vector<16xi32>
      %mul3A_123 = arith.constant 16384 : i32
      %mul3A_124 = vector.broadcast %mul3A_123 : i32 to vector<16xi32>
      %mul3A_125 = arith.muli %add3A_122, %mul3A_124 : vector<16xi32>
      %add3A_126 = arith.addi %get3A_4, %mul3A_125 : vector<16xi32>
      %swap3A_127 = arith.constant 0 : i32
      %swap3A_128 = arith.index_cast %swap3A_127 : i32 to index
      %swap3A_129 = arith.constant 64 : index
      %swap3A_130 = tpu.vector_load %arg6[%swap3A_128, %swap3A_129] {strides = array<i32>} : memref<6x128xi32, #tpu.memory_space<vmem>>, vector<1x16xi32>,
      %swap3A_131 = vector.shape_cast %swap3A_130 : vector<1x16xi32> to vector<16xi32>
      %swap3A_132 = vector.shape_cast %add3A_126 : vector<16xi32> to vector<1x16xi32>
      tpu.vector_store %arg6[%swap3A_128, %swap3A_129], %swap3A_132 {strides = array<i32>} : memref<6x128xi32, #tpu.memory_space<vmem>>, vector<1x16xi32>,
      %add3A_133 = arith.constant 12582912 : i32
      %add3A_134 = vector.broadcast %add3A_133 : i32 to vector<16xi32>
      %add3A_135 = arith.addi %add3A_134, %get3A_4 : vector<16xi32>
      %add3A_136 = arith.constant 64 : i32
      %add3A_137 = vector.broadcast %add3A_136 : i32 to vector<16xi32>
      %add3A_138 = arith.addi %add3A_137, %iota3A : vector<16xi32>
      %mul3A_139 = arith.constant 16384 : i32
      %mul3A_140 = vector.broadcast %mul3A_139 : i32 to vector<16xi32>
      %mul3A_141 = arith.muli %add3A_138, %mul3A_140 : vector<16xi32>
      %add3A_142 = arith.addi %add3A_135, %mul3A_141 : vector<16xi32>
      %swap3A_143 = arith.constant 0 : i32
      %swap3A_144 = arith.index_cast %swap3A_143 : i32 to index
      %swap3A_145 = arith.constant 64 : index
      %swap3A_146 = tpu.vector_load %arg7[%swap3A_144, %swap3A_145] {strides = array<i32>} : memref<6x128xi32, #tpu.memory_space<vmem>>, vector<1x16xi32>,
      %swap3A_147 = vector.shape_cast %swap3A_146 : vector<1x16xi32> to vector<16xi32>
      %swap3A_148 = vector.shape_cast %add3A_142 : vector<16xi32> to vector<1x16xi32>
      tpu.vector_store %arg7[%swap3A_144, %swap3A_145], %swap3A_148 {strides = array<i32>} : memref<6x128xi32, #tpu.memory_space<vmem>>, vector<1x16xi32>,
      %add3A_149 = arith.constant 80 : i32
      %add3A_150 = vector.broadcast %add3A_149 : i32 to vector<16xi32>
      %add3A_151 = arith.addi %add3A_150, %iota3A : vector<16xi32>
      %mul3A_152 = arith.constant 16384 : i32
      %mul3A_153 = vector.broadcast %mul3A_152 : i32 to vector<16xi32>
      %mul3A_154 = arith.muli %add3A_151, %mul3A_153 : vector<16xi32>
      %add3A_155 = arith.addi %get3A_4, %mul3A_154 : vector<16xi32>
      %swap3A_156 = arith.constant 0 : i32
      %swap3A_157 = arith.index_cast %swap3A_156 : i32 to index
      %swap3A_158 = arith.constant 80 : index
      %swap3A_159 = tpu.vector_load %arg6[%swap3A_157, %swap3A_158] {strides = array<i32>} : memref<6x128xi32, #tpu.memory_space<vmem>>, vector<1x16xi32>,
      %swap3A_160 = vector.shape_cast %swap3A_159 : vector<1x16xi32> to vector<16xi32>
      %swap3A_161 = vector.shape_cast %add3A_155 : vector<16xi32> to vector<1x16xi32>
      tpu.vector_store %arg6[%swap3A_157, %swap3A_158], %swap3A_161 {strides = array<i32>} : memref<6x128xi32, #tpu.memory_space<vmem>>, vector<1x16xi32>,
      %add3A_162 = arith.constant 12582912 : i32
      %add3A_163 = vector.broadcast %add3A_162 : i32 to vector<16xi32>
      %add3A_164 = arith.addi %add3A_163, %get3A_4 : vector<16xi32>
      %add3A_165 = arith.constant 80 : i32
      %add3A_166 = vector.broadcast %add3A_165 : i32 to vector<16xi32>
      %add3A_167 = arith.addi %add3A_166, %iota3A : vector<16xi32>
      %mul3A_168 = arith.constant 16384 : i32
      %mul3A_169 = vector.broadcast %mul3A_168 : i32 to vector<16xi32>
      %mul3A_170 = arith.muli %add3A_167, %mul3A_169 : vector<16xi32>
      %add3A_171 = arith.addi %add3A_164, %mul3A_170 : vector<16xi32>
      %swap3A_172 = arith.constant 0 : i32
      %swap3A_173 = arith.index_cast %swap3A_172 : i32 to index
      %swap3A_174 = arith.constant 80 : index
      %swap3A_175 = tpu.vector_load %arg7[%swap3A_173, %swap3A_174] {strides = array<i32>} : memref<6x128xi32, #tpu.memory_space<vmem>>, vector<1x16xi32>,
      %swap3A_176 = vector.shape_cast %swap3A_175 : vector<1x16xi32> to vector<16xi32>
      %swap3A_177 = vector.shape_cast %add3A_171 : vector<16xi32> to vector<1x16xi32>
      tpu.vector_store %arg7[%swap3A_173, %swap3A_174], %swap3A_177 {strides = array<i32>} : memref<6x128xi32, #tpu.memory_space<vmem>>, vector<1x16xi32>,
      %add3A_178 = arith.constant 96 : i32
      %add3A_179 = vector.broadcast %add3A_178 : i32 to vector<16xi32>
      %add3A_180 = arith.addi %add3A_179, %iota3A : vector<16xi32>
      %mul3A_181 = arith.constant 16384 : i32
      %mul3A_182 = vector.broadcast %mul3A_181 : i32 to vector<16xi32>
      %mul3A_183 = arith.muli %add3A_180, %mul3A_182 : vector<16xi32>
      %add3A_184 = arith.addi %get3A_4, %mul3A_183 : vector<16xi32>
      %swap3A_185 = arith.constant 0 : i32
      %swap3A_186 = arith.index_cast %swap3A_185 : i32 to index
      %swap3A_187 = arith.constant 96 : index
      %swap3A_188 = tpu.vector_load %arg6[%swap3A_186, %swap3A_187] {strides = array<i32>} : memref<6x128xi32, #tpu.memory_space<vmem>>, vector<1x16xi32>,
      %swap3A_189 = vector.shape_cast %swap3A_188 : vector<1x16xi32> to vector<16xi32>
      %swap3A_190 = vector.shape_cast %add3A_184 : vector<16xi32> to vector<1x16xi32>
      tpu.vector_store %arg6[%swap3A_186, %swap3A_187], %swap3A_190 {strides = array<i32>} : memref<6x128xi32, #tpu.memory_space<vmem>>, vector<1x16xi32>,
      %add3A_191 = arith.constant 12582912 : i32
      %add3A_192 = vector.broadcast %add3A_191 : i32 to vector<16xi32>
      %add3A_193 = arith.addi %add3A_192, %get3A_4 : vector<16xi32>
      %add3A_194 = arith.constant 96 : i32
      %add3A_195 = vector.broadcast %add3A_194 : i32 to vector<16xi32>
      %add3A_196 = arith.addi %add3A_195, %iota3A : vector<16xi32>
      %mul3A_197 = arith.constant 16384 : i32
      %mul3A_198 = vector.broadcast %mul3A_197 : i32 to vector<16xi32>
      %mul3A_199 = arith.muli %add3A_196, %mul3A_198 : vector<16xi32>
      %add3A_200 = arith.addi %add3A_193, %mul3A_199 : vector<16xi32>
      %swap3A_201 = arith.constant 0 : i32
      %swap3A_202 = arith.index_cast %swap3A_201 : i32 to index
      %swap3A_203 = arith.constant 96 : index
      %swap3A_204 = tpu.vector_load %arg7[%swap3A_202, %swap3A_203] {strides = array<i32>} : memref<6x128xi32, #tpu.memory_space<vmem>>, vector<1x16xi32>,
      %swap3A_205 = vector.shape_cast %swap3A_204 : vector<1x16xi32> to vector<16xi32>
      %swap3A_206 = vector.shape_cast %add3A_200 : vector<16xi32> to vector<1x16xi32>
      tpu.vector_store %arg7[%swap3A_202, %swap3A_203], %swap3A_206 {strides = array<i32>} : memref<6x128xi32, #tpu.memory_space<vmem>>, vector<1x16xi32>,
      %add3A_207 = arith.constant 112 : i32
      %add3A_208 = vector.broadcast %add3A_207 : i32 to vector<16xi32>
      %add3A_209 = arith.addi %add3A_208, %iota3A : vector<16xi32>
      %mul3A_210 = arith.constant 16384 : i32
      %mul3A_211 = vector.broadcast %mul3A_210 : i32 to vector<16xi32>
      %mul3A_212 = arith.muli %add3A_209, %mul3A_211 : vector<16xi32>
      %add3A_213 = arith.addi %get3A_4, %mul3A_212 : vector<16xi32>
      %swap3A_214 = arith.constant 0 : i32
      %swap3A_215 = arith.index_cast %swap3A_214 : i32 to index
      %swap3A_216 = arith.constant 112 : index
      %swap3A_217 = tpu.vector_load %arg6[%swap3A_215, %swap3A_216] {strides = array<i32>} : memref<6x128xi32, #tpu.memory_space<vmem>>, vector<1x16xi32>,
      %swap3A_218 = vector.shape_cast %swap3A_217 : vector<1x16xi32> to vector<16xi32>
      %swap3A_219 = vector.shape_cast %add3A_213 : vector<16xi32> to vector<1x16xi32>
      tpu.vector_store %arg6[%swap3A_215, %swap3A_216], %swap3A_219 {strides = array<i32>} : memref<6x128xi32, #tpu.memory_space<vmem>>, vector<1x16xi32>,
      %add3A_220 = arith.constant 12582912 : i32
      %add3A_221 = vector.broadcast %add3A_220 : i32 to vector<16xi32>
      %add3A_222 = arith.addi %add3A_221, %get3A_4 : vector<16xi32>
      %add3A_223 = arith.constant 112 : i32
      %add3A_224 = vector.broadcast %add3A_223 : i32 to vector<16xi32>
      %add3A_225 = arith.addi %add3A_224, %iota3A : vector<16xi32>
      %mul3A_226 = arith.constant 16384 : i32
      %mul3A_227 = vector.broadcast %mul3A_226 : i32 to vector<16xi32>
      %mul3A_228 = arith.muli %add3A_225, %mul3A_227 : vector<16xi32>
      %add3A_229 = arith.addi %add3A_222, %mul3A_228 : vector<16xi32>
      %swap3A_230 = arith.constant 0 : i32
      %swap3A_231 = arith.index_cast %swap3A_230 : i32 to index
      %swap3A_232 = arith.constant 112 : index
      %swap3A_233 = tpu.vector_load %arg7[%swap3A_231, %swap3A_232] {strides = array<i32>} : memref<6x128xi32, #tpu.memory_space<vmem>>, vector<1x16xi32>,
      %swap3A_234 = vector.shape_cast %swap3A_233 : vector<1x16xi32> to vector<16xi32>
      %swap3A_235 = vector.shape_cast %add3A_229 : vector<16xi32> to vector<1x16xi32>
      tpu.vector_store %arg7[%swap3A_231, %swap3A_232], %swap3A_235 {strides = array<i32>} : memref<6x128xi32, #tpu.memory_space<vmem>>, vector<1x16xi32>,
      %add3A_236 = arith.constant 128 : i32
      %add3A_237 = vector.broadcast %add3A_236 : i32 to vector<16xi32>
      %add3A_238 = arith.addi %add3A_237, %iota3A : vector<16xi32>
      %mul3A_239 = arith.constant 16384 : i32
      %mul3A_240 = vector.broadcast %mul3A_239 : i32 to vector<16xi32>
      %mul3A_241 = arith.muli %add3A_238, %mul3A_240 : vector<16xi32>
      %add3A_242 = arith.addi %get3A_4, %mul3A_241 : vector<16xi32>
      %swap3A_243 = arith.constant 1 : i32
      %swap3A_244 = arith.index_cast %swap3A_243 : i32 to index
      %swap3A_245 = arith.constant 0 : index
      %swap3A_246 = tpu.vector_load %arg6[%swap3A_244, %swap3A_245] {strides = array<i32>} : memref<6x128xi32, #tpu.memory_space<vmem>>, vector<1x16xi32>,
      %swap3A_247 = vector.shape_cast %swap3A_246 : vector<1x16xi32> to vector<16xi32>
      %swap3A_248 = vector.shape_cast %add3A_242 : vector<16xi32> to vector<1x16xi32>
      tpu.vector_store %arg6[%swap3A_244, %swap3A_245], %swap3A_248 {strides = array<i32>} : memref<6x128xi32, #tpu.memory_space<vmem>>, vector<1x16xi32>,
      %add3A_249 = arith.constant 12582912 : i32
      %add3A_250 = vector.broadcast %add3A_249 : i32 to vector<16xi32>
      %add3A_251 = arith.addi %add3A_250, %get3A_4 : vector<16xi32>
      %add3A_252 = arith.constant 128 : i32
      %add3A_253 = vector.broadcast %add3A_252 : i32 to vector<16xi32>
      %add3A_254 = arith.addi %add3A_253, %iota3A : vector<16xi32>
      %mul3A_255 = arith.constant 16384 : i32
      %mul3A_256 = vector.broadcast %mul3A_255 : i32 to vector<16xi32>
      %mul3A_257 = arith.muli %add3A_254, %mul3A_256 : vector<16xi32>
      %add3A_258 = arith.addi %add3A_251, %mul3A_257 : vector<16xi32>
      %swap3A_259 = arith.constant 1 : i32
      %swap3A_260 = arith.index_cast %swap3A_259 : i32 to index
      %swap3A_261 = arith.constant 0 : index
      %swap3A_262 = tpu.vector_load %arg7[%swap3A_260, %swap3A_261] {strides = array<i32>} : memref<6x128xi32, #tpu.memory_space<vmem>>, vector<1x16xi32>,
      %swap3A_263 = vector.shape_cast %swap3A_262 : vector<1x16xi32> to vector<16xi32>
      %swap3A_264 = vector.shape_cast %add3A_258 : vector<16xi32> to vector<1x16xi32>
      tpu.vector_store %arg7[%swap3A_260, %swap3A_261], %swap3A_264 {strides = array<i32>} : memref<6x128xi32, #tpu.memory_space<vmem>>, vector<1x16xi32>,
      %add3A_265 = arith.constant 144 : i32
      %add3A_266 = vector.broadcast %add3A_265 : i32 to vector<16xi32>
      %add3A_267 = arith.addi %add3A_266, %iota3A : vector<16xi32>
      %mul3A_268 = arith.constant 16384 : i32
      %mul3A_269 = vector.broadcast %mul3A_268 : i32 to vector<16xi32>
      %mul3A_270 = arith.muli %add3A_267, %mul3A_269 : vector<16xi32>
      %add3A_271 = arith.addi %get3A_4, %mul3A_270 : vector<16xi32>
      %swap3A_272 = arith.constant 1 : i32
      %swap3A_273 = arith.index_cast %swap3A_272 : i32 to index
      %swap3A_274 = arith.constant 16 : index
      %swap3A_275 = tpu.vector_load %arg6[%swap3A_273, %swap3A_274] {strides = array<i32>} : memref<6x128xi32, #tpu.memory_space<vmem>>, vector<1x16xi32>,
      %swap3A_276 = vector.shape_cast %swap3A_275 : vector<1x16xi32> to vector<16xi32>
      %swap3A_277 = vector.shape_cast %add3A_271 : vector<16xi32> to vector<1x16xi32>
      tpu.vector_store %arg6[%swap3A_273, %swap3A_274], %swap3A_277 {strides = array<i32>} : memref<6x128xi32, #tpu.memory_space<vmem>>, vector<1x16xi32>,
      %add3A_278 = arith.constant 12582912 : i32
      %add3A_279 = vector.broadcast %add3A_278 : i32 to vector<16xi32>
      %add3A_280 = arith.addi %add3A_279, %get3A_4 : vector<16xi32>
      %add3A_281 = arith.constant 144 : i32
      %add3A_282 = vector.broadcast %add3A_281 : i32 to vector<16xi32>
      %add3A_283 = arith.addi %add3A_282, %iota3A : vector<16xi32>
      %mul3A_284 = arith.constant 16384 : i32
      %mul3A_285 = vector.broadcast %mul3A_284 : i32 to vector<16xi32>
      %mul3A_286 = arith.muli %add3A_283, %mul3A_285 : vector<16xi32>
      %add3A_287 = arith.addi %add3A_280, %mul3A_286 : vector<16xi32>
      %swap3A_288 = arith.constant 1 : i32
      %swap3A_289 = arith.index_cast %swap3A_288 : i32 to index
      %swap3A_290 = arith.constant 16 : index
      %swap3A_291 = tpu.vector_load %arg7[%swap3A_289, %swap3A_290] {strides = array<i32>} : memref<6x128xi32, #tpu.memory_space<vmem>>, vector<1x16xi32>,
      %swap3A_292 = vector.shape_cast %swap3A_291 : vector<1x16xi32> to vector<16xi32>
      %swap3A_293 = vector.shape_cast %add3A_287 : vector<16xi32> to vector<1x16xi32>
      tpu.vector_store %arg7[%swap3A_289, %swap3A_290], %swap3A_293 {strides = array<i32>} : memref<6x128xi32, #tpu.memory_space<vmem>>, vector<1x16xi32>,
      %add3A_294 = arith.constant 160 : i32
      %add3A_295 = vector.broadcast %add3A_294 : i32 to vector<16xi32>
      %add3A_296 = arith.addi %add3A_295, %iota3A : vector<16xi32>
      %mul3A_297 = arith.constant 16384 : i32
      %mul3A_298 = vector.broadcast %mul3A_297 : i32 to vector<16xi32>
      %mul3A_299 = arith.muli %add3A_296, %mul3A_298 : vector<16xi32>
      %add3A_300 = arith.addi %get3A_4, %mul3A_299 : vector<16xi32>
      %swap3A_301 = arith.constant 1 : i32
      %swap3A_302 = arith.index_cast %swap3A_301 : i32 to index
      %swap3A_303 = arith.constant 32 : index
      %swap3A_304 = tpu.vector_load %arg6[%swap3A_302, %swap3A_303] {strides = array<i32>} : memref<6x128xi32, #tpu.memory_space<vmem>>, vector<1x16xi32>,
      %swap3A_305 = vector.shape_cast %swap3A_304 : vector<1x16xi32> to vector<16xi32>
      %swap3A_306 = vector.shape_cast %add3A_300 : vector<16xi32> to vector<1x16xi32>
      tpu.vector_store %arg6[%swap3A_302, %swap3A_303], %swap3A_306 {strides = array<i32>} : memref<6x128xi32, #tpu.memory_space<vmem>>, vector<1x16xi32>,
      %add3A_307 = arith.constant 12582912 : i32
      %add3A_308 = vector.broadcast %add3A_307 : i32 to vector<16xi32>
      %add3A_309 = arith.addi %add3A_308, %get3A_4 : vector<16xi32>
      %add3A_310 = arith.constant 160 : i32
      %add3A_311 = vector.broadcast %add3A_310 : i32 to vector<16xi32>
      %add3A_312 = arith.addi %add3A_311, %iota3A : vector<16xi32>
      %mul3A_313 = arith.constant 16384 : i32
      %mul3A_314 = vector.broadcast %mul3A_313 : i32 to vector<16xi32>
      %mul3A_315 = arith.muli %add3A_312, %mul3A_314 : vector<16xi32>
      %add3A_316 = arith.addi %add3A_309, %mul3A_315 : vector<16xi32>
      %swap3A_317 = arith.constant 1 : i32
      %swap3A_318 = arith.index_cast %swap3A_317 : i32 to index
      %swap3A_319 = arith.constant 32 : index
      %swap3A_320 = tpu.vector_load %arg7[%swap3A_318, %swap3A_319] {strides = array<i32>} : memref<6x128xi32, #tpu.memory_space<vmem>>, vector<1x16xi32>,
      %swap3A_321 = vector.shape_cast %swap3A_320 : vector<1x16xi32> to vector<16xi32>
      %swap3A_322 = vector.shape_cast %add3A_316 : vector<16xi32> to vector<1x16xi32>
      tpu.vector_store %arg7[%swap3A_318, %swap3A_319], %swap3A_322 {strides = array<i32>} : memref<6x128xi32, #tpu.memory_space<vmem>>, vector<1x16xi32>,
      %add3A_323 = arith.constant 176 : i32
      %add3A_324 = vector.broadcast %add3A_323 : i32 to vector<16xi32>
      %add3A_325 = arith.addi %add3A_324, %iota3A : vector<16xi32>
      %mul3A_326 = arith.constant 16384 : i32
      %mul3A_327 = vector.broadcast %mul3A_326 : i32 to vector<16xi32>
      %mul3A_328 = arith.muli %add3A_325, %mul3A_327 : vector<16xi32>
      %add3A_329 = arith.addi %get3A_4, %mul3A_328 : vector<16xi32>
      %swap3A_330 = arith.constant 1 : i32
      %swap3A_331 = arith.index_cast %swap3A_330 : i32 to index
      %swap3A_332 = arith.constant 48 : index
      %swap3A_333 = tpu.vector_load %arg6[%swap3A_331, %swap3A_332] {strides = array<i32>} : memref<6x128xi32, #tpu.memory_space<vmem>>, vector<1x16xi32>,
      %swap3A_334 = vector.shape_cast %swap3A_333 : vector<1x16xi32> to vector<16xi32>
      %swap3A_335 = vector.shape_cast %add3A_329 : vector<16xi32> to vector<1x16xi32>
      tpu.vector_store %arg6[%swap3A_331, %swap3A_332], %swap3A_335 {strides = array<i32>} : memref<6x128xi32, #tpu.memory_space<vmem>>, vector<1x16xi32>,
      %add3A_336 = arith.constant 12582912 : i32
      %add3A_337 = vector.broadcast %add3A_336 : i32 to vector<16xi32>
      %add3A_338 = arith.addi %add3A_337, %get3A_4 : vector<16xi32>
      %add3A_339 = arith.constant 176 : i32
      %add3A_340 = vector.broadcast %add3A_339 : i32 to vector<16xi32>
      %add3A_341 = arith.addi %add3A_340, %iota3A : vector<16xi32>
      %mul3A_342 = arith.constant 16384 : i32
      %mul3A_343 = vector.broadcast %mul3A_342 : i32 to vector<16xi32>
      %mul3A_344 = arith.muli %add3A_341, %mul3A_343 : vector<16xi32>
      %add3A_345 = arith.addi %add3A_338, %mul3A_344 : vector<16xi32>
      %swap3A_346 = arith.constant 1 : i32
      %swap3A_347 = arith.index_cast %swap3A_346 : i32 to index
      %swap3A_348 = arith.constant 48 : index
      %swap3A_349 = tpu.vector_load %arg7[%swap3A_347, %swap3A_348] {strides = array<i32>} : memref<6x128xi32, #tpu.memory_space<vmem>>, vector<1x16xi32>,
      %swap3A_350 = vector.shape_cast %swap3A_349 : vector<1x16xi32> to vector<16xi32>
      %swap3A_351 = vector.shape_cast %add3A_345 : vector<16xi32> to vector<1x16xi32>
      tpu.vector_store %arg7[%swap3A_347, %swap3A_348], %swap3A_351 {strides = array<i32>} : memref<6x128xi32, #tpu.memory_space<vmem>>, vector<1x16xi32>,
      %add3A_352 = arith.constant 192 : i32
      %add3A_353 = vector.broadcast %add3A_352 : i32 to vector<16xi32>
      %add3A_354 = arith.addi %add3A_353, %iota3A : vector<16xi32>
      %mul3A_355 = arith.constant 16384 : i32
      %mul3A_356 = vector.broadcast %mul3A_355 : i32 to vector<16xi32>
      %mul3A_357 = arith.muli %add3A_354, %mul3A_356 : vector<16xi32>
      %add3A_358 = arith.addi %get3A_4, %mul3A_357 : vector<16xi32>
      %swap3A_359 = arith.constant 1 : i32
      %swap3A_360 = arith.index_cast %swap3A_359 : i32 to index
      %swap3A_361 = arith.constant 64 : index
      %swap3A_362 = tpu.vector_load %arg6[%swap3A_360, %swap3A_361] {strides = array<i32>} : memref<6x128xi32, #tpu.memory_space<vmem>>, vector<1x16xi32>,
      %swap3A_363 = vector.shape_cast %swap3A_362 : vector<1x16xi32> to vector<16xi32>
      %swap3A_364 = vector.shape_cast %add3A_358 : vector<16xi32> to vector<1x16xi32>
      tpu.vector_store %arg6[%swap3A_360, %swap3A_361], %swap3A_364 {strides = array<i32>} : memref<6x128xi32, #tpu.memory_space<vmem>>, vector<1x16xi32>,
      %add3A_365 = arith.constant 12582912 : i32
      %add3A_366 = vector.broadcast %add3A_365 : i32 to vector<16xi32>
      %add3A_367 = arith.addi %add3A_366, %get3A_4 : vector<16xi32>
      %add3A_368 = arith.constant 192 : i32
      %add3A_369 = vector.broadcast %add3A_368 : i32 to vector<16xi32>
      %add3A_370 = arith.addi %add3A_369, %iota3A : vector<16xi32>
      %mul3A_371 = arith.constant 16384 : i32
      %mul3A_372 = vector.broadcast %mul3A_371 : i32 to vector<16xi32>
      %mul3A_373 = arith.muli %add3A_370, %mul3A_372 : vector<16xi32>
      %add3A_374 = arith.addi %add3A_367, %mul3A_373 : vector<16xi32>
      %swap3A_375 = arith.constant 1 : i32
      %swap3A_376 = arith.index_cast %swap3A_375 : i32 to index
      %swap3A_377 = arith.constant 64 : index
      %swap3A_378 = tpu.vector_load %arg7[%swap3A_376, %swap3A_377] {strides = array<i32>} : memref<6x128xi32, #tpu.memory_space<vmem>>, vector<1x16xi32>,
      %swap3A_379 = vector.shape_cast %swap3A_378 : vector<1x16xi32> to vector<16xi32>
      %swap3A_380 = vector.shape_cast %add3A_374 : vector<16xi32> to vector<1x16xi32>
      tpu.vector_store %arg7[%swap3A_376, %swap3A_377], %swap3A_380 {strides = array<i32>} : memref<6x128xi32, #tpu.memory_space<vmem>>, vector<1x16xi32>,
      %add3A_381 = arith.constant 208 : i32
      %add3A_382 = vector.broadcast %add3A_381 : i32 to vector<16xi32>
      %add3A_383 = arith.addi %add3A_382, %iota3A : vector<16xi32>
      %mul3A_384 = arith.constant 16384 : i32
      %mul3A_385 = vector.broadcast %mul3A_384 : i32 to vector<16xi32>
      %mul3A_386 = arith.muli %add3A_383, %mul3A_385 : vector<16xi32>
      %add3A_387 = arith.addi %get3A_4, %mul3A_386 : vector<16xi32>
      %swap3A_388 = arith.constant 1 : i32
      %swap3A_389 = arith.index_cast %swap3A_388 : i32 to index
      %swap3A_390 = arith.constant 80 : index
      %swap3A_391 = tpu.vector_load %arg6[%swap3A_389, %swap3A_390] {strides = array<i32>} : memref<6x128xi32, #tpu.memory_space<vmem>>, vector<1x16xi32>,
      %swap3A_392 = vector.shape_cast %swap3A_391 : vector<1x16xi32> to vector<16xi32>
      %swap3A_393 = vector.shape_cast %add3A_387 : vector<16xi32> to vector<1x16xi32>
      tpu.vector_store %arg6[%swap3A_389, %swap3A_390], %swap3A_393 {strides = array<i32>} : memref<6x128xi32, #tpu.memory_space<vmem>>, vector<1x16xi32>,
      %add3A_394 = arith.constant 12582912 : i32
      %add3A_395 = vector.broadcast %add3A_394 : i32 to vector<16xi32>
      %add3A_396 = arith.addi %add3A_395, %get3A_4 : vector<16xi32>
      %add3A_397 = arith.constant 208 : i32
      %add3A_398 = vector.broadcast %add3A_397 : i32 to vector<16xi32>
      %add3A_399 = arith.addi %add3A_398, %iota3A : vector<16xi32>
      %mul3A_400 = arith.constant 16384 : i32
      %mul3A_401 = vector.broadcast %mul3A_400 : i32 to vector<16xi32>
      %mul3A_402 = arith.muli %add3A_399, %mul3A_401 : vector<16xi32>
      %add3A_403 = arith.addi %add3A_396, %mul3A_402 : vector<16xi32>
      %swap3A_404 = arith.constant 1 : i32
      %swap3A_405 = arith.index_cast %swap3A_404 : i32 to index
      %swap3A_406 = arith.constant 80 : index
      %swap3A_407 = tpu.vector_load %arg7[%swap3A_405, %swap3A_406] {strides = array<i32>} : memref<6x128xi32, #tpu.memory_space<vmem>>, vector<1x16xi32>,
      %swap3A_408 = vector.shape_cast %swap3A_407 : vector<1x16xi32> to vector<16xi32>
      %swap3A_409 = vector.shape_cast %add3A_403 : vector<16xi32> to vector<1x16xi32>
      tpu.vector_store %arg7[%swap3A_405, %swap3A_406], %swap3A_409 {strides = array<i32>} : memref<6x128xi32, #tpu.memory_space<vmem>>, vector<1x16xi32>,
      %add3A_410 = arith.constant 224 : i32
      %add3A_411 = vector.broadcast %add3A_410 : i32 to vector<16xi32>
      %add3A_412 = arith.addi %add3A_411, %iota3A : vector<16xi32>
      %mul3A_413 = arith.constant 16384 : i32
      %mul3A_414 = vector.broadcast %mul3A_413 : i32 to vector<16xi32>
      %mul3A_415 = arith.muli %add3A_412, %mul3A_414 : vector<16xi32>
      %add3A_416 = arith.addi %get3A_4, %mul3A_415 : vector<16xi32>
      %swap3A_417 = arith.constant 1 : i32
      %swap3A_418 = arith.index_cast %swap3A_417 : i32 to index
      %swap3A_419 = arith.constant 96 : index
      %swap3A_420 = tpu.vector_load %arg6[%swap3A_418, %swap3A_419] {strides = array<i32>} : memref<6x128xi32, #tpu.memory_space<vmem>>, vector<1x16xi32>,
      %swap3A_421 = vector.shape_cast %swap3A_420 : vector<1x16xi32> to vector<16xi32>
      %swap3A_422 = vector.shape_cast %add3A_416 : vector<16xi32> to vector<1x16xi32>
      tpu.vector_store %arg6[%swap3A_418, %swap3A_419], %swap3A_422 {strides = array<i32>} : memref<6x128xi32, #tpu.memory_space<vmem>>, vector<1x16xi32>,
      %add3A_423 = arith.constant 12582912 : i32
      %add3A_424 = vector.broadcast %add3A_423 : i32 to vector<16xi32>
      %add3A_425 = arith.addi %add3A_424, %get3A_4 : vector<16xi32>
      %add3A_426 = arith.constant 224 : i32
      %add3A_427 = vector.broadcast %add3A_426 : i32 to vector<16xi32>
      %add3A_428 = arith.addi %add3A_427, %iota3A : vector<16xi32>
      %mul3A_429 = arith.constant 16384 : i32
      %mul3A_430 = vector.broadcast %mul3A_429 : i32 to vector<16xi32>
      %mul3A_431 = arith.muli %add3A_428, %mul3A_430 : vector<16xi32>
      %add3A_432 = arith.addi %add3A_425, %mul3A_431 : vector<16xi32>
      %swap3A_433 = arith.constant 1 : i32
      %swap3A_434 = arith.index_cast %swap3A_433 : i32 to index
      %swap3A_435 = arith.constant 96 : index
      %swap3A_436 = tpu.vector_load %arg7[%swap3A_434, %swap3A_435] {strides = array<i32>} : memref<6x128xi32, #tpu.memory_space<vmem>>, vector<1x16xi32>,
      %swap3A_437 = vector.shape_cast %swap3A_436 : vector<1x16xi32> to vector<16xi32>
      %swap3A_438 = vector.shape_cast %add3A_432 : vector<16xi32> to vector<1x16xi32>
      tpu.vector_store %arg7[%swap3A_434, %swap3A_435], %swap3A_438 {strides = array<i32>} : memref<6x128xi32, #tpu.memory_space<vmem>>, vector<1x16xi32>,
      %add3A_439 = arith.constant 240 : i32
      %add3A_440 = vector.broadcast %add3A_439 : i32 to vector<16xi32>
      %add3A_441 = arith.addi %add3A_440, %iota3A : vector<16xi32>
      %mul3A_442 = arith.constant 16384 : i32
      %mul3A_443 = vector.broadcast %mul3A_442 : i32 to vector<16xi32>
      %mul3A_444 = arith.muli %add3A_441, %mul3A_443 : vector<16xi32>
      %add3A_445 = arith.addi %get3A_4, %mul3A_444 : vector<16xi32>
      %swap3A_446 = arith.constant 1 : i32
      %swap3A_447 = arith.index_cast %swap3A_446 : i32 to index
      %swap3A_448 = arith.constant 112 : index
      %swap3A_449 = tpu.vector_load %arg6[%swap3A_447, %swap3A_448] {strides = array<i32>} : memref<6x128xi32, #tpu.memory_space<vmem>>, vector<1x16xi32>,
      %swap3A_450 = vector.shape_cast %swap3A_449 : vector<1x16xi32> to vector<16xi32>
      %swap3A_451 = vector.shape_cast %add3A_445 : vector<16xi32> to vector<1x16xi32>
      tpu.vector_store %arg6[%swap3A_447, %swap3A_448], %swap3A_451 {strides = array<i32>} : memref<6x128xi32, #tpu.memory_space<vmem>>, vector<1x16xi32>,
      %add3A_452 = arith.constant 12582912 : i32
      %add3A_453 = vector.broadcast %add3A_452 : i32 to vector<16xi32>
      %add3A_454 = arith.addi %add3A_453, %get3A_4 : vector<16xi32>
      %add3A_455 = arith.constant 240 : i32
      %add3A_456 = vector.broadcast %add3A_455 : i32 to vector<16xi32>
      %add3A_457 = arith.addi %add3A_456, %iota3A : vector<16xi32>
      %mul3A_458 = arith.constant 16384 : i32
      %mul3A_459 = vector.broadcast %mul3A_458 : i32 to vector<16xi32>
      %mul3A_460 = arith.muli %add3A_457, %mul3A_459 : vector<16xi32>
      %add3A_461 = arith.addi %add3A_454, %mul3A_460 : vector<16xi32>
      %swap3A_462 = arith.constant 1 : i32
      %swap3A_463 = arith.index_cast %swap3A_462 : i32 to index
      %swap3A_464 = arith.constant 112 : index
      %swap3A_465 = tpu.vector_load %arg7[%swap3A_463, %swap3A_464] {strides = array<i32>} : memref<6x128xi32, #tpu.memory_space<vmem>>, vector<1x16xi32>,
      %swap3A_466 = vector.shape_cast %swap3A_465 : vector<1x16xi32> to vector<16xi32>
      %swap3A_467 = vector.shape_cast %add3A_461 : vector<16xi32> to vector<1x16xi32>
      tpu.vector_store %arg7[%swap3A_463, %swap3A_464], %swap3A_467 {strides = array<i32>} : memref<6x128xi32, #tpu.memory_space<vmem>>, vector<1x16xi32>,
      %add3A_468 = arith.constant 256 : i32
      %add3A_469 = vector.broadcast %add3A_468 : i32 to vector<16xi32>
      %add3A_470 = arith.addi %add3A_469, %iota3A : vector<16xi32>
      %mul3A_471 = arith.constant 16384 : i32
      %mul3A_472 = vector.broadcast %mul3A_471 : i32 to vector<16xi32>
      %mul3A_473 = arith.muli %add3A_470, %mul3A_472 : vector<16xi32>
      %add3A_474 = arith.addi %get3A_4, %mul3A_473 : vector<16xi32>
      %swap3A_475 = arith.constant 2 : i32
      %swap3A_476 = arith.index_cast %swap3A_475 : i32 to index
      %swap3A_477 = arith.constant 0 : index
      %swap3A_478 = tpu.vector_load %arg6[%swap3A_476, %swap3A_477] {strides = array<i32>} : memref<6x128xi32, #tpu.memory_space<vmem>>, vector<1x16xi32>,
      %swap3A_479 = vector.shape_cast %swap3A_478 : vector<1x16xi32> to vector<16xi32>
      %swap3A_480 = vector.shape_cast %add3A_474 : vector<16xi32> to vector<1x16xi32>
      tpu.vector_store %arg6[%swap3A_476, %swap3A_477], %swap3A_480 {strides = array<i32>} : memref<6x128xi32, #tpu.memory_space<vmem>>, vector<1x16xi32>,
      %add3A_481 = arith.constant 12582912 : i32
      %add3A_482 = vector.broadcast %add3A_481 : i32 to vector<16xi32>
      %add3A_483 = arith.addi %add3A_482, %get3A_4 : vector<16xi32>
      %add3A_484 = arith.constant 256 : i32
      %add3A_485 = vector.broadcast %add3A_484 : i32 to vector<16xi32>
      %add3A_486 = arith.addi %add3A_485, %iota3A : vector<16xi32>
      %mul3A_487 = arith.constant 16384 : i32
      %mul3A_488 = vector.broadcast %mul3A_487 : i32 to vector<16xi32>
      %mul3A_489 = arith.muli %add3A_486, %mul3A_488 : vector<16xi32>
      %add3A_490 = arith.addi %add3A_483, %mul3A_489 : vector<16xi32>
      %swap3A_491 = arith.constant 2 : i32
      %swap3A_492 = arith.index_cast %swap3A_491 : i32 to index
      %swap3A_493 = arith.constant 0 : index
      %swap3A_494 = tpu.vector_load %arg7[%swap3A_492, %swap3A_493] {strides = array<i32>} : memref<6x128xi32, #tpu.memory_space<vmem>>, vector<1x16xi32>,
      %swap3A_495 = vector.shape_cast %swap3A_494 : vector<1x16xi32> to vector<16xi32>
      %swap3A_496 = vector.shape_cast %add3A_490 : vector<16xi32> to vector<1x16xi32>
      tpu.vector_store %arg7[%swap3A_492, %swap3A_493], %swap3A_496 {strides = array<i32>} : memref<6x128xi32, #tpu.memory_space<vmem>>, vector<1x16xi32>,
      %add3A_497 = arith.constant 272 : i32
      %add3A_498 = vector.broadcast %add3A_497 : i32 to vector<16xi32>
      %add3A_499 = arith.addi %add3A_498, %iota3A : vector<16xi32>
      %mul3A_500 = arith.constant 16384 : i32
      %mul3A_501 = vector.broadcast %mul3A_500 : i32 to vector<16xi32>
      %mul3A_502 = arith.muli %add3A_499, %mul3A_501 : vector<16xi32>
      %add3A_503 = arith.addi %get3A_4, %mul3A_502 : vector<16xi32>
      %swap3A_504 = arith.constant 2 : i32
      %swap3A_505 = arith.index_cast %swap3A_504 : i32 to index
      %swap3A_506 = arith.constant 16 : index
      %swap3A_507 = tpu.vector_load %arg6[%swap3A_505, %swap3A_506] {strides = array<i32>} : memref<6x128xi32, #tpu.memory_space<vmem>>, vector<1x16xi32>,
      %swap3A_508 = vector.shape_cast %swap3A_507 : vector<1x16xi32> to vector<16xi32>
      %swap3A_509 = vector.shape_cast %add3A_503 : vector<16xi32> to vector<1x16xi32>
      tpu.vector_store %arg6[%swap3A_505, %swap3A_506], %swap3A_509 {strides = array<i32>} : memref<6x128xi32, #tpu.memory_space<vmem>>, vector<1x16xi32>,
      %add3A_510 = arith.constant 12582912 : i32
      %add3A_511 = vector.broadcast %add3A_510 : i32 to vector<16xi32>
      %add3A_512 = arith.addi %add3A_511, %get3A_4 : vector<16xi32>
      %add3A_513 = arith.constant 272 : i32
      %add3A_514 = vector.broadcast %add3A_513 : i32 to vector<16xi32>
      %add3A_515 = arith.addi %add3A_514, %iota3A : vector<16xi32>
      %mul3A_516 = arith.constant 16384 : i32
      %mul3A_517 = vector.broadcast %mul3A_516 : i32 to vector<16xi32>
      %mul3A_518 = arith.muli %add3A_515, %mul3A_517 : vector<16xi32>
      %add3A_519 = arith.addi %add3A_512, %mul3A_518 : vector<16xi32>
      %swap3A_520 = arith.constant 2 : i32
      %swap3A_521 = arith.index_cast %swap3A_520 : i32 to index
      %swap3A_522 = arith.constant 16 : index
      %swap3A_523 = tpu.vector_load %arg7[%swap3A_521, %swap3A_522] {strides = array<i32>} : memref<6x128xi32, #tpu.memory_space<vmem>>, vector<1x16xi32>,
      %swap3A_524 = vector.shape_cast %swap3A_523 : vector<1x16xi32> to vector<16xi32>
      %swap3A_525 = vector.shape_cast %add3A_519 : vector<16xi32> to vector<1x16xi32>
      tpu.vector_store %arg7[%swap3A_521, %swap3A_522], %swap3A_525 {strides = array<i32>} : memref<6x128xi32, #tpu.memory_space<vmem>>, vector<1x16xi32>,
      %add3A_526 = arith.constant 288 : i32
      %add3A_527 = vector.broadcast %add3A_526 : i32 to vector<16xi32>
      %add3A_528 = arith.addi %add3A_527, %iota3A : vector<16xi32>
      %mul3A_529 = arith.constant 16384 : i32
      %mul3A_530 = vector.broadcast %mul3A_529 : i32 to vector<16xi32>
      %mul3A_531 = arith.muli %add3A_528, %mul3A_530 : vector<16xi32>
      %add3A_532 = arith.addi %get3A_4, %mul3A_531 : vector<16xi32>
      %swap3A_533 = arith.constant 2 : i32
      %swap3A_534 = arith.index_cast %swap3A_533 : i32 to index
      %swap3A_535 = arith.constant 32 : index
      %swap3A_536 = tpu.vector_load %arg6[%swap3A_534, %swap3A_535] {strides = array<i32>} : memref<6x128xi32, #tpu.memory_space<vmem>>, vector<1x16xi32>,
      %swap3A_537 = vector.shape_cast %swap3A_536 : vector<1x16xi32> to vector<16xi32>
      %swap3A_538 = vector.shape_cast %add3A_532 : vector<16xi32> to vector<1x16xi32>
      tpu.vector_store %arg6[%swap3A_534, %swap3A_535], %swap3A_538 {strides = array<i32>} : memref<6x128xi32, #tpu.memory_space<vmem>>, vector<1x16xi32>,
      %add3A_539 = arith.constant 12582912 : i32
      %add3A_540 = vector.broadcast %add3A_539 : i32 to vector<16xi32>
      %add3A_541 = arith.addi %add3A_540, %get3A_4 : vector<16xi32>
      %add3A_542 = arith.constant 288 : i32
      %add3A_543 = vector.broadcast %add3A_542 : i32 to vector<16xi32>
      %add3A_544 = arith.addi %add3A_543, %iota3A : vector<16xi32>
      %mul3A_545 = arith.constant 16384 : i32
      %mul3A_546 = vector.broadcast %mul3A_545 : i32 to vector<16xi32>
      %mul3A_547 = arith.muli %add3A_544, %mul3A_546 : vector<16xi32>
      %add3A_548 = arith.addi %add3A_541, %mul3A_547 : vector<16xi32>
      %swap3A_549 = arith.constant 2 : i32
      %swap3A_550 = arith.index_cast %swap3A_549 : i32 to index
      %swap3A_551 = arith.constant 32 : index
      %swap3A_552 = tpu.vector_load %arg7[%swap3A_550, %swap3A_551] {strides = array<i32>} : memref<6x128xi32, #tpu.memory_space<vmem>>, vector<1x16xi32>,
      %swap3A_553 = vector.shape_cast %swap3A_552 : vector<1x16xi32> to vector<16xi32>
      %swap3A_554 = vector.shape_cast %add3A_548 : vector<16xi32> to vector<1x16xi32>
      tpu.vector_store %arg7[%swap3A_550, %swap3A_551], %swap3A_554 {strides = array<i32>} : memref<6x128xi32, #tpu.memory_space<vmem>>, vector<1x16xi32>,
      %add3A_555 = arith.constant 304 : i32
      %add3A_556 = vector.broadcast %add3A_555 : i32 to vector<16xi32>
      %add3A_557 = arith.addi %add3A_556, %iota3A : vector<16xi32>
      %mul3A_558 = arith.constant 16384 : i32
      %mul3A_559 = vector.broadcast %mul3A_558 : i32 to vector<16xi32>
      %mul3A_560 = arith.muli %add3A_557, %mul3A_559 : vector<16xi32>
      %add3A_561 = arith.addi %get3A_4, %mul3A_560 : vector<16xi32>
      %swap3A_562 = arith.constant 2 : i32
      %swap3A_563 = arith.index_cast %swap3A_562 : i32 to index
      %swap3A_564 = arith.constant 48 : index
      %swap3A_565 = tpu.vector_load %arg6[%swap3A_563, %swap3A_564] {strides = array<i32>} : memref<6x128xi32, #tpu.memory_space<vmem>>, vector<1x16xi32>,
      %swap3A_566 = vector.shape_cast %swap3A_565 : vector<1x16xi32> to vector<16xi32>
      %swap3A_567 = vector.shape_cast %add3A_561 : vector<16xi32> to vector<1x16xi32>
      tpu.vector_store %arg6[%swap3A_563, %swap3A_564], %swap3A_567 {strides = array<i32>} : memref<6x128xi32, #tpu.memory_space<vmem>>, vector<1x16xi32>,
      %add3A_568 = arith.constant 12582912 : i32
      %add3A_569 = vector.broadcast %add3A_568 : i32 to vector<16xi32>
      %add3A_570 = arith.addi %add3A_569, %get3A_4 : vector<16xi32>
      %add3A_571 = arith.constant 304 : i32
      %add3A_572 = vector.broadcast %add3A_571 : i32 to vector<16xi32>
      %add3A_573 = arith.addi %add3A_572, %iota3A : vector<16xi32>
      %mul3A_574 = arith.constant 16384 : i32
      %mul3A_575 = vector.broadcast %mul3A_574 : i32 to vector<16xi32>
      %mul3A_576 = arith.muli %add3A_573, %mul3A_575 : vector<16xi32>
      %add3A_577 = arith.addi %add3A_570, %mul3A_576 : vector<16xi32>
      %swap3A_578 = arith.constant 2 : i32
      %swap3A_579 = arith.index_cast %swap3A_578 : i32 to index
      %swap3A_580 = arith.constant 48 : index
      %swap3A_581 = tpu.vector_load %arg7[%swap3A_579, %swap3A_580] {strides = array<i32>} : memref<6x128xi32, #tpu.memory_space<vmem>>, vector<1x16xi32>,
      %swap3A_582 = vector.shape_cast %swap3A_581 : vector<1x16xi32> to vector<16xi32>
      %swap3A_583 = vector.shape_cast %add3A_577 : vector<16xi32> to vector<1x16xi32>
      tpu.vector_store %arg7[%swap3A_579, %swap3A_580], %swap3A_583 {strides = array<i32>} : memref<6x128xi32, #tpu.memory_space<vmem>>, vector<1x16xi32>,
      %add3A_584 = arith.constant 320 : i32
      %add3A_585 = vector.broadcast %add3A_584 : i32 to vector<16xi32>
      %add3A_586 = arith.addi %add3A_585, %iota3A : vector<16xi32>
      %mul3A_587 = arith.constant 16384 : i32
      %mul3A_588 = vector.broadcast %mul3A_587 : i32 to vector<16xi32>
      %mul3A_589 = arith.muli %add3A_586, %mul3A_588 : vector<16xi32>
      %add3A_590 = arith.addi %get3A_4, %mul3A_589 : vector<16xi32>
      %swap3A_591 = arith.constant 2 : i32
      %swap3A_592 = arith.index_cast %swap3A_591 : i32 to index
      %swap3A_593 = arith.constant 64 : index
      %swap3A_594 = tpu.vector_load %arg6[%swap3A_592, %swap3A_593] {strides = array<i32>} : memref<6x128xi32, #tpu.memory_space<vmem>>, vector<1x16xi32>,
      %swap3A_595 = vector.shape_cast %swap3A_594 : vector<1x16xi32> to vector<16xi32>
      %swap3A_596 = vector.shape_cast %add3A_590 : vector<16xi32> to vector<1x16xi32>
      tpu.vector_store %arg6[%swap3A_592, %swap3A_593], %swap3A_596 {strides = array<i32>} : memref<6x128xi32, #tpu.memory_space<vmem>>, vector<1x16xi32>,
      %add3A_597 = arith.constant 12582912 : i32
      %add3A_598 = vector.broadcast %add3A_597 : i32 to vector<16xi32>
      %add3A_599 = arith.addi %add3A_598, %get3A_4 : vector<16xi32>
      %add3A_600 = arith.constant 320 : i32
      %add3A_601 = vector.broadcast %add3A_600 : i32 to vector<16xi32>
      %add3A_602 = arith.addi %add3A_601, %iota3A : vector<16xi32>
      %mul3A_603 = arith.constant 16384 : i32
      %mul3A_604 = vector.broadcast %mul3A_603 : i32 to vector<16xi32>
      %mul3A_605 = arith.muli %add3A_602, %mul3A_604 : vector<16xi32>
      %add3A_606 = arith.addi %add3A_599, %mul3A_605 : vector<16xi32>
      %swap3A_607 = arith.constant 2 : i32
      %swap3A_608 = arith.index_cast %swap3A_607 : i32 to index
      %swap3A_609 = arith.constant 64 : index
      %swap3A_610 = tpu.vector_load %arg7[%swap3A_608, %swap3A_609] {strides = array<i32>} : memref<6x128xi32, #tpu.memory_space<vmem>>, vector<1x16xi32>,
      %swap3A_611 = vector.shape_cast %swap3A_610 : vector<1x16xi32> to vector<16xi32>
      %swap3A_612 = vector.shape_cast %add3A_606 : vector<16xi32> to vector<1x16xi32>
      tpu.vector_store %arg7[%swap3A_608, %swap3A_609], %swap3A_612 {strides = array<i32>} : memref<6x128xi32, #tpu.memory_space<vmem>>, vector<1x16xi32>,
      %add3A_613 = arith.constant 336 : i32
      %add3A_614 = vector.broadcast %add3A_613 : i32 to vector<16xi32>
      %add3A_615 = arith.addi %add3A_614, %iota3A : vector<16xi32>
      %mul3A_616 = arith.constant 16384 : i32
      %mul3A_617 = vector.broadcast %mul3A_616 : i32 to vector<16xi32>
      %mul3A_618 = arith.muli %add3A_615, %mul3A_617 : vector<16xi32>
      %add3A_619 = arith.addi %get3A_4, %mul3A_618 : vector<16xi32>
      %swap3A_620 = arith.constant 2 : i32
      %swap3A_621 = arith.index_cast %swap3A_620 : i32 to index
      %swap3A_622 = arith.constant 80 : index
      %swap3A_623 = tpu.vector_load %arg6[%swap3A_621, %swap3A_622] {strides = array<i32>} : memref<6x128xi32, #tpu.memory_space<vmem>>, vector<1x16xi32>,
      %swap3A_624 = vector.shape_cast %swap3A_623 : vector<1x16xi32> to vector<16xi32>
      %swap3A_625 = vector.shape_cast %add3A_619 : vector<16xi32> to vector<1x16xi32>
      tpu.vector_store %arg6[%swap3A_621, %swap3A_622], %swap3A_625 {strides = array<i32>} : memref<6x128xi32, #tpu.memory_space<vmem>>, vector<1x16xi32>,
      %add3A_626 = arith.constant 12582912 : i32
      %add3A_627 = vector.broadcast %add3A_626 : i32 to vector<16xi32>
      %add3A_628 = arith.addi %add3A_627, %get3A_4 : vector<16xi32>
      %add3A_629 = arith.constant 336 : i32
      %add3A_630 = vector.broadcast %add3A_629 : i32 to vector<16xi32>
      %add3A_631 = arith.addi %add3A_630, %iota3A : vector<16xi32>
      %mul3A_632 = arith.constant 16384 : i32
      %mul3A_633 = vector.broadcast %mul3A_632 : i32 to vector<16xi32>
      %mul3A_634 = arith.muli %add3A_631, %mul3A_633 : vector<16xi32>
      %add3A_635 = arith.addi %add3A_628, %mul3A_634 : vector<16xi32>
      %swap3A_636 = arith.constant 2 : i32
      %swap3A_637 = arith.index_cast %swap3A_636 : i32 to index
      %swap3A_638 = arith.constant 80 : index
      %swap3A_639 = tpu.vector_load %arg7[%swap3A_637, %swap3A_638] {strides = array<i32>} : memref<6x128xi32, #tpu.memory_space<vmem>>, vector<1x16xi32>,
      %swap3A_640 = vector.shape_cast %swap3A_639 : vector<1x16xi32> to vector<16xi32>
      %swap3A_641 = vector.shape_cast %add3A_635 : vector<16xi32> to vector<1x16xi32>
      tpu.vector_store %arg7[%swap3A_637, %swap3A_638], %swap3A_641 {strides = array<i32>} : memref<6x128xi32, #tpu.memory_space<vmem>>, vector<1x16xi32>,
      %add3A_642 = arith.constant 352 : i32
      %add3A_643 = vector.broadcast %add3A_642 : i32 to vector<16xi32>
      %add3A_644 = arith.addi %add3A_643, %iota3A : vector<16xi32>
      %mul3A_645 = arith.constant 16384 : i32
      %mul3A_646 = vector.broadcast %mul3A_645 : i32 to vector<16xi32>
      %mul3A_647 = arith.muli %add3A_644, %mul3A_646 : vector<16xi32>
      %add3A_648 = arith.addi %get3A_4, %mul3A_647 : vector<16xi32>
      %swap3A_649 = arith.constant 2 : i32
      %swap3A_650 = arith.index_cast %swap3A_649 : i32 to index
      %swap3A_651 = arith.constant 96 : index
      %swap3A_652 = tpu.vector_load %arg6[%swap3A_650, %swap3A_651] {strides = array<i32>} : memref<6x128xi32, #tpu.memory_space<vmem>>, vector<1x16xi32>,
      %swap3A_653 = vector.shape_cast %swap3A_652 : vector<1x16xi32> to vector<16xi32>
      %swap3A_654 = vector.shape_cast %add3A_648 : vector<16xi32> to vector<1x16xi32>
      tpu.vector_store %arg6[%swap3A_650, %swap3A_651], %swap3A_654 {strides = array<i32>} : memref<6x128xi32, #tpu.memory_space<vmem>>, vector<1x16xi32>,
      %add3A_655 = arith.constant 12582912 : i32
      %add3A_656 = vector.broadcast %add3A_655 : i32 to vector<16xi32>
      %add3A_657 = arith.addi %add3A_656, %get3A_4 : vector<16xi32>
      %add3A_658 = arith.constant 352 : i32
      %add3A_659 = vector.broadcast %add3A_658 : i32 to vector<16xi32>
      %add3A_660 = arith.addi %add3A_659, %iota3A : vector<16xi32>
      %mul3A_661 = arith.constant 16384 : i32
      %mul3A_662 = vector.broadcast %mul3A_661 : i32 to vector<16xi32>
      %mul3A_663 = arith.muli %add3A_660, %mul3A_662 : vector<16xi32>
      %add3A_664 = arith.addi %add3A_657, %mul3A_663 : vector<16xi32>
      %swap3A_665 = arith.constant 2 : i32
      %swap3A_666 = arith.index_cast %swap3A_665 : i32 to index
      %swap3A_667 = arith.constant 96 : index
      %swap3A_668 = tpu.vector_load %arg7[%swap3A_666, %swap3A_667] {strides = array<i32>} : memref<6x128xi32, #tpu.memory_space<vmem>>, vector<1x16xi32>,
      %swap3A_669 = vector.shape_cast %swap3A_668 : vector<1x16xi32> to vector<16xi32>
      %swap3A_670 = vector.shape_cast %add3A_664 : vector<16xi32> to vector<1x16xi32>
      tpu.vector_store %arg7[%swap3A_666, %swap3A_667], %swap3A_670 {strides = array<i32>} : memref<6x128xi32, #tpu.memory_space<vmem>>, vector<1x16xi32>,
      %add3A_671 = arith.constant 368 : i32
      %add3A_672 = vector.broadcast %add3A_671 : i32 to vector<16xi32>
      %add3A_673 = arith.addi %add3A_672, %iota3A : vector<16xi32>
      %mul3A_674 = arith.constant 16384 : i32
      %mul3A_675 = vector.broadcast %mul3A_674 : i32 to vector<16xi32>
      %mul3A_676 = arith.muli %add3A_673, %mul3A_675 : vector<16xi32>
      %add3A_677 = arith.addi %get3A_4, %mul3A_676 : vector<16xi32>
      %swap3A_678 = arith.constant 2 : i32
      %swap3A_679 = arith.index_cast %swap3A_678 : i32 to index
      %swap3A_680 = arith.constant 112 : index
      %swap3A_681 = tpu.vector_load %arg6[%swap3A_679, %swap3A_680] {strides = array<i32>} : memref<6x128xi32, #tpu.memory_space<vmem>>, vector<1x16xi32>,
      %swap3A_682 = vector.shape_cast %swap3A_681 : vector<1x16xi32> to vector<16xi32>
      %swap3A_683 = vector.shape_cast %add3A_677 : vector<16xi32> to vector<1x16xi32>
      tpu.vector_store %arg6[%swap3A_679, %swap3A_680], %swap3A_683 {strides = array<i32>} : memref<6x128xi32, #tpu.memory_space<vmem>>, vector<1x16xi32>,
      %add3A_684 = arith.constant 12582912 : i32
      %add3A_685 = vector.broadcast %add3A_684 : i32 to vector<16xi32>
      %add3A_686 = arith.addi %add3A_685, %get3A_4 : vector<16xi32>
      %add3A_687 = arith.constant 368 : i32
      %add3A_688 = vector.broadcast %add3A_687 : i32 to vector<16xi32>
      %add3A_689 = arith.addi %add3A_688, %iota3A : vector<16xi32>
      %mul3A_690 = arith.constant 16384 : i32
      %mul3A_691 = vector.broadcast %mul3A_690 : i32 to vector<16xi32>
      %mul3A_692 = arith.muli %add3A_689, %mul3A_691 : vector<16xi32>
      %add3A_693 = arith.addi %add3A_686, %mul3A_692 : vector<16xi32>
      %swap3A_694 = arith.constant 2 : i32
      %swap3A_695 = arith.index_cast %swap3A_694 : i32 to index
      %swap3A_696 = arith.constant 112 : index
      %swap3A_697 = tpu.vector_load %arg7[%swap3A_695, %swap3A_696] {strides = array<i32>} : memref<6x128xi32, #tpu.memory_space<vmem>>, vector<1x16xi32>,
      %swap3A_698 = vector.shape_cast %swap3A_697 : vector<1x16xi32> to vector<16xi32>
      %swap3A_699 = vector.shape_cast %add3A_693 : vector<16xi32> to vector<1x16xi32>
      tpu.vector_store %arg7[%swap3A_695, %swap3A_696], %swap3A_699 {strides = array<i32>} : memref<6x128xi32, #tpu.memory_space<vmem>>, vector<1x16xi32>,
      %add3A_700 = arith.constant 384 : i32
      %add3A_701 = vector.broadcast %add3A_700 : i32 to vector<16xi32>
      %add3A_702 = arith.addi %add3A_701, %iota3A : vector<16xi32>
      %mul3A_703 = arith.constant 16384 : i32
      %mul3A_704 = vector.broadcast %mul3A_703 : i32 to vector<16xi32>
      %mul3A_705 = arith.muli %add3A_702, %mul3A_704 : vector<16xi32>
      %add3A_706 = arith.addi %get3A_4, %mul3A_705 : vector<16xi32>
      %swap3A_707 = arith.constant 3 : i32
      %swap3A_708 = arith.index_cast %swap3A_707 : i32 to index
      %swap3A_709 = arith.constant 0 : index
      %swap3A_710 = tpu.vector_load %arg6[%swap3A_708, %swap3A_709] {strides = array<i32>} : memref<6x128xi32, #tpu.memory_space<vmem>>, vector<1x16xi32>,
      %swap3A_711 = vector.shape_cast %swap3A_710 : vector<1x16xi32> to vector<16xi32>
      %swap3A_712 = vector.shape_cast %add3A_706 : vector<16xi32> to vector<1x16xi32>
      tpu.vector_store %arg6[%swap3A_708, %swap3A_709], %swap3A_712 {strides = array<i32>} : memref<6x128xi32, #tpu.memory_space<vmem>>, vector<1x16xi32>,
      %add3A_713 = arith.constant 12582912 : i32
      %add3A_714 = vector.broadcast %add3A_713 : i32 to vector<16xi32>
      %add3A_715 = arith.addi %add3A_714, %get3A_4 : vector<16xi32>
      %add3A_716 = arith.constant 384 : i32
      %add3A_717 = vector.broadcast %add3A_716 : i32 to vector<16xi32>
      %add3A_718 = arith.addi %add3A_717, %iota3A : vector<16xi32>
      %mul3A_719 = arith.constant 16384 : i32
      %mul3A_720 = vector.broadcast %mul3A_719 : i32 to vector<16xi32>
      %mul3A_721 = arith.muli %add3A_718, %mul3A_720 : vector<16xi32>
      %add3A_722 = arith.addi %add3A_715, %mul3A_721 : vector<16xi32>
      %swap3A_723 = arith.constant 3 : i32
      %swap3A_724 = arith.index_cast %swap3A_723 : i32 to index
      %swap3A_725 = arith.constant 0 : index
      %swap3A_726 = tpu.vector_load %arg7[%swap3A_724, %swap3A_725] {strides = array<i32>} : memref<6x128xi32, #tpu.memory_space<vmem>>, vector<1x16xi32>,
      %swap3A_727 = vector.shape_cast %swap3A_726 : vector<1x16xi32> to vector<16xi32>
      %swap3A_728 = vector.shape_cast %add3A_722 : vector<16xi32> to vector<1x16xi32>
      tpu.vector_store %arg7[%swap3A_724, %swap3A_725], %swap3A_728 {strides = array<i32>} : memref<6x128xi32, #tpu.memory_space<vmem>>, vector<1x16xi32>,
      %add3A_729 = arith.constant 400 : i32
      %add3A_730 = vector.broadcast %add3A_729 : i32 to vector<16xi32>
      %add3A_731 = arith.addi %add3A_730, %iota3A : vector<16xi32>
      %mul3A_732 = arith.constant 16384 : i32
      %mul3A_733 = vector.broadcast %mul3A_732 : i32 to vector<16xi32>
      %mul3A_734 = arith.muli %add3A_731, %mul3A_733 : vector<16xi32>
      %add3A_735 = arith.addi %get3A_4, %mul3A_734 : vector<16xi32>
      %swap3A_736 = arith.constant 3 : i32
      %swap3A_737 = arith.index_cast %swap3A_736 : i32 to index
      %swap3A_738 = arith.constant 16 : index
      %swap3A_739 = tpu.vector_load %arg6[%swap3A_737, %swap3A_738] {strides = array<i32>} : memref<6x128xi32, #tpu.memory_space<vmem>>, vector<1x16xi32>,
      %swap3A_740 = vector.shape_cast %swap3A_739 : vector<1x16xi32> to vector<16xi32>
      %swap3A_741 = vector.shape_cast %add3A_735 : vector<16xi32> to vector<1x16xi32>
      tpu.vector_store %arg6[%swap3A_737, %swap3A_738], %swap3A_741 {strides = array<i32>} : memref<6x128xi32, #tpu.memory_space<vmem>>, vector<1x16xi32>,
      %add3A_742 = arith.constant 12582912 : i32
      %add3A_743 = vector.broadcast %add3A_742 : i32 to vector<16xi32>
      %add3A_744 = arith.addi %add3A_743, %get3A_4 : vector<16xi32>
      %add3A_745 = arith.constant 400 : i32
      %add3A_746 = vector.broadcast %add3A_745 : i32 to vector<16xi32>
      %add3A_747 = arith.addi %add3A_746, %iota3A : vector<16xi32>
      %mul3A_748 = arith.constant 16384 : i32
      %mul3A_749 = vector.broadcast %mul3A_748 : i32 to vector<16xi32>
      %mul3A_750 = arith.muli %add3A_747, %mul3A_749 : vector<16xi32>
      %add3A_751 = arith.addi %add3A_744, %mul3A_750 : vector<16xi32>
      %swap3A_752 = arith.constant 3 : i32
      %swap3A_753 = arith.index_cast %swap3A_752 : i32 to index
      %swap3A_754 = arith.constant 16 : index
      %swap3A_755 = tpu.vector_load %arg7[%swap3A_753, %swap3A_754] {strides = array<i32>} : memref<6x128xi32, #tpu.memory_space<vmem>>, vector<1x16xi32>,
      %swap3A_756 = vector.shape_cast %swap3A_755 : vector<1x16xi32> to vector<16xi32>
      %swap3A_757 = vector.shape_cast %add3A_751 : vector<16xi32> to vector<1x16xi32>
      tpu.vector_store %arg7[%swap3A_753, %swap3A_754], %swap3A_757 {strides = array<i32>} : memref<6x128xi32, #tpu.memory_space<vmem>>, vector<1x16xi32>,
      %add3A_758 = arith.constant 416 : i32
      %add3A_759 = vector.broadcast %add3A_758 : i32 to vector<16xi32>
      %add3A_760 = arith.addi %add3A_759, %iota3A : vector<16xi32>
      %mul3A_761 = arith.constant 16384 : i32
      %mul3A_762 = vector.broadcast %mul3A_761 : i32 to vector<16xi32>
      %mul3A_763 = arith.muli %add3A_760, %mul3A_762 : vector<16xi32>
      %add3A_764 = arith.addi %get3A_4, %mul3A_763 : vector<16xi32>
      %swap3A_765 = arith.constant 3 : i32
      %swap3A_766 = arith.index_cast %swap3A_765 : i32 to index
      %swap3A_767 = arith.constant 32 : index
      %swap3A_768 = tpu.vector_load %arg6[%swap3A_766, %swap3A_767] {strides = array<i32>} : memref<6x128xi32, #tpu.memory_space<vmem>>, vector<1x16xi32>,
      %swap3A_769 = vector.shape_cast %swap3A_768 : vector<1x16xi32> to vector<16xi32>
      %swap3A_770 = vector.shape_cast %add3A_764 : vector<16xi32> to vector<1x16xi32>
      tpu.vector_store %arg6[%swap3A_766, %swap3A_767], %swap3A_770 {strides = array<i32>} : memref<6x128xi32, #tpu.memory_space<vmem>>, vector<1x16xi32>,
      %add3A_771 = arith.constant 12582912 : i32
      %add3A_772 = vector.broadcast %add3A_771 : i32 to vector<16xi32>
      %add3A_773 = arith.addi %add3A_772, %get3A_4 : vector<16xi32>
      %add3A_774 = arith.constant 416 : i32
      %add3A_775 = vector.broadcast %add3A_774 : i32 to vector<16xi32>
      %add3A_776 = arith.addi %add3A_775, %iota3A : vector<16xi32>
      %mul3A_777 = arith.constant 16384 : i32
      %mul3A_778 = vector.broadcast %mul3A_777 : i32 to vector<16xi32>
      %mul3A_779 = arith.muli %add3A_776, %mul3A_778 : vector<16xi32>
      %add3A_780 = arith.addi %add3A_773, %mul3A_779 : vector<16xi32>
      %swap3A_781 = arith.constant 3 : i32
      %swap3A_782 = arith.index_cast %swap3A_781 : i32 to index
      %swap3A_783 = arith.constant 32 : index
      %swap3A_784 = tpu.vector_load %arg7[%swap3A_782, %swap3A_783] {strides = array<i32>} : memref<6x128xi32, #tpu.memory_space<vmem>>, vector<1x16xi32>,
      %swap3A_785 = vector.shape_cast %swap3A_784 : vector<1x16xi32> to vector<16xi32>
      %swap3A_786 = vector.shape_cast %add3A_780 : vector<16xi32> to vector<1x16xi32>
      tpu.vector_store %arg7[%swap3A_782, %swap3A_783], %swap3A_786 {strides = array<i32>} : memref<6x128xi32, #tpu.memory_space<vmem>>, vector<1x16xi32>,
      %add3A_787 = arith.constant 432 : i32
      %add3A_788 = vector.broadcast %add3A_787 : i32 to vector<16xi32>
      %add3A_789 = arith.addi %add3A_788, %iota3A : vector<16xi32>
      %mul3A_790 = arith.constant 16384 : i32
      %mul3A_791 = vector.broadcast %mul3A_790 : i32 to vector<16xi32>
      %mul3A_792 = arith.muli %add3A_789, %mul3A_791 : vector<16xi32>
      %add3A_793 = arith.addi %get3A_4, %mul3A_792 : vector<16xi32>
      %swap3A_794 = arith.constant 3 : i32
      %swap3A_795 = arith.index_cast %swap3A_794 : i32 to index
      %swap3A_796 = arith.constant 48 : index
      %swap3A_797 = tpu.vector_load %arg6[%swap3A_795, %swap3A_796] {strides = array<i32>} : memref<6x128xi32, #tpu.memory_space<vmem>>, vector<1x16xi32>,
      %swap3A_798 = vector.shape_cast %swap3A_797 : vector<1x16xi32> to vector<16xi32>
      %swap3A_799 = vector.shape_cast %add3A_793 : vector<16xi32> to vector<1x16xi32>
      tpu.vector_store %arg6[%swap3A_795, %swap3A_796], %swap3A_799 {strides = array<i32>} : memref<6x128xi32, #tpu.memory_space<vmem>>, vector<1x16xi32>,
      %add3A_800 = arith.constant 12582912 : i32
      %add3A_801 = vector.broadcast %add3A_800 : i32 to vector<16xi32>
      %add3A_802 = arith.addi %add3A_801, %get3A_4 : vector<16xi32>
      %add3A_803 = arith.constant 432 : i32
      %add3A_804 = vector.broadcast %add3A_803 : i32 to vector<16xi32>
      %add3A_805 = arith.addi %add3A_804, %iota3A : vector<16xi32>
      %mul3A_806 = arith.constant 16384 : i32
      %mul3A_807 = vector.broadcast %mul3A_806 : i32 to vector<16xi32>
      %mul3A_808 = arith.muli %add3A_805, %mul3A_807 : vector<16xi32>
      %add3A_809 = arith.addi %add3A_802, %mul3A_808 : vector<16xi32>
      %swap3A_810 = arith.constant 3 : i32
      %swap3A_811 = arith.index_cast %swap3A_810 : i32 to index
      %swap3A_812 = arith.constant 48 : index
      %swap3A_813 = tpu.vector_load %arg7[%swap3A_811, %swap3A_812] {strides = array<i32>} : memref<6x128xi32, #tpu.memory_space<vmem>>, vector<1x16xi32>,
      %swap3A_814 = vector.shape_cast %swap3A_813 : vector<1x16xi32> to vector<16xi32>
      %swap3A_815 = vector.shape_cast %add3A_809 : vector<16xi32> to vector<1x16xi32>
      tpu.vector_store %arg7[%swap3A_811, %swap3A_812], %swap3A_815 {strides = array<i32>} : memref<6x128xi32, #tpu.memory_space<vmem>>, vector<1x16xi32>,
      %add3A_816 = arith.constant 448 : i32
      %add3A_817 = vector.broadcast %add3A_816 : i32 to vector<16xi32>
      %add3A_818 = arith.addi %add3A_817, %iota3A : vector<16xi32>
      %mul3A_819 = arith.constant 16384 : i32
      %mul3A_820 = vector.broadcast %mul3A_819 : i32 to vector<16xi32>
      %mul3A_821 = arith.muli %add3A_818, %mul3A_820 : vector<16xi32>
      %add3A_822 = arith.addi %get3A_4, %mul3A_821 : vector<16xi32>
      %swap3A_823 = arith.constant 3 : i32
      %swap3A_824 = arith.index_cast %swap3A_823 : i32 to index
      %swap3A_825 = arith.constant 64 : index
      %swap3A_826 = tpu.vector_load %arg6[%swap3A_824, %swap3A_825] {strides = array<i32>} : memref<6x128xi32, #tpu.memory_space<vmem>>, vector<1x16xi32>,
      %swap3A_827 = vector.shape_cast %swap3A_826 : vector<1x16xi32> to vector<16xi32>
      %swap3A_828 = vector.shape_cast %add3A_822 : vector<16xi32> to vector<1x16xi32>
      tpu.vector_store %arg6[%swap3A_824, %swap3A_825], %swap3A_828 {strides = array<i32>} : memref<6x128xi32, #tpu.memory_space<vmem>>, vector<1x16xi32>,
      %add3A_829 = arith.constant 12582912 : i32
      %add3A_830 = vector.broadcast %add3A_829 : i32 to vector<16xi32>
      %add3A_831 = arith.addi %add3A_830, %get3A_4 : vector<16xi32>
      %add3A_832 = arith.constant 448 : i32
      %add3A_833 = vector.broadcast %add3A_832 : i32 to vector<16xi32>
      %add3A_834 = arith.addi %add3A_833, %iota3A : vector<16xi32>
      %mul3A_835 = arith.constant 16384 : i32
      %mul3A_836 = vector.broadcast %mul3A_835 : i32 to vector<16xi32>
      %mul3A_837 = arith.muli %add3A_834, %mul3A_836 : vector<16xi32>
      %add3A_838 = arith.addi %add3A_831, %mul3A_837 : vector<16xi32>
      %swap3A_839 = arith.constant 3 : i32
      %swap3A_840 = arith.index_cast %swap3A_839 : i32 to index
      %swap3A_841 = arith.constant 64 : index
      %swap3A_842 = tpu.vector_load %arg7[%swap3A_840, %swap3A_841] {strides = array<i32>} : memref<6x128xi32, #tpu.memory_space<vmem>>, vector<1x16xi32>,
      %swap3A_843 = vector.shape_cast %swap3A_842 : vector<1x16xi32> to vector<16xi32>
      %swap3A_844 = vector.shape_cast %add3A_838 : vector<16xi32> to vector<1x16xi32>
      tpu.vector_store %arg7[%swap3A_840, %swap3A_841], %swap3A_844 {strides = array<i32>} : memref<6x128xi32, #tpu.memory_space<vmem>>, vector<1x16xi32>,
      %add3A_845 = arith.constant 464 : i32
      %add3A_846 = vector.broadcast %add3A_845 : i32 to vector<16xi32>
      %add3A_847 = arith.addi %add3A_846, %iota3A : vector<16xi32>
      %mul3A_848 = arith.constant 16384 : i32
      %mul3A_849 = vector.broadcast %mul3A_848 : i32 to vector<16xi32>
      %mul3A_850 = arith.muli %add3A_847, %mul3A_849 : vector<16xi32>
      %add3A_851 = arith.addi %get3A_4, %mul3A_850 : vector<16xi32>
      %swap3A_852 = arith.constant 3 : i32
      %swap3A_853 = arith.index_cast %swap3A_852 : i32 to index
      %swap3A_854 = arith.constant 80 : index
      %swap3A_855 = tpu.vector_load %arg6[%swap3A_853, %swap3A_854] {strides = array<i32>} : memref<6x128xi32, #tpu.memory_space<vmem>>, vector<1x16xi32>,
      %swap3A_856 = vector.shape_cast %swap3A_855 : vector<1x16xi32> to vector<16xi32>
      %swap3A_857 = vector.shape_cast %add3A_851 : vector<16xi32> to vector<1x16xi32>
      tpu.vector_store %arg6[%swap3A_853, %swap3A_854], %swap3A_857 {strides = array<i32>} : memref<6x128xi32, #tpu.memory_space<vmem>>, vector<1x16xi32>,
      %add3A_858 = arith.constant 12582912 : i32
      %add3A_859 = vector.broadcast %add3A_858 : i32 to vector<16xi32>
      %add3A_860 = arith.addi %add3A_859, %get3A_4 : vector<16xi32>
      %add3A_861 = arith.constant 464 : i32
      %add3A_862 = vector.broadcast %add3A_861 : i32 to vector<16xi32>
      %add3A_863 = arith.addi %add3A_862, %iota3A : vector<16xi32>
      %mul3A_864 = arith.constant 16384 : i32
      %mul3A_865 = vector.broadcast %mul3A_864 : i32 to vector<16xi32>
      %mul3A_866 = arith.muli %add3A_863, %mul3A_865 : vector<16xi32>
      %add3A_867 = arith.addi %add3A_860, %mul3A_866 : vector<16xi32>
      %swap3A_868 = arith.constant 3 : i32
      %swap3A_869 = arith.index_cast %swap3A_868 : i32 to index
      %swap3A_870 = arith.constant 80 : index
      %swap3A_871 = tpu.vector_load %arg7[%swap3A_869, %swap3A_870] {strides = array<i32>} : memref<6x128xi32, #tpu.memory_space<vmem>>, vector<1x16xi32>,
      %swap3A_872 = vector.shape_cast %swap3A_871 : vector<1x16xi32> to vector<16xi32>
      %swap3A_873 = vector.shape_cast %add3A_867 : vector<16xi32> to vector<1x16xi32>
      tpu.vector_store %arg7[%swap3A_869, %swap3A_870], %swap3A_873 {strides = array<i32>} : memref<6x128xi32, #tpu.memory_space<vmem>>, vector<1x16xi32>,
      %add3A_874 = arith.constant 480 : i32
      %add3A_875 = vector.broadcast %add3A_874 : i32 to vector<16xi32>
      %add3A_876 = arith.addi %add3A_875, %iota3A : vector<16xi32>
      %mul3A_877 = arith.constant 16384 : i32
      %mul3A_878 = vector.broadcast %mul3A_877 : i32 to vector<16xi32>
      %mul3A_879 = arith.muli %add3A_876, %mul3A_878 : vector<16xi32>
      %add3A_880 = arith.addi %get3A_4, %mul3A_879 : vector<16xi32>
      %swap3A_881 = arith.constant 3 : i32
      %swap3A_882 = arith.index_cast %swap3A_881 : i32 to index
      %swap3A_883 = arith.constant 96 : index
      %swap3A_884 = tpu.vector_load %arg6[%swap3A_882, %swap3A_883] {strides = array<i32>} : memref<6x128xi32, #tpu.memory_space<vmem>>, vector<1x16xi32>,
      %swap3A_885 = vector.shape_cast %swap3A_884 : vector<1x16xi32> to vector<16xi32>
      %swap3A_886 = vector.shape_cast %add3A_880 : vector<16xi32> to vector<1x16xi32>
      tpu.vector_store %arg6[%swap3A_882, %swap3A_883], %swap3A_886 {strides = array<i32>} : memref<6x128xi32, #tpu.memory_space<vmem>>, vector<1x16xi32>,
      %add3A_887 = arith.constant 12582912 : i32
      %add3A_888 = vector.broadcast %add3A_887 : i32 to vector<16xi32>
      %add3A_889 = arith.addi %add3A_888, %get3A_4 : vector<16xi32>
      %add3A_890 = arith.constant 480 : i32
      %add3A_891 = vector.broadcast %add3A_890 : i32 to vector<16xi32>
      %add3A_892 = arith.addi %add3A_891, %iota3A : vector<16xi32>
      %mul3A_893 = arith.constant 16384 : i32
      %mul3A_894 = vector.broadcast %mul3A_893 : i32 to vector<16xi32>
      %mul3A_895 = arith.muli %add3A_892, %mul3A_894 : vector<16xi32>
      %add3A_896 = arith.addi %add3A_889, %mul3A_895 : vector<16xi32>
      %swap3A_897 = arith.constant 3 : i32
      %swap3A_898 = arith.index_cast %swap3A_897 : i32 to index
      %swap3A_899 = arith.constant 96 : index
      %swap3A_900 = tpu.vector_load %arg7[%swap3A_898, %swap3A_899] {strides = array<i32>} : memref<6x128xi32, #tpu.memory_space<vmem>>, vector<1x16xi32>,
      %swap3A_901 = vector.shape_cast %swap3A_900 : vector<1x16xi32> to vector<16xi32>
      %swap3A_902 = vector.shape_cast %add3A_896 : vector<16xi32> to vector<1x16xi32>
      tpu.vector_store %arg7[%swap3A_898, %swap3A_899], %swap3A_902 {strides = array<i32>} : memref<6x128xi32, #tpu.memory_space<vmem>>, vector<1x16xi32>,
      %add3A_903 = arith.constant 496 : i32
      %add3A_904 = vector.broadcast %add3A_903 : i32 to vector<16xi32>
      %add3A_905 = arith.addi %add3A_904, %iota3A : vector<16xi32>
      %mul3A_906 = arith.constant 16384 : i32
      %mul3A_907 = vector.broadcast %mul3A_906 : i32 to vector<16xi32>
      %mul3A_908 = arith.muli %add3A_905, %mul3A_907 : vector<16xi32>
      %add3A_909 = arith.addi %get3A_4, %mul3A_908 : vector<16xi32>
      %swap3A_910 = arith.constant 3 : i32
      %swap3A_911 = arith.index_cast %swap3A_910 : i32 to index
      %swap3A_912 = arith.constant 112 : index
      %swap3A_913 = tpu.vector_load %arg6[%swap3A_911, %swap3A_912] {strides = array<i32>} : memref<6x128xi32, #tpu.memory_space<vmem>>, vector<1x16xi32>,
      %swap3A_914 = vector.shape_cast %swap3A_913 : vector<1x16xi32> to vector<16xi32>
      %swap3A_915 = vector.shape_cast %add3A_909 : vector<16xi32> to vector<1x16xi32>
      tpu.vector_store %arg6[%swap3A_911, %swap3A_912], %swap3A_915 {strides = array<i32>} : memref<6x128xi32, #tpu.memory_space<vmem>>, vector<1x16xi32>,
      %add3A_916 = arith.constant 12582912 : i32
      %add3A_917 = vector.broadcast %add3A_916 : i32 to vector<16xi32>
      %add3A_918 = arith.addi %add3A_917, %get3A_4 : vector<16xi32>
      %add3A_919 = arith.constant 496 : i32
      %add3A_920 = vector.broadcast %add3A_919 : i32 to vector<16xi32>
      %add3A_921 = arith.addi %add3A_920, %iota3A : vector<16xi32>
      %mul3A_922 = arith.constant 16384 : i32
      %mul3A_923 = vector.broadcast %mul3A_922 : i32 to vector<16xi32>
      %mul3A_924 = arith.muli %add3A_921, %mul3A_923 : vector<16xi32>
      %add3A_925 = arith.addi %add3A_918, %mul3A_924 : vector<16xi32>
      %swap3A_926 = arith.constant 3 : i32
      %swap3A_927 = arith.index_cast %swap3A_926 : i32 to index
      %swap3A_928 = arith.constant 112 : index
      %swap3A_929 = tpu.vector_load %arg7[%swap3A_927, %swap3A_928] {strides = array<i32>} : memref<6x128xi32, #tpu.memory_space<vmem>>, vector<1x16xi32>,
      %swap3A_930 = vector.shape_cast %swap3A_929 : vector<1x16xi32> to vector<16xi32>
      %swap3A_931 = vector.shape_cast %add3A_925 : vector<16xi32> to vector<1x16xi32>
      tpu.vector_store %arg7[%swap3A_927, %swap3A_928], %swap3A_931 {strides = array<i32>} : memref<6x128xi32, #tpu.memory_space<vmem>>, vector<1x16xi32>,
      %add3A_932 = arith.constant 512 : i32
      %add3A_933 = vector.broadcast %add3A_932 : i32 to vector<16xi32>
      %add3A_934 = arith.addi %add3A_933, %iota3A : vector<16xi32>
      %mul3A_935 = arith.constant 16384 : i32
      %mul3A_936 = vector.broadcast %mul3A_935 : i32 to vector<16xi32>
      %mul3A_937 = arith.muli %add3A_934, %mul3A_936 : vector<16xi32>
      %add3A_938 = arith.addi %get3A_4, %mul3A_937 : vector<16xi32>
      %swap3A_939 = arith.constant 4 : i32
      %swap3A_940 = arith.index_cast %swap3A_939 : i32 to index
      %swap3A_941 = arith.constant 0 : index
      %swap3A_942 = tpu.vector_load %arg6[%swap3A_940, %swap3A_941] {strides = array<i32>} : memref<6x128xi32, #tpu.memory_space<vmem>>, vector<1x16xi32>,
      %swap3A_943 = vector.shape_cast %swap3A_942 : vector<1x16xi32> to vector<16xi32>
      %swap3A_944 = vector.shape_cast %add3A_938 : vector<16xi32> to vector<1x16xi32>
      tpu.vector_store %arg6[%swap3A_940, %swap3A_941], %swap3A_944 {strides = array<i32>} : memref<6x128xi32, #tpu.memory_space<vmem>>, vector<1x16xi32>,
      %add3A_945 = arith.constant 12582912 : i32
      %add3A_946 = vector.broadcast %add3A_945 : i32 to vector<16xi32>
      %add3A_947 = arith.addi %add3A_946, %get3A_4 : vector<16xi32>
      %add3A_948 = arith.constant 512 : i32
      %add3A_949 = vector.broadcast %add3A_948 : i32 to vector<16xi32>
      %add3A_950 = arith.addi %add3A_949, %iota3A : vector<16xi32>
      %mul3A_951 = arith.constant 16384 : i32
      %mul3A_952 = vector.broadcast %mul3A_951 : i32 to vector<16xi32>
      %mul3A_953 = arith.muli %add3A_950, %mul3A_952 : vector<16xi32>
      %add3A_954 = arith.addi %add3A_947, %mul3A_953 : vector<16xi32>
      %swap3A_955 = arith.constant 4 : i32
      %swap3A_956 = arith.index_cast %swap3A_955 : i32 to index
      %swap3A_957 = arith.constant 0 : index
      %swap3A_958 = tpu.vector_load %arg7[%swap3A_956, %swap3A_957] {strides = array<i32>} : memref<6x128xi32, #tpu.memory_space<vmem>>, vector<1x16xi32>,
      %swap3A_959 = vector.shape_cast %swap3A_958 : vector<1x16xi32> to vector<16xi32>
      %swap3A_960 = vector.shape_cast %add3A_954 : vector<16xi32> to vector<1x16xi32>
      tpu.vector_store %arg7[%swap3A_956, %swap3A_957], %swap3A_960 {strides = array<i32>} : memref<6x128xi32, #tpu.memory_space<vmem>>, vector<1x16xi32>,
      %add3A_961 = arith.constant 528 : i32
      %add3A_962 = vector.broadcast %add3A_961 : i32 to vector<16xi32>
      %add3A_963 = arith.addi %add3A_962, %iota3A : vector<16xi32>
      %mul3A_964 = arith.constant 16384 : i32
      %mul3A_965 = vector.broadcast %mul3A_964 : i32 to vector<16xi32>
      %mul3A_966 = arith.muli %add3A_963, %mul3A_965 : vector<16xi32>
      %add3A_967 = arith.addi %get3A_4, %mul3A_966 : vector<16xi32>
      %swap3A_968 = arith.constant 4 : i32
      %swap3A_969 = arith.index_cast %swap3A_968 : i32 to index
      %swap3A_970 = arith.constant 16 : index
      %swap3A_971 = tpu.vector_load %arg6[%swap3A_969, %swap3A_970] {strides = array<i32>} : memref<6x128xi32, #tpu.memory_space<vmem>>, vector<1x16xi32>,
      %swap3A_972 = vector.shape_cast %swap3A_971 : vector<1x16xi32> to vector<16xi32>
      %swap3A_973 = vector.shape_cast %add3A_967 : vector<16xi32> to vector<1x16xi32>
      tpu.vector_store %arg6[%swap3A_969, %swap3A_970], %swap3A_973 {strides = array<i32>} : memref<6x128xi32, #tpu.memory_space<vmem>>, vector<1x16xi32>,
      %add3A_974 = arith.constant 12582912 : i32
      %add3A_975 = vector.broadcast %add3A_974 : i32 to vector<16xi32>
      %add3A_976 = arith.addi %add3A_975, %get3A_4 : vector<16xi32>
      %add3A_977 = arith.constant 528 : i32
      %add3A_978 = vector.broadcast %add3A_977 : i32 to vector<16xi32>
      %add3A_979 = arith.addi %add3A_978, %iota3A : vector<16xi32>
      %mul3A_980 = arith.constant 16384 : i32
      %mul3A_981 = vector.broadcast %mul3A_980 : i32 to vector<16xi32>
      %mul3A_982 = arith.muli %add3A_979, %mul3A_981 : vector<16xi32>
      %add3A_983 = arith.addi %add3A_976, %mul3A_982 : vector<16xi32>
      %swap3A_984 = arith.constant 4 : i32
      %swap3A_985 = arith.index_cast %swap3A_984 : i32 to index
      %swap3A_986 = arith.constant 16 : index
      %swap3A_987 = tpu.vector_load %arg7[%swap3A_985, %swap3A_986] {strides = array<i32>} : memref<6x128xi32, #tpu.memory_space<vmem>>, vector<1x16xi32>,
      %swap3A_988 = vector.shape_cast %swap3A_987 : vector<1x16xi32> to vector<16xi32>
      %swap3A_989 = vector.shape_cast %add3A_983 : vector<16xi32> to vector<1x16xi32>
      tpu.vector_store %arg7[%swap3A_985, %swap3A_986], %swap3A_989 {strides = array<i32>} : memref<6x128xi32, #tpu.memory_space<vmem>>, vector<1x16xi32>,
      %add3A_990 = arith.constant 544 : i32
      %add3A_991 = vector.broadcast %add3A_990 : i32 to vector<16xi32>
      %add3A_992 = arith.addi %add3A_991, %iota3A : vector<16xi32>
      %mul3A_993 = arith.constant 16384 : i32
      %mul3A_994 = vector.broadcast %mul3A_993 : i32 to vector<16xi32>
      %mul3A_995 = arith.muli %add3A_992, %mul3A_994 : vector<16xi32>
      %add3A_996 = arith.addi %get3A_4, %mul3A_995 : vector<16xi32>
      %swap3A_997 = arith.constant 4 : i32
      %swap3A_998 = arith.index_cast %swap3A_997 : i32 to index
      %swap3A_999 = arith.constant 32 : index
      %swap3A_1000 = tpu.vector_load %arg6[%swap3A_998, %swap3A_999] {strides = array<i32>} : memref<6x128xi32, #tpu.memory_space<vmem>>, vector<1x16xi32>,
      %swap3A_1001 = vector.shape_cast %swap3A_1000 : vector<1x16xi32> to vector<16xi32>
      %swap3A_1002 = vector.shape_cast %add3A_996 : vector<16xi32> to vector<1x16xi32>
      tpu.vector_store %arg6[%swap3A_998, %swap3A_999], %swap3A_1002 {strides = array<i32>} : memref<6x128xi32, #tpu.memory_space<vmem>>, vector<1x16xi32>,
      %add3A_1003 = arith.constant 12582912 : i32
      %add3A_1004 = vector.broadcast %add3A_1003 : i32 to vector<16xi32>
      %add3A_1005 = arith.addi %add3A_1004, %get3A_4 : vector<16xi32>
      %add3A_1006 = arith.constant 544 : i32
      %add3A_1007 = vector.broadcast %add3A_1006 : i32 to vector<16xi32>
      %add3A_1008 = arith.addi %add3A_1007, %iota3A : vector<16xi32>
      %mul3A_1009 = arith.constant 16384 : i32
      %mul3A_1010 = vector.broadcast %mul3A_1009 : i32 to vector<16xi32>
      %mul3A_1011 = arith.muli %add3A_1008, %mul3A_1010 : vector<16xi32>
      %add3A_1012 = arith.addi %add3A_1005, %mul3A_1011 : vector<16xi32>
      %swap3A_1013 = arith.constant 4 : i32
      %swap3A_1014 = arith.index_cast %swap3A_1013 : i32 to index
      %swap3A_1015 = arith.constant 32 : index
      %swap3A_1016 = tpu.vector_load %arg7[%swap3A_1014, %swap3A_1015] {strides = array<i32>} : memref<6x128xi32, #tpu.memory_space<vmem>>, vector<1x16xi32>,
      %swap3A_1017 = vector.shape_cast %swap3A_1016 : vector<1x16xi32> to vector<16xi32>
      %swap3A_1018 = vector.shape_cast %add3A_1012 : vector<16xi32> to vector<1x16xi32>
      tpu.vector_store %arg7[%swap3A_1014, %swap3A_1015], %swap3A_1018 {strides = array<i32>} : memref<6x128xi32, #tpu.memory_space<vmem>>, vector<1x16xi32>,
      %add3A_1019 = arith.constant 560 : i32
      %add3A_1020 = vector.broadcast %add3A_1019 : i32 to vector<16xi32>
      %add3A_1021 = arith.addi %add3A_1020, %iota3A : vector<16xi32>
      %mul3A_1022 = arith.constant 16384 : i32
      %mul3A_1023 = vector.broadcast %mul3A_1022 : i32 to vector<16xi32>
      %mul3A_1024 = arith.muli %add3A_1021, %mul3A_1023 : vector<16xi32>
      %add3A_1025 = arith.addi %get3A_4, %mul3A_1024 : vector<16xi32>
      %swap3A_1026 = arith.constant 4 : i32
      %swap3A_1027 = arith.index_cast %swap3A_1026 : i32 to index
      %swap3A_1028 = arith.constant 48 : index
      %swap3A_1029 = tpu.vector_load %arg6[%swap3A_1027, %swap3A_1028] {strides = array<i32>} : memref<6x128xi32, #tpu.memory_space<vmem>>, vector<1x16xi32>,
      %swap3A_1030 = vector.shape_cast %swap3A_1029 : vector<1x16xi32> to vector<16xi32>
      %swap3A_1031 = vector.shape_cast %add3A_1025 : vector<16xi32> to vector<1x16xi32>
      tpu.vector_store %arg6[%swap3A_1027, %swap3A_1028], %swap3A_1031 {strides = array<i32>} : memref<6x128xi32, #tpu.memory_space<vmem>>, vector<1x16xi32>,
      %add3A_1032 = arith.constant 12582912 : i32
      %add3A_1033 = vector.broadcast %add3A_1032 : i32 to vector<16xi32>
      %add3A_1034 = arith.addi %add3A_1033, %get3A_4 : vector<16xi32>
      %add3A_1035 = arith.constant 560 : i32
      %add3A_1036 = vector.broadcast %add3A_1035 : i32 to vector<16xi32>
      %add3A_1037 = arith.addi %add3A_1036, %iota3A : vector<16xi32>
      %mul3A_1038 = arith.constant 16384 : i32
      %mul3A_1039 = vector.broadcast %mul3A_1038 : i32 to vector<16xi32>
      %mul3A_1040 = arith.muli %add3A_1037, %mul3A_1039 : vector<16xi32>
      %add3A_1041 = arith.addi %add3A_1034, %mul3A_1040 : vector<16xi32>
      %swap3A_1042 = arith.constant 4 : i32
      %swap3A_1043 = arith.index_cast %swap3A_1042 : i32 to index
      %swap3A_1044 = arith.constant 48 : index
      %swap3A_1045 = tpu.vector_load %arg7[%swap3A_1043, %swap3A_1044] {strides = array<i32>} : memref<6x128xi32, #tpu.memory_space<vmem>>, vector<1x16xi32>,
      %swap3A_1046 = vector.shape_cast %swap3A_1045 : vector<1x16xi32> to vector<16xi32>
      %swap3A_1047 = vector.shape_cast %add3A_1041 : vector<16xi32> to vector<1x16xi32>
      tpu.vector_store %arg7[%swap3A_1043, %swap3A_1044], %swap3A_1047 {strides = array<i32>} : memref<6x128xi32, #tpu.memory_space<vmem>>, vector<1x16xi32>,
      %add3A_1048 = arith.constant 576 : i32
      %add3A_1049 = vector.broadcast %add3A_1048 : i32 to vector<16xi32>
      %add3A_1050 = arith.addi %add3A_1049, %iota3A : vector<16xi32>
      %mul3A_1051 = arith.constant 16384 : i32
      %mul3A_1052 = vector.broadcast %mul3A_1051 : i32 to vector<16xi32>
      %mul3A_1053 = arith.muli %add3A_1050, %mul3A_1052 : vector<16xi32>
      %add3A_1054 = arith.addi %get3A_4, %mul3A_1053 : vector<16xi32>
      %swap3A_1055 = arith.constant 4 : i32
      %swap3A_1056 = arith.index_cast %swap3A_1055 : i32 to index
      %swap3A_1057 = arith.constant 64 : index
      %swap3A_1058 = tpu.vector_load %arg6[%swap3A_1056, %swap3A_1057] {strides = array<i32>} : memref<6x128xi32, #tpu.memory_space<vmem>>, vector<1x16xi32>,
      %swap3A_1059 = vector.shape_cast %swap3A_1058 : vector<1x16xi32> to vector<16xi32>
      %swap3A_1060 = vector.shape_cast %add3A_1054 : vector<16xi32> to vector<1x16xi32>
      tpu.vector_store %arg6[%swap3A_1056, %swap3A_1057], %swap3A_1060 {strides = array<i32>} : memref<6x128xi32, #tpu.memory_space<vmem>>, vector<1x16xi32>,
      %add3A_1061 = arith.constant 12582912 : i32
      %add3A_1062 = vector.broadcast %add3A_1061 : i32 to vector<16xi32>
      %add3A_1063 = arith.addi %add3A_1062, %get3A_4 : vector<16xi32>
      %add3A_1064 = arith.constant 576 : i32
      %add3A_1065 = vector.broadcast %add3A_1064 : i32 to vector<16xi32>
      %add3A_1066 = arith.addi %add3A_1065, %iota3A : vector<16xi32>
      %mul3A_1067 = arith.constant 16384 : i32
      %mul3A_1068 = vector.broadcast %mul3A_1067 : i32 to vector<16xi32>
      %mul3A_1069 = arith.muli %add3A_1066, %mul3A_1068 : vector<16xi32>
      %add3A_1070 = arith.addi %add3A_1063, %mul3A_1069 : vector<16xi32>
      %swap3A_1071 = arith.constant 4 : i32
      %swap3A_1072 = arith.index_cast %swap3A_1071 : i32 to index
      %swap3A_1073 = arith.constant 64 : index
      %swap3A_1074 = tpu.vector_load %arg7[%swap3A_1072, %swap3A_1073] {strides = array<i32>} : memref<6x128xi32, #tpu.memory_space<vmem>>, vector<1x16xi32>,
      %swap3A_1075 = vector.shape_cast %swap3A_1074 : vector<1x16xi32> to vector<16xi32>
      %swap3A_1076 = vector.shape_cast %add3A_1070 : vector<16xi32> to vector<1x16xi32>
      tpu.vector_store %arg7[%swap3A_1072, %swap3A_1073], %swap3A_1076 {strides = array<i32>} : memref<6x128xi32, #tpu.memory_space<vmem>>, vector<1x16xi32>,
      %add3A_1077 = arith.constant 592 : i32
      %add3A_1078 = vector.broadcast %add3A_1077 : i32 to vector<16xi32>
      %add3A_1079 = arith.addi %add3A_1078, %iota3A : vector<16xi32>
      %mul3A_1080 = arith.constant 16384 : i32
      %mul3A_1081 = vector.broadcast %mul3A_1080 : i32 to vector<16xi32>
      %mul3A_1082 = arith.muli %add3A_1079, %mul3A_1081 : vector<16xi32>
      %add3A_1083 = arith.addi %get3A_4, %mul3A_1082 : vector<16xi32>
      %swap3A_1084 = arith.constant 4 : i32
      %swap3A_1085 = arith.index_cast %swap3A_1084 : i32 to index
      %swap3A_1086 = arith.constant 80 : index
      %swap3A_1087 = tpu.vector_load %arg6[%swap3A_1085, %swap3A_1086] {strides = array<i32>} : memref<6x128xi32, #tpu.memory_space<vmem>>, vector<1x16xi32>,
      %swap3A_1088 = vector.shape_cast %swap3A_1087 : vector<1x16xi32> to vector<16xi32>
      %swap3A_1089 = vector.shape_cast %add3A_1083 : vector<16xi32> to vector<1x16xi32>
      tpu.vector_store %arg6[%swap3A_1085, %swap3A_1086], %swap3A_1089 {strides = array<i32>} : memref<6x128xi32, #tpu.memory_space<vmem>>, vector<1x16xi32>,
      %add3A_1090 = arith.constant 12582912 : i32
      %add3A_1091 = vector.broadcast %add3A_1090 : i32 to vector<16xi32>
      %add3A_1092 = arith.addi %add3A_1091, %get3A_4 : vector<16xi32>
      %add3A_1093 = arith.constant 592 : i32
      %add3A_1094 = vector.broadcast %add3A_1093 : i32 to vector<16xi32>
      %add3A_1095 = arith.addi %add3A_1094, %iota3A : vector<16xi32>
      %mul3A_1096 = arith.constant 16384 : i32
      %mul3A_1097 = vector.broadcast %mul3A_1096 : i32 to vector<16xi32>
      %mul3A_1098 = arith.muli %add3A_1095, %mul3A_1097 : vector<16xi32>
      %add3A_1099 = arith.addi %add3A_1092, %mul3A_1098 : vector<16xi32>
      %swap3A_1100 = arith.constant 4 : i32
      %swap3A_1101 = arith.index_cast %swap3A_1100 : i32 to index
      %swap3A_1102 = arith.constant 80 : index
      %swap3A_1103 = tpu.vector_load %arg7[%swap3A_1101, %swap3A_1102] {strides = array<i32>} : memref<6x128xi32, #tpu.memory_space<vmem>>, vector<1x16xi32>,
      %swap3A_1104 = vector.shape_cast %swap3A_1103 : vector<1x16xi32> to vector<16xi32>
      %swap3A_1105 = vector.shape_cast %add3A_1099 : vector<16xi32> to vector<1x16xi32>
      tpu.vector_store %arg7[%swap3A_1101, %swap3A_1102], %swap3A_1105 {strides = array<i32>} : memref<6x128xi32, #tpu.memory_space<vmem>>, vector<1x16xi32>,
      %add3A_1106 = arith.constant 608 : i32
      %add3A_1107 = vector.broadcast %add3A_1106 : i32 to vector<16xi32>
      %add3A_1108 = arith.addi %add3A_1107, %iota3A : vector<16xi32>
      %mul3A_1109 = arith.constant 16384 : i32
      %mul3A_1110 = vector.broadcast %mul3A_1109 : i32 to vector<16xi32>
      %mul3A_1111 = arith.muli %add3A_1108, %mul3A_1110 : vector<16xi32>
      %add3A_1112 = arith.addi %get3A_4, %mul3A_1111 : vector<16xi32>
      %swap3A_1113 = arith.constant 4 : i32
      %swap3A_1114 = arith.index_cast %swap3A_1113 : i32 to index
      %swap3A_1115 = arith.constant 96 : index
      %swap3A_1116 = tpu.vector_load %arg6[%swap3A_1114, %swap3A_1115] {strides = array<i32>} : memref<6x128xi32, #tpu.memory_space<vmem>>, vector<1x16xi32>,
      %swap3A_1117 = vector.shape_cast %swap3A_1116 : vector<1x16xi32> to vector<16xi32>
      %swap3A_1118 = vector.shape_cast %add3A_1112 : vector<16xi32> to vector<1x16xi32>
      tpu.vector_store %arg6[%swap3A_1114, %swap3A_1115], %swap3A_1118 {strides = array<i32>} : memref<6x128xi32, #tpu.memory_space<vmem>>, vector<1x16xi32>,
      %add3A_1119 = arith.constant 12582912 : i32
      %add3A_1120 = vector.broadcast %add3A_1119 : i32 to vector<16xi32>
      %add3A_1121 = arith.addi %add3A_1120, %get3A_4 : vector<16xi32>
      %add3A_1122 = arith.constant 608 : i32
      %add3A_1123 = vector.broadcast %add3A_1122 : i32 to vector<16xi32>
      %add3A_1124 = arith.addi %add3A_1123, %iota3A : vector<16xi32>
      %mul3A_1125 = arith.constant 16384 : i32
      %mul3A_1126 = vector.broadcast %mul3A_1125 : i32 to vector<16xi32>
      %mul3A_1127 = arith.muli %add3A_1124, %mul3A_1126 : vector<16xi32>
      %add3A_1128 = arith.addi %add3A_1121, %mul3A_1127 : vector<16xi32>
      %swap3A_1129 = arith.constant 4 : i32
      %swap3A_1130 = arith.index_cast %swap3A_1129 : i32 to index
      %swap3A_1131 = arith.constant 96 : index
      %swap3A_1132 = tpu.vector_load %arg7[%swap3A_1130, %swap3A_1131] {strides = array<i32>} : memref<6x128xi32, #tpu.memory_space<vmem>>, vector<1x16xi32>,
      %swap3A_1133 = vector.shape_cast %swap3A_1132 : vector<1x16xi32> to vector<16xi32>
      %swap3A_1134 = vector.shape_cast %add3A_1128 : vector<16xi32> to vector<1x16xi32>
      tpu.vector_store %arg7[%swap3A_1130, %swap3A_1131], %swap3A_1134 {strides = array<i32>} : memref<6x128xi32, #tpu.memory_space<vmem>>, vector<1x16xi32>,
      %add3A_1135 = arith.constant 624 : i32
      %add3A_1136 = vector.broadcast %add3A_1135 : i32 to vector<16xi32>
      %add3A_1137 = arith.addi %add3A_1136, %iota3A : vector<16xi32>
      %mul3A_1138 = arith.constant 16384 : i32
      %mul3A_1139 = vector.broadcast %mul3A_1138 : i32 to vector<16xi32>
      %mul3A_1140 = arith.muli %add3A_1137, %mul3A_1139 : vector<16xi32>
      %add3A_1141 = arith.addi %get3A_4, %mul3A_1140 : vector<16xi32>
      %swap3A_1142 = arith.constant 4 : i32
      %swap3A_1143 = arith.index_cast %swap3A_1142 : i32 to index
      %swap3A_1144 = arith.constant 112 : index
      %swap3A_1145 = tpu.vector_load %arg6[%swap3A_1143, %swap3A_1144] {strides = array<i32>} : memref<6x128xi32, #tpu.memory_space<vmem>>, vector<1x16xi32>,
      %swap3A_1146 = vector.shape_cast %swap3A_1145 : vector<1x16xi32> to vector<16xi32>
      %swap3A_1147 = vector.shape_cast %add3A_1141 : vector<16xi32> to vector<1x16xi32>
      tpu.vector_store %arg6[%swap3A_1143, %swap3A_1144], %swap3A_1147 {strides = array<i32>} : memref<6x128xi32, #tpu.memory_space<vmem>>, vector<1x16xi32>,
      %add3A_1148 = arith.constant 12582912 : i32
      %add3A_1149 = vector.broadcast %add3A_1148 : i32 to vector<16xi32>
      %add3A_1150 = arith.addi %add3A_1149, %get3A_4 : vector<16xi32>
      %add3A_1151 = arith.constant 624 : i32
      %add3A_1152 = vector.broadcast %add3A_1151 : i32 to vector<16xi32>
      %add3A_1153 = arith.addi %add3A_1152, %iota3A : vector<16xi32>
      %mul3A_1154 = arith.constant 16384 : i32
      %mul3A_1155 = vector.broadcast %mul3A_1154 : i32 to vector<16xi32>
      %mul3A_1156 = arith.muli %add3A_1153, %mul3A_1155 : vector<16xi32>
      %add3A_1157 = arith.addi %add3A_1150, %mul3A_1156 : vector<16xi32>
      %swap3A_1158 = arith.constant 4 : i32
      %swap3A_1159 = arith.index_cast %swap3A_1158 : i32 to index
      %swap3A_1160 = arith.constant 112 : index
      %swap3A_1161 = tpu.vector_load %arg7[%swap3A_1159, %swap3A_1160] {strides = array<i32>} : memref<6x128xi32, #tpu.memory_space<vmem>>, vector<1x16xi32>,
      %swap3A_1162 = vector.shape_cast %swap3A_1161 : vector<1x16xi32> to vector<16xi32>
      %swap3A_1163 = vector.shape_cast %add3A_1157 : vector<16xi32> to vector<1x16xi32>
      tpu.vector_store %arg7[%swap3A_1159, %swap3A_1160], %swap3A_1163 {strides = array<i32>} : memref<6x128xi32, #tpu.memory_space<vmem>>, vector<1x16xi32>,
      %add3A_1164 = arith.constant 640 : i32
      %add3A_1165 = vector.broadcast %add3A_1164 : i32 to vector<16xi32>
      %add3A_1166 = arith.addi %add3A_1165, %iota3A : vector<16xi32>
      %mul3A_1167 = arith.constant 16384 : i32
      %mul3A_1168 = vector.broadcast %mul3A_1167 : i32 to vector<16xi32>
      %mul3A_1169 = arith.muli %add3A_1166, %mul3A_1168 : vector<16xi32>
      %add3A_1170 = arith.addi %get3A_4, %mul3A_1169 : vector<16xi32>
      %swap3A_1171 = arith.constant 5 : i32
      %swap3A_1172 = arith.index_cast %swap3A_1171 : i32 to index
      %swap3A_1173 = arith.constant 0 : index
      %swap3A_1174 = tpu.vector_load %arg6[%swap3A_1172, %swap3A_1173] {strides = array<i32>} : memref<6x128xi32, #tpu.memory_space<vmem>>, vector<1x16xi32>,
      %swap3A_1175 = vector.shape_cast %swap3A_1174 : vector<1x16xi32> to vector<16xi32>
      %swap3A_1176 = vector.shape_cast %add3A_1170 : vector<16xi32> to vector<1x16xi32>
      tpu.vector_store %arg6[%swap3A_1172, %swap3A_1173], %swap3A_1176 {strides = array<i32>} : memref<6x128xi32, #tpu.memory_space<vmem>>, vector<1x16xi32>,
      %add3A_1177 = arith.constant 12582912 : i32
      %add3A_1178 = vector.broadcast %add3A_1177 : i32 to vector<16xi32>
      %add3A_1179 = arith.addi %add3A_1178, %get3A_4 : vector<16xi32>
      %add3A_1180 = arith.constant 640 : i32
      %add3A_1181 = vector.broadcast %add3A_1180 : i32 to vector<16xi32>
      %add3A_1182 = arith.addi %add3A_1181, %iota3A : vector<16xi32>
      %mul3A_1183 = arith.constant 16384 : i32
      %mul3A_1184 = vector.broadcast %mul3A_1183 : i32 to vector<16xi32>
      %mul3A_1185 = arith.muli %add3A_1182, %mul3A_1184 : vector<16xi32>
      %add3A_1186 = arith.addi %add3A_1179, %mul3A_1185 : vector<16xi32>
      %swap3A_1187 = arith.constant 5 : i32
      %swap3A_1188 = arith.index_cast %swap3A_1187 : i32 to index
      %swap3A_1189 = arith.constant 0 : index
      %swap3A_1190 = tpu.vector_load %arg7[%swap3A_1188, %swap3A_1189] {strides = array<i32>} : memref<6x128xi32, #tpu.memory_space<vmem>>, vector<1x16xi32>,
      %swap3A_1191 = vector.shape_cast %swap3A_1190 : vector<1x16xi32> to vector<16xi32>
      %swap3A_1192 = vector.shape_cast %add3A_1186 : vector<16xi32> to vector<1x16xi32>
      tpu.vector_store %arg7[%swap3A_1188, %swap3A_1189], %swap3A_1192 {strides = array<i32>} : memref<6x128xi32, #tpu.memory_space<vmem>>, vector<1x16xi32>,
      %add3A_1193 = arith.constant 656 : i32
      %add3A_1194 = vector.broadcast %add3A_1193 : i32 to vector<16xi32>
      %add3A_1195 = arith.addi %add3A_1194, %iota3A : vector<16xi32>
      %mul3A_1196 = arith.constant 16384 : i32
      %mul3A_1197 = vector.broadcast %mul3A_1196 : i32 to vector<16xi32>
      %mul3A_1198 = arith.muli %add3A_1195, %mul3A_1197 : vector<16xi32>
      %add3A_1199 = arith.addi %get3A_4, %mul3A_1198 : vector<16xi32>
      %swap3A_1200 = arith.constant 5 : i32
      %swap3A_1201 = arith.index_cast %swap3A_1200 : i32 to index
      %swap3A_1202 = arith.constant 16 : index
      %swap3A_1203 = tpu.vector_load %arg6[%swap3A_1201, %swap3A_1202] {strides = array<i32>} : memref<6x128xi32, #tpu.memory_space<vmem>>, vector<1x16xi32>,
      %swap3A_1204 = vector.shape_cast %swap3A_1203 : vector<1x16xi32> to vector<16xi32>
      %swap3A_1205 = vector.shape_cast %add3A_1199 : vector<16xi32> to vector<1x16xi32>
      tpu.vector_store %arg6[%swap3A_1201, %swap3A_1202], %swap3A_1205 {strides = array<i32>} : memref<6x128xi32, #tpu.memory_space<vmem>>, vector<1x16xi32>,
      %add3A_1206 = arith.constant 12582912 : i32
      %add3A_1207 = vector.broadcast %add3A_1206 : i32 to vector<16xi32>
      %add3A_1208 = arith.addi %add3A_1207, %get3A_4 : vector<16xi32>
      %add3A_1209 = arith.constant 656 : i32
      %add3A_1210 = vector.broadcast %add3A_1209 : i32 to vector<16xi32>
      %add3A_1211 = arith.addi %add3A_1210, %iota3A : vector<16xi32>
      %mul3A_1212 = arith.constant 16384 : i32
      %mul3A_1213 = vector.broadcast %mul3A_1212 : i32 to vector<16xi32>
      %mul3A_1214 = arith.muli %add3A_1211, %mul3A_1213 : vector<16xi32>
      %add3A_1215 = arith.addi %add3A_1208, %mul3A_1214 : vector<16xi32>
      %swap3A_1216 = arith.constant 5 : i32
      %swap3A_1217 = arith.index_cast %swap3A_1216 : i32 to index
      %swap3A_1218 = arith.constant 16 : index
      %swap3A_1219 = tpu.vector_load %arg7[%swap3A_1217, %swap3A_1218] {strides = array<i32>} : memref<6x128xi32, #tpu.memory_space<vmem>>, vector<1x16xi32>,
      %swap3A_1220 = vector.shape_cast %swap3A_1219 : vector<1x16xi32> to vector<16xi32>
      %swap3A_1221 = vector.shape_cast %add3A_1215 : vector<16xi32> to vector<1x16xi32>
      tpu.vector_store %arg7[%swap3A_1217, %swap3A_1218], %swap3A_1221 {strides = array<i32>} : memref<6x128xi32, #tpu.memory_space<vmem>>, vector<1x16xi32>,
      %add3A_1222 = arith.constant 672 : i32
      %add3A_1223 = vector.broadcast %add3A_1222 : i32 to vector<16xi32>
      %add3A_1224 = arith.addi %add3A_1223, %iota3A : vector<16xi32>
      %mul3A_1225 = arith.constant 16384 : i32
      %mul3A_1226 = vector.broadcast %mul3A_1225 : i32 to vector<16xi32>
      %mul3A_1227 = arith.muli %add3A_1224, %mul3A_1226 : vector<16xi32>
      %add3A_1228 = arith.addi %get3A_4, %mul3A_1227 : vector<16xi32>
      %swap3A_1229 = arith.constant 5 : i32
      %swap3A_1230 = arith.index_cast %swap3A_1229 : i32 to index
      %swap3A_1231 = arith.constant 32 : index
      %swap3A_1232 = tpu.vector_load %arg6[%swap3A_1230, %swap3A_1231] {strides = array<i32>} : memref<6x128xi32, #tpu.memory_space<vmem>>, vector<1x16xi32>,
      %swap3A_1233 = vector.shape_cast %swap3A_1232 : vector<1x16xi32> to vector<16xi32>
      %swap3A_1234 = vector.shape_cast %add3A_1228 : vector<16xi32> to vector<1x16xi32>
      tpu.vector_store %arg6[%swap3A_1230, %swap3A_1231], %swap3A_1234 {strides = array<i32>} : memref<6x128xi32, #tpu.memory_space<vmem>>, vector<1x16xi32>,
      %add3A_1235 = arith.constant 12582912 : i32
      %add3A_1236 = vector.broadcast %add3A_1235 : i32 to vector<16xi32>
      %add3A_1237 = arith.addi %add3A_1236, %get3A_4 : vector<16xi32>
      %add3A_1238 = arith.constant 672 : i32
      %add3A_1239 = vector.broadcast %add3A_1238 : i32 to vector<16xi32>
      %add3A_1240 = arith.addi %add3A_1239, %iota3A : vector<16xi32>
      %mul3A_1241 = arith.constant 16384 : i32
      %mul3A_1242 = vector.broadcast %mul3A_1241 : i32 to vector<16xi32>
      %mul3A_1243 = arith.muli %add3A_1240, %mul3A_1242 : vector<16xi32>
      %add3A_1244 = arith.addi %add3A_1237, %mul3A_1243 : vector<16xi32>
      %swap3A_1245 = arith.constant 5 : i32
      %swap3A_1246 = arith.index_cast %swap3A_1245 : i32 to index
      %swap3A_1247 = arith.constant 32 : index
      %swap3A_1248 = tpu.vector_load %arg7[%swap3A_1246, %swap3A_1247] {strides = array<i32>} : memref<6x128xi32, #tpu.memory_space<vmem>>, vector<1x16xi32>,
      %swap3A_1249 = vector.shape_cast %swap3A_1248 : vector<1x16xi32> to vector<16xi32>
      %swap3A_1250 = vector.shape_cast %add3A_1244 : vector<16xi32> to vector<1x16xi32>
      tpu.vector_store %arg7[%swap3A_1246, %swap3A_1247], %swap3A_1250 {strides = array<i32>} : memref<6x128xi32, #tpu.memory_space<vmem>>, vector<1x16xi32>,
      %add3A_1251 = arith.constant 688 : i32
      %add3A_1252 = vector.broadcast %add3A_1251 : i32 to vector<16xi32>
      %add3A_1253 = arith.addi %add3A_1252, %iota3A : vector<16xi32>
      %mul3A_1254 = arith.constant 16384 : i32
      %mul3A_1255 = vector.broadcast %mul3A_1254 : i32 to vector<16xi32>
      %mul3A_1256 = arith.muli %add3A_1253, %mul3A_1255 : vector<16xi32>
      %add3A_1257 = arith.addi %get3A_4, %mul3A_1256 : vector<16xi32>
      %swap3A_1258 = arith.constant 5 : i32
      %swap3A_1259 = arith.index_cast %swap3A_1258 : i32 to index
      %swap3A_1260 = arith.constant 48 : index
      %swap3A_1261 = tpu.vector_load %arg6[%swap3A_1259, %swap3A_1260] {strides = array<i32>} : memref<6x128xi32, #tpu.memory_space<vmem>>, vector<1x16xi32>,
      %swap3A_1262 = vector.shape_cast %swap3A_1261 : vector<1x16xi32> to vector<16xi32>
      %swap3A_1263 = vector.shape_cast %add3A_1257 : vector<16xi32> to vector<1x16xi32>
      tpu.vector_store %arg6[%swap3A_1259, %swap3A_1260], %swap3A_1263 {strides = array<i32>} : memref<6x128xi32, #tpu.memory_space<vmem>>, vector<1x16xi32>,
      %add3A_1264 = arith.constant 12582912 : i32
      %add3A_1265 = vector.broadcast %add3A_1264 : i32 to vector<16xi32>
      %add3A_1266 = arith.addi %add3A_1265, %get3A_4 : vector<16xi32>
      %add3A_1267 = arith.constant 688 : i32
      %add3A_1268 = vector.broadcast %add3A_1267 : i32 to vector<16xi32>
      %add3A_1269 = arith.addi %add3A_1268, %iota3A : vector<16xi32>
      %mul3A_1270 = arith.constant 16384 : i32
      %mul3A_1271 = vector.broadcast %mul3A_1270 : i32 to vector<16xi32>
      %mul3A_1272 = arith.muli %add3A_1269, %mul3A_1271 : vector<16xi32>
      %add3A_1273 = arith.addi %add3A_1266, %mul3A_1272 : vector<16xi32>
      %swap3A_1274 = arith.constant 5 : i32
      %swap3A_1275 = arith.index_cast %swap3A_1274 : i32 to index
      %swap3A_1276 = arith.constant 48 : index
      %swap3A_1277 = tpu.vector_load %arg7[%swap3A_1275, %swap3A_1276] {strides = array<i32>} : memref<6x128xi32, #tpu.memory_space<vmem>>, vector<1x16xi32>,
      %swap3A_1278 = vector.shape_cast %swap3A_1277 : vector<1x16xi32> to vector<16xi32>
      %swap3A_1279 = vector.shape_cast %add3A_1273 : vector<16xi32> to vector<1x16xi32>
      tpu.vector_store %arg7[%swap3A_1275, %swap3A_1276], %swap3A_1279 {strides = array<i32>} : memref<6x128xi32, #tpu.memory_space<vmem>>, vector<1x16xi32>,
      %add3A_1280 = arith.constant 704 : i32
      %add3A_1281 = vector.broadcast %add3A_1280 : i32 to vector<16xi32>
      %add3A_1282 = arith.addi %add3A_1281, %iota3A : vector<16xi32>
      %mul3A_1283 = arith.constant 16384 : i32
      %mul3A_1284 = vector.broadcast %mul3A_1283 : i32 to vector<16xi32>
      %mul3A_1285 = arith.muli %add3A_1282, %mul3A_1284 : vector<16xi32>
      %add3A_1286 = arith.addi %get3A_4, %mul3A_1285 : vector<16xi32>
      %swap3A_1287 = arith.constant 5 : i32
      %swap3A_1288 = arith.index_cast %swap3A_1287 : i32 to index
      %swap3A_1289 = arith.constant 64 : index
      %swap3A_1290 = tpu.vector_load %arg6[%swap3A_1288, %swap3A_1289] {strides = array<i32>} : memref<6x128xi32, #tpu.memory_space<vmem>>, vector<1x16xi32>,
      %swap3A_1291 = vector.shape_cast %swap3A_1290 : vector<1x16xi32> to vector<16xi32>
      %swap3A_1292 = vector.shape_cast %add3A_1286 : vector<16xi32> to vector<1x16xi32>
      tpu.vector_store %arg6[%swap3A_1288, %swap3A_1289], %swap3A_1292 {strides = array<i32>} : memref<6x128xi32, #tpu.memory_space<vmem>>, vector<1x16xi32>,
      %add3A_1293 = arith.constant 12582912 : i32
      %add3A_1294 = vector.broadcast %add3A_1293 : i32 to vector<16xi32>
      %add3A_1295 = arith.addi %add3A_1294, %get3A_4 : vector<16xi32>
      %add3A_1296 = arith.constant 704 : i32
      %add3A_1297 = vector.broadcast %add3A_1296 : i32 to vector<16xi32>
      %add3A_1298 = arith.addi %add3A_1297, %iota3A : vector<16xi32>
      %mul3A_1299 = arith.constant 16384 : i32
      %mul3A_1300 = vector.broadcast %mul3A_1299 : i32 to vector<16xi32>
      %mul3A_1301 = arith.muli %add3A_1298, %mul3A_1300 : vector<16xi32>
      %add3A_1302 = arith.addi %add3A_1295, %mul3A_1301 : vector<16xi32>
      %swap3A_1303 = arith.constant 5 : i32
      %swap3A_1304 = arith.index_cast %swap3A_1303 : i32 to index
      %swap3A_1305 = arith.constant 64 : index
      %swap3A_1306 = tpu.vector_load %arg7[%swap3A_1304, %swap3A_1305] {strides = array<i32>} : memref<6x128xi32, #tpu.memory_space<vmem>>, vector<1x16xi32>,
      %swap3A_1307 = vector.shape_cast %swap3A_1306 : vector<1x16xi32> to vector<16xi32>
      %swap3A_1308 = vector.shape_cast %add3A_1302 : vector<16xi32> to vector<1x16xi32>
      tpu.vector_store %arg7[%swap3A_1304, %swap3A_1305], %swap3A_1308 {strides = array<i32>} : memref<6x128xi32, #tpu.memory_space<vmem>>, vector<1x16xi32>,
      %add3A_1309 = arith.constant 720 : i32
      %add3A_1310 = vector.broadcast %add3A_1309 : i32 to vector<16xi32>
      %add3A_1311 = arith.addi %add3A_1310, %iota3A : vector<16xi32>
      %mul3A_1312 = arith.constant 16384 : i32
      %mul3A_1313 = vector.broadcast %mul3A_1312 : i32 to vector<16xi32>
      %mul3A_1314 = arith.muli %add3A_1311, %mul3A_1313 : vector<16xi32>
      %add3A_1315 = arith.addi %get3A_4, %mul3A_1314 : vector<16xi32>
      %swap3A_1316 = arith.constant 5 : i32
      %swap3A_1317 = arith.index_cast %swap3A_1316 : i32 to index
      %swap3A_1318 = arith.constant 80 : index
      %swap3A_1319 = tpu.vector_load %arg6[%swap3A_1317, %swap3A_1318] {strides = array<i32>} : memref<6x128xi32, #tpu.memory_space<vmem>>, vector<1x16xi32>,
      %swap3A_1320 = vector.shape_cast %swap3A_1319 : vector<1x16xi32> to vector<16xi32>
      %swap3A_1321 = vector.shape_cast %add3A_1315 : vector<16xi32> to vector<1x16xi32>
      tpu.vector_store %arg6[%swap3A_1317, %swap3A_1318], %swap3A_1321 {strides = array<i32>} : memref<6x128xi32, #tpu.memory_space<vmem>>, vector<1x16xi32>,
      %add3A_1322 = arith.constant 12582912 : i32
      %add3A_1323 = vector.broadcast %add3A_1322 : i32 to vector<16xi32>
      %add3A_1324 = arith.addi %add3A_1323, %get3A_4 : vector<16xi32>
      %add3A_1325 = arith.constant 720 : i32
      %add3A_1326 = vector.broadcast %add3A_1325 : i32 to vector<16xi32>
      %add3A_1327 = arith.addi %add3A_1326, %iota3A : vector<16xi32>
      %mul3A_1328 = arith.constant 16384 : i32
      %mul3A_1329 = vector.broadcast %mul3A_1328 : i32 to vector<16xi32>
      %mul3A_1330 = arith.muli %add3A_1327, %mul3A_1329 : vector<16xi32>
      %add3A_1331 = arith.addi %add3A_1324, %mul3A_1330 : vector<16xi32>
      %swap3A_1332 = arith.constant 5 : i32
      %swap3A_1333 = arith.index_cast %swap3A_1332 : i32 to index
      %swap3A_1334 = arith.constant 80 : index
      %swap3A_1335 = tpu.vector_load %arg7[%swap3A_1333, %swap3A_1334] {strides = array<i32>} : memref<6x128xi32, #tpu.memory_space<vmem>>, vector<1x16xi32>,
      %swap3A_1336 = vector.shape_cast %swap3A_1335 : vector<1x16xi32> to vector<16xi32>
      %swap3A_1337 = vector.shape_cast %add3A_1331 : vector<16xi32> to vector<1x16xi32>
      tpu.vector_store %arg7[%swap3A_1333, %swap3A_1334], %swap3A_1337 {strides = array<i32>} : memref<6x128xi32, #tpu.memory_space<vmem>>, vector<1x16xi32>,
      %add3A_1338 = arith.constant 736 : i32
      %add3A_1339 = vector.broadcast %add3A_1338 : i32 to vector<16xi32>
      %add3A_1340 = arith.addi %add3A_1339, %iota3A : vector<16xi32>
      %mul3A_1341 = arith.constant 16384 : i32
      %mul3A_1342 = vector.broadcast %mul3A_1341 : i32 to vector<16xi32>
      %mul3A_1343 = arith.muli %add3A_1340, %mul3A_1342 : vector<16xi32>
      %add3A_1344 = arith.addi %get3A_4, %mul3A_1343 : vector<16xi32>
      %swap3A_1345 = arith.constant 5 : i32
      %swap3A_1346 = arith.index_cast %swap3A_1345 : i32 to index
      %swap3A_1347 = arith.constant 96 : index
      %swap3A_1348 = tpu.vector_load %arg6[%swap3A_1346, %swap3A_1347] {strides = array<i32>} : memref<6x128xi32, #tpu.memory_space<vmem>>, vector<1x16xi32>,
      %swap3A_1349 = vector.shape_cast %swap3A_1348 : vector<1x16xi32> to vector<16xi32>
      %swap3A_1350 = vector.shape_cast %add3A_1344 : vector<16xi32> to vector<1x16xi32>
      tpu.vector_store %arg6[%swap3A_1346, %swap3A_1347], %swap3A_1350 {strides = array<i32>} : memref<6x128xi32, #tpu.memory_space<vmem>>, vector<1x16xi32>,
      %add3A_1351 = arith.constant 12582912 : i32
      %add3A_1352 = vector.broadcast %add3A_1351 : i32 to vector<16xi32>
      %add3A_1353 = arith.addi %add3A_1352, %get3A_4 : vector<16xi32>
      %add3A_1354 = arith.constant 736 : i32
      %add3A_1355 = vector.broadcast %add3A_1354 : i32 to vector<16xi32>
      %add3A_1356 = arith.addi %add3A_1355, %iota3A : vector<16xi32>
      %mul3A_1357 = arith.constant 16384 : i32
      %mul3A_1358 = vector.broadcast %mul3A_1357 : i32 to vector<16xi32>
      %mul3A_1359 = arith.muli %add3A_1356, %mul3A_1358 : vector<16xi32>
      %add3A_1360 = arith.addi %add3A_1353, %mul3A_1359 : vector<16xi32>
      %swap3A_1361 = arith.constant 5 : i32
      %swap3A_1362 = arith.index_cast %swap3A_1361 : i32 to index
      %swap3A_1363 = arith.constant 96 : index
      %swap3A_1364 = tpu.vector_load %arg7[%swap3A_1362, %swap3A_1363] {strides = array<i32>} : memref<6x128xi32, #tpu.memory_space<vmem>>, vector<1x16xi32>,
      %swap3A_1365 = vector.shape_cast %swap3A_1364 : vector<1x16xi32> to vector<16xi32>
      %swap3A_1366 = vector.shape_cast %add3A_1360 : vector<16xi32> to vector<1x16xi32>
      tpu.vector_store %arg7[%swap3A_1362, %swap3A_1363], %swap3A_1366 {strides = array<i32>} : memref<6x128xi32, #tpu.memory_space<vmem>>, vector<1x16xi32>,
      %add3A_1367 = arith.constant 752 : i32
      %add3A_1368 = vector.broadcast %add3A_1367 : i32 to vector<16xi32>
      %add3A_1369 = arith.addi %add3A_1368, %iota3A : vector<16xi32>
      %mul3A_1370 = arith.constant 16384 : i32
      %mul3A_1371 = vector.broadcast %mul3A_1370 : i32 to vector<16xi32>
      %mul3A_1372 = arith.muli %add3A_1369, %mul3A_1371 : vector<16xi32>
      %add3A_1373 = arith.addi %get3A_4, %mul3A_1372 : vector<16xi32>
      %swap3A_1374 = arith.constant 5 : i32
      %swap3A_1375 = arith.index_cast %swap3A_1374 : i32 to index
      %swap3A_1376 = arith.constant 112 : index
      %swap3A_1377 = tpu.vector_load %arg6[%swap3A_1375, %swap3A_1376] {strides = array<i32>} : memref<6x128xi32, #tpu.memory_space<vmem>>, vector<1x16xi32>,
      %swap3A_1378 = vector.shape_cast %swap3A_1377 : vector<1x16xi32> to vector<16xi32>
      %swap3A_1379 = vector.shape_cast %add3A_1373 : vector<16xi32> to vector<1x16xi32>
      tpu.vector_store %arg6[%swap3A_1375, %swap3A_1376], %swap3A_1379 {strides = array<i32>} : memref<6x128xi32, #tpu.memory_space<vmem>>, vector<1x16xi32>,
      %add3A_1380 = arith.constant 12582912 : i32
      %add3A_1381 = vector.broadcast %add3A_1380 : i32 to vector<16xi32>
      %add3A_1382 = arith.addi %add3A_1381, %get3A_4 : vector<16xi32>
      %add3A_1383 = arith.constant 752 : i32
      %add3A_1384 = vector.broadcast %add3A_1383 : i32 to vector<16xi32>
      %add3A_1385 = arith.addi %add3A_1384, %iota3A : vector<16xi32>
      %mul3A_1386 = arith.constant 16384 : i32
      %mul3A_1387 = vector.broadcast %mul3A_1386 : i32 to vector<16xi32>
      %mul3A_1388 = arith.muli %add3A_1385, %mul3A_1387 : vector<16xi32>
      %add3A_1389 = arith.addi %add3A_1382, %mul3A_1388 : vector<16xi32>
      %swap3A_1390 = arith.constant 5 : i32
      %swap3A_1391 = arith.index_cast %swap3A_1390 : i32 to index
      %swap3A_1392 = arith.constant 112 : index
      %swap3A_1393 = tpu.vector_load %arg7[%swap3A_1391, %swap3A_1392] {strides = array<i32>} : memref<6x128xi32, #tpu.memory_space<vmem>>, vector<1x16xi32>,
      %swap3A_1394 = vector.shape_cast %swap3A_1393 : vector<1x16xi32> to vector<16xi32>
      %swap3A_1395 = vector.shape_cast %add3A_1389 : vector<16xi32> to vector<1x16xi32>
      tpu.vector_store %arg7[%swap3A_1391, %swap3A_1392], %swap3A_1395 {strides = array<i32>} : memref<6x128xi32, #tpu.memory_space<vmem>>, vector<1x16xi32>,
      %dma_start3A = arith.constant 0 : i32
      %dma_start3A_1396 = arith.constant 0 : i32
      %dma_start3A_1397 = tpu.memref_slice %arg8[%dma_start3A_1396] : memref<768xf32, #tpu.memory_space<vmem>> -> memref<128xf32, #tpu.memory_space<vmem>>
      %dma_start3A_1398 = arith.constant 0 : i32
      %dma_start3A_1399 = tpu.memref_slice %arg6[%dma_start3A, %dma_start3A_1398] : memref<6x128xi32, #tpu.memory_space<vmem>> -> memref<1x128xi32, #tpu.memory_space<vmem>>
      %dma_start3A_1400 = tpu.memref_squeeze %dma_start3A_1399 : memref<1x128xi32, #tpu.memory_space<vmem>> -> memref<128xi32, #tpu.memory_space<vmem>>
      %dma_start3A_1401 = arith.constant 0 : i32
      %dma_start3A_1402 = tpu.memref_slice %arg2[%dma_start3A_1401] : memref<25165824xf32, #tpu.memory_space<hbm>> -> memref<25165824xf32, #tpu.memory_space<hbm>>
      tpu.enqueue_indirect_dma source(%dma_start3A_1402 : memref<25165824xf32, #tpu.memory_space<hbm>>) target(%dma_start3A_1397 : memref<128xf32, #tpu.memory_space<vmem>>) offsets(%dma_start3A_1400 : memref<128xi32, #tpu.memory_space<vmem>>) semaphore(%arg10 : memref<!tpu.dma_semaphore, #tpu.memory_space<semaphore_mem>>)
      %dma_start3A_1403 = arith.constant 0 : i32
      %dma_start3A_1404 = arith.constant 0 : i32
      %dma_start3A_1405 = tpu.memref_slice %arg8[%dma_start3A_1404] : memref<768xf32, #tpu.memory_space<vmem>> -> memref<128xf32, #tpu.memory_space<vmem>>
      %dma_start3A_1406 = arith.constant 0 : i32
      %dma_start3A_1407 = tpu.memref_slice %arg6[%dma_start3A_1403, %dma_start3A_1406] : memref<6x128xi32, #tpu.memory_space<vmem>> -> memref<1x128xi32, #tpu.memory_space<vmem>>
      %dma_start3A_1408 = tpu.memref_squeeze %dma_start3A_1407 : memref<1x128xi32, #tpu.memory_space<vmem>> -> memref<128xi32, #tpu.memory_space<vmem>>
      %dma_start3A_1409 = arith.constant 0 : i32
      %dma_start3A_1410 = tpu.memref_slice %arg2[%dma_start3A_1409] : memref<25165824xf32, #tpu.memory_space<hbm>> -> memref<25165824xf32, #tpu.memory_space<hbm>>
      tpu.enqueue_indirect_dma source(%dma_start3A_1410 : memref<25165824xf32, #tpu.memory_space<hbm>>) target(%dma_start3A_1405 : memref<128xf32, #tpu.memory_space<vmem>>) offsets(%dma_start3A_1408 : memref<128xi32, #tpu.memory_space<vmem>>) semaphore(%arg10 : memref<!tpu.dma_semaphore, #tpu.memory_space<semaphore_mem>>)
      %dma_start3A_1411 = arith.constant 0 : i32
      %dma_start3A_1412 = arith.constant 0 : i32
      %dma_start3A_1413 = tpu.memref_slice %arg9[%dma_start3A_1412] : memref<768xf32, #tpu.memory_space<vmem>> -> memref<128xf32, #tpu.memory_space<vmem>>
      %dma_start3A_1414 = arith.constant 0 : i32
      %dma_start3A_1415 = tpu.memref_slice %arg7[%dma_start3A_1411, %dma_start3A_1414] : memref<6x128xi32, #tpu.memory_space<vmem>> -> memref<1x128xi32, #tpu.memory_space<vmem>>
      %dma_start3A_1416 = tpu.memref_squeeze %dma_start3A_1415 : memref<1x128xi32, #tpu.memory_space<vmem>> -> memref<128xi32, #tpu.memory_space<vmem>>
      %dma_start3A_1417 = arith.constant 0 : i32
      %dma_start3A_1418 = tpu.memref_slice %arg2[%dma_start3A_1417] : memref<25165824xf32, #tpu.memory_space<hbm>> -> memref<25165824xf32, #tpu.memory_space<hbm>>
      tpu.enqueue_indirect_dma source(%dma_start3A_1418 : memref<25165824xf32, #tpu.memory_space<hbm>>) target(%dma_start3A_1413 : memref<128xf32, #tpu.memory_space<vmem>>) offsets(%dma_start3A_1416 : memref<128xi32, #tpu.memory_space<vmem>>) semaphore(%arg10 : memref<!tpu.dma_semaphore, #tpu.memory_space<semaphore_mem>>)
      %dma_start3A_1419 = arith.constant 0 : i32
      %dma_start3A_1420 = arith.constant 0 : i32
      %dma_start3A_1421 = tpu.memref_slice %arg9[%dma_start3A_1420] : memref<768xf32, #tpu.memory_space<vmem>> -> memref<128xf32, #tpu.memory_space<vmem>>
      %dma_start3A_1422 = arith.constant 0 : i32
      %dma_start3A_1423 = tpu.memref_slice %arg7[%dma_start3A_1419, %dma_start3A_1422] : memref<6x128xi32, #tpu.memory_space<vmem>> -> memref<1x128xi32, #tpu.memory_space<vmem>>
      %dma_start3A_1424 = tpu.memref_squeeze %dma_start3A_1423 : memref<1x128xi32, #tpu.memory_space<vmem>> -> memref<128xi32, #tpu.memory_space<vmem>>
      %dma_start3A_1425 = arith.constant 0 : i32
      %dma_start3A_1426 = tpu.memref_slice %arg2[%dma_start3A_1425] : memref<25165824xf32, #tpu.memory_space<hbm>> -> memref<25165824xf32, #tpu.memory_space<hbm>>
      tpu.enqueue_indirect_dma source(%dma_start3A_1426 : memref<25165824xf32, #tpu.memory_space<hbm>>) target(%dma_start3A_1421 : memref<128xf32, #tpu.memory_space<vmem>>) offsets(%dma_start3A_1424 : memref<128xi32, #tpu.memory_space<vmem>>) semaphore(%arg10 : memref<!tpu.dma_semaphore, #tpu.memory_space<semaphore_mem>>)
      %dma_start3A_1427 = arith.constant 1 : i32
      %dma_start3A_1428 = arith.constant 128 : i32
      %dma_start3A_1429 = tpu.memref_slice %arg8[%dma_start3A_1428] : memref<768xf32, #tpu.memory_space<vmem>> -> memref<128xf32, #tpu.memory_space<vmem>>
      %dma_start3A_1430 = arith.constant 0 : i32
      %dma_start3A_1431 = tpu.memref_slice %arg6[%dma_start3A_1427, %dma_start3A_1430] : memref<6x128xi32, #tpu.memory_space<vmem>> -> memref<1x128xi32, #tpu.memory_space<vmem>>
      %dma_start3A_1432 = tpu.memref_squeeze %dma_start3A_1431 : memref<1x128xi32, #tpu.memory_space<vmem>> -> memref<128xi32, #tpu.memory_space<vmem>>
      %dma_start3A_1433 = arith.constant 0 : i32
      %dma_start3A_1434 = tpu.memref_slice %arg2[%dma_start3A_1433] : memref<25165824xf32, #tpu.memory_space<hbm>> -> memref<25165824xf32, #tpu.memory_space<hbm>>
      tpu.enqueue_indirect_dma source(%dma_start3A_1434 : memref<25165824xf32, #tpu.memory_space<hbm>>) target(%dma_start3A_1429 : memref<128xf32, #tpu.memory_space<vmem>>) offsets(%dma_start3A_1432 : memref<128xi32, #tpu.memory_space<vmem>>) semaphore(%arg10 : memref<!tpu.dma_semaphore, #tpu.memory_space<semaphore_mem>>)
      %dma_start3A_1435 = arith.constant 1 : i32
      %dma_start3A_1436 = arith.constant 128 : i32
      %dma_start3A_1437 = tpu.memref_slice %arg8[%dma_start3A_1436] : memref<768xf32, #tpu.memory_space<vmem>> -> memref<128xf32, #tpu.memory_space<vmem>>
      %dma_start3A_1438 = arith.constant 0 : i32
      %dma_start3A_1439 = tpu.memref_slice %arg6[%dma_start3A_1435, %dma_start3A_1438] : memref<6x128xi32, #tpu.memory_space<vmem>> -> memref<1x128xi32, #tpu.memory_space<vmem>>
      %dma_start3A_1440 = tpu.memref_squeeze %dma_start3A_1439 : memref<1x128xi32, #tpu.memory_space<vmem>> -> memref<128xi32, #tpu.memory_space<vmem>>
      %dma_start3A_1441 = arith.constant 0 : i32
      %dma_start3A_1442 = tpu.memref_slice %arg2[%dma_start3A_1441] : memref<25165824xf32, #tpu.memory_space<hbm>> -> memref<25165824xf32, #tpu.memory_space<hbm>>
      tpu.enqueue_indirect_dma source(%dma_start3A_1442 : memref<25165824xf32, #tpu.memory_space<hbm>>) target(%dma_start3A_1437 : memref<128xf32, #tpu.memory_space<vmem>>) offsets(%dma_start3A_1440 : memref<128xi32, #tpu.memory_space<vmem>>) semaphore(%arg10 : memref<!tpu.dma_semaphore, #tpu.memory_space<semaphore_mem>>)
      %dma_start3A_1443 = arith.constant 1 : i32
      %dma_start3A_1444 = arith.constant 128 : i32
      %dma_start3A_1445 = tpu.memref_slice %arg9[%dma_start3A_1444] : memref<768xf32, #tpu.memory_space<vmem>> -> memref<128xf32, #tpu.memory_space<vmem>>
      %dma_start3A_1446 = arith.constant 0 : i32
      %dma_start3A_1447 = tpu.memref_slice %arg7[%dma_start3A_1443, %dma_start3A_1446] : memref<6x128xi32, #tpu.memory_space<vmem>> -> memref<1x128xi32, #tpu.memory_space<vmem>>
      %dma_start3A_1448 = tpu.memref_squeeze %dma_start3A_1447 : memref<1x128xi32, #tpu.memory_space<vmem>> -> memref<128xi32, #tpu.memory_space<vmem>>
      %dma_start3A_1449 = arith.constant 0 : i32
      %dma_start3A_1450 = tpu.memref_slice %arg2[%dma_start3A_1449] : memref<25165824xf32, #tpu.memory_space<hbm>> -> memref<25165824xf32, #tpu.memory_space<hbm>>
      tpu.enqueue_indirect_dma source(%dma_start3A_1450 : memref<25165824xf32, #tpu.memory_space<hbm>>) target(%dma_start3A_1445 : memref<128xf32, #tpu.memory_space<vmem>>) offsets(%dma_start3A_1448 : memref<128xi32, #tpu.memory_space<vmem>>) semaphore(%arg10 : memref<!tpu.dma_semaphore, #tpu.memory_space<semaphore_mem>>)
      %dma_start3A_1451 = arith.constant 1 : i32
      %dma_start3A_1452 = arith.constant 128 : i32
      %dma_start3A_1453 = tpu.memref_slice %arg9[%dma_start3A_1452] : memref<768xf32, #tpu.memory_space<vmem>> -> memref<128xf32, #tpu.memory_space<vmem>>
      %dma_start3A_1454 = arith.constant 0 : i32
      %dma_start3A_1455 = tpu.memref_slice %arg7[%dma_start3A_1451, %dma_start3A_1454] : memref<6x128xi32, #tpu.memory_space<vmem>> -> memref<1x128xi32, #tpu.memory_space<vmem>>
      %dma_start3A_1456 = tpu.memref_squeeze %dma_start3A_1455 : memref<1x128xi32, #tpu.memory_space<vmem>> -> memref<128xi32, #tpu.memory_space<vmem>>
      %dma_start3A_1457 = arith.constant 0 : i32
      %dma_start3A_1458 = tpu.memref_slice %arg2[%dma_start3A_1457] : memref<25165824xf32, #tpu.memory_space<hbm>> -> memref<25165824xf32, #tpu.memory_space<hbm>>
      tpu.enqueue_indirect_dma source(%dma_start3A_1458 : memref<25165824xf32, #tpu.memory_space<hbm>>) target(%dma_start3A_1453 : memref<128xf32, #tpu.memory_space<vmem>>) offsets(%dma_start3A_1456 : memref<128xi32, #tpu.memory_space<vmem>>) semaphore(%arg10 : memref<!tpu.dma_semaphore, #tpu.memory_space<semaphore_mem>>)
      %dma_start3A_1459 = arith.constant 2 : i32
      %dma_start3A_1460 = arith.constant 256 : i32
      %dma_start3A_1461 = tpu.memref_slice %arg8[%dma_start3A_1460] : memref<768xf32, #tpu.memory_space<vmem>> -> memref<128xf32, #tpu.memory_space<vmem>>
      %dma_start3A_1462 = arith.constant 0 : i32
      %dma_start3A_1463 = tpu.memref_slice %arg6[%dma_start3A_1459, %dma_start3A_1462] : memref<6x128xi32, #tpu.memory_space<vmem>> -> memref<1x128xi32, #tpu.memory_space<vmem>>
      %dma_start3A_1464 = tpu.memref_squeeze %dma_start3A_1463 : memref<1x128xi32, #tpu.memory_space<vmem>> -> memref<128xi32, #tpu.memory_space<vmem>>
      %dma_start3A_1465 = arith.constant 0 : i32
      %dma_start3A_1466 = tpu.memref_slice %arg2[%dma_start3A_1465] : memref<25165824xf32, #tpu.memory_space<hbm>> -> memref<25165824xf32, #tpu.memory_space<hbm>>
      tpu.enqueue_indirect_dma source(%dma_start3A_1466 : memref<25165824xf32, #tpu.memory_space<hbm>>) target(%dma_start3A_1461 : memref<128xf32, #tpu.memory_space<vmem>>) offsets(%dma_start3A_1464 : memref<128xi32, #tpu.memory_space<vmem>>) semaphore(%arg10 : memref<!tpu.dma_semaphore, #tpu.memory_space<semaphore_mem>>)
      %dma_start3A_1467 = arith.constant 2 : i32
      %dma_start3A_1468 = arith.constant 256 : i32
      %dma_start3A_1469 = tpu.memref_slice %arg8[%dma_start3A_1468] : memref<768xf32, #tpu.memory_space<vmem>> -> memref<128xf32, #tpu.memory_space<vmem>>
      %dma_start3A_1470 = arith.constant 0 : i32
      %dma_start3A_1471 = tpu.memref_slice %arg6[%dma_start3A_1467, %dma_start3A_1470] : memref<6x128xi32, #tpu.memory_space<vmem>> -> memref<1x128xi32, #tpu.memory_space<vmem>>
      %dma_start3A_1472 = tpu.memref_squeeze %dma_start3A_1471 : memref<1x128xi32, #tpu.memory_space<vmem>> -> memref<128xi32, #tpu.memory_space<vmem>>
      %dma_start3A_1473 = arith.constant 0 : i32
      %dma_start3A_1474 = tpu.memref_slice %arg2[%dma_start3A_1473] : memref<25165824xf32, #tpu.memory_space<hbm>> -> memref<25165824xf32, #tpu.memory_space<hbm>>
      tpu.enqueue_indirect_dma source(%dma_start3A_1474 : memref<25165824xf32, #tpu.memory_space<hbm>>) target(%dma_start3A_1469 : memref<128xf32, #tpu.memory_space<vmem>>) offsets(%dma_start3A_1472 : memref<128xi32, #tpu.memory_space<vmem>>) semaphore(%arg10 : memref<!tpu.dma_semaphore, #tpu.memory_space<semaphore_mem>>)
      %dma_start3A_1475 = arith.constant 2 : i32
      %dma_start3A_1476 = arith.constant 256 : i32
      %dma_start3A_1477 = tpu.memref_slice %arg9[%dma_start3A_1476] : memref<768xf32, #tpu.memory_space<vmem>> -> memref<128xf32, #tpu.memory_space<vmem>>
      %dma_start3A_1478 = arith.constant 0 : i32
      %dma_start3A_1479 = tpu.memref_slice %arg7[%dma_start3A_1475, %dma_start3A_1478] : memref<6x128xi32, #tpu.memory_space<vmem>> -> memref<1x128xi32, #tpu.memory_space<vmem>>
      %dma_start3A_1480 = tpu.memref_squeeze %dma_start3A_1479 : memref<1x128xi32, #tpu.memory_space<vmem>> -> memref<128xi32, #tpu.memory_space<vmem>>
      %dma_start3A_1481 = arith.constant 0 : i32
      %dma_start3A_1482 = tpu.memref_slice %arg2[%dma_start3A_1481] : memref<25165824xf32, #tpu.memory_space<hbm>> -> memref<25165824xf32, #tpu.memory_space<hbm>>
      tpu.enqueue_indirect_dma source(%dma_start3A_1482 : memref<25165824xf32, #tpu.memory_space<hbm>>) target(%dma_start3A_1477 : memref<128xf32, #tpu.memory_space<vmem>>) offsets(%dma_start3A_1480 : memref<128xi32, #tpu.memory_space<vmem>>) semaphore(%arg10 : memref<!tpu.dma_semaphore, #tpu.memory_space<semaphore_mem>>)
      %dma_start3A_1483 = arith.constant 2 : i32
      %dma_start3A_1484 = arith.constant 256 : i32
      %dma_start3A_1485 = tpu.memref_slice %arg9[%dma_start3A_1484] : memref<768xf32, #tpu.memory_space<vmem>> -> memref<128xf32, #tpu.memory_space<vmem>>
      %dma_start3A_1486 = arith.constant 0 : i32
      %dma_start3A_1487 = tpu.memref_slice %arg7[%dma_start3A_1483, %dma_start3A_1486] : memref<6x128xi32, #tpu.memory_space<vmem>> -> memref<1x128xi32, #tpu.memory_space<vmem>>
      %dma_start3A_1488 = tpu.memref_squeeze %dma_start3A_1487 : memref<1x128xi32, #tpu.memory_space<vmem>> -> memref<128xi32, #tpu.memory_space<vmem>>
      %dma_start3A_1489 = arith.constant 0 : i32
      %dma_start3A_1490 = tpu.memref_slice %arg2[%dma_start3A_1489] : memref<25165824xf32, #tpu.memory_space<hbm>> -> memref<25165824xf32, #tpu.memory_space<hbm>>
      tpu.enqueue_indirect_dma source(%dma_start3A_1490 : memref<25165824xf32, #tpu.memory_space<hbm>>) target(%dma_start3A_1485 : memref<128xf32, #tpu.memory_space<vmem>>) offsets(%dma_start3A_1488 : memref<128xi32, #tpu.memory_space<vmem>>) semaphore(%arg10 : memref<!tpu.dma_semaphore, #tpu.memory_space<semaphore_mem>>)
      %dma_start3A_1491 = arith.constant 3 : i32
      %dma_start3A_1492 = arith.constant 384 : i32
      %dma_start3A_1493 = tpu.memref_slice %arg8[%dma_start3A_1492] : memref<768xf32, #tpu.memory_space<vmem>> -> memref<128xf32, #tpu.memory_space<vmem>>
      %dma_start3A_1494 = arith.constant 0 : i32
      %dma_start3A_1495 = tpu.memref_slice %arg6[%dma_start3A_1491, %dma_start3A_1494] : memref<6x128xi32, #tpu.memory_space<vmem>> -> memref<1x128xi32, #tpu.memory_space<vmem>>
      %dma_start3A_1496 = tpu.memref_squeeze %dma_start3A_1495 : memref<1x128xi32, #tpu.memory_space<vmem>> -> memref<128xi32, #tpu.memory_space<vmem>>
      %dma_start3A_1497 = arith.constant 0 : i32
      %dma_start3A_1498 = tpu.memref_slice %arg2[%dma_start3A_1497] : memref<25165824xf32, #tpu.memory_space<hbm>> -> memref<25165824xf32, #tpu.memory_space<hbm>>
      tpu.enqueue_indirect_dma source(%dma_start3A_1498 : memref<25165824xf32, #tpu.memory_space<hbm>>) target(%dma_start3A_1493 : memref<128xf32, #tpu.memory_space<vmem>>) offsets(%dma_start3A_1496 : memref<128xi32, #tpu.memory_space<vmem>>) semaphore(%arg10 : memref<!tpu.dma_semaphore, #tpu.memory_space<semaphore_mem>>)
      %dma_start3A_1499 = arith.constant 3 : i32
      %dma_start3A_1500 = arith.constant 384 : i32
      %dma_start3A_1501 = tpu.memref_slice %arg8[%dma_start3A_1500] : memref<768xf32, #tpu.memory_space<vmem>> -> memref<128xf32, #tpu.memory_space<vmem>>
      %dma_start3A_1502 = arith.constant 0 : i32
      %dma_start3A_1503 = tpu.memref_slice %arg6[%dma_start3A_1499, %dma_start3A_1502] : memref<6x128xi32, #tpu.memory_space<vmem>> -> memref<1x128xi32, #tpu.memory_space<vmem>>
      %dma_start3A_1504 = tpu.memref_squeeze %dma_start3A_1503 : memref<1x128xi32, #tpu.memory_space<vmem>> -> memref<128xi32, #tpu.memory_space<vmem>>
      %dma_start3A_1505 = arith.constant 0 : i32
      %dma_start3A_1506 = tpu.memref_slice %arg2[%dma_start3A_1505] : memref<25165824xf32, #tpu.memory_space<hbm>> -> memref<25165824xf32, #tpu.memory_space<hbm>>
      tpu.enqueue_indirect_dma source(%dma_start3A_1506 : memref<25165824xf32, #tpu.memory_space<hbm>>) target(%dma_start3A_1501 : memref<128xf32, #tpu.memory_space<vmem>>) offsets(%dma_start3A_1504 : memref<128xi32, #tpu.memory_space<vmem>>) semaphore(%arg10 : memref<!tpu.dma_semaphore, #tpu.memory_space<semaphore_mem>>)
      %dma_start3A_1507 = arith.constant 3 : i32
      %dma_start3A_1508 = arith.constant 384 : i32
      %dma_start3A_1509 = tpu.memref_slice %arg9[%dma_start3A_1508] : memref<768xf32, #tpu.memory_space<vmem>> -> memref<128xf32, #tpu.memory_space<vmem>>
      %dma_start3A_1510 = arith.constant 0 : i32
      %dma_start3A_1511 = tpu.memref_slice %arg7[%dma_start3A_1507, %dma_start3A_1510] : memref<6x128xi32, #tpu.memory_space<vmem>> -> memref<1x128xi32, #tpu.memory_space<vmem>>
      %dma_start3A_1512 = tpu.memref_squeeze %dma_start3A_1511 : memref<1x128xi32, #tpu.memory_space<vmem>> -> memref<128xi32, #tpu.memory_space<vmem>>
      %dma_start3A_1513 = arith.constant 0 : i32
      %dma_start3A_1514 = tpu.memref_slice %arg2[%dma_start3A_1513] : memref<25165824xf32, #tpu.memory_space<hbm>> -> memref<25165824xf32, #tpu.memory_space<hbm>>
      tpu.enqueue_indirect_dma source(%dma_start3A_1514 : memref<25165824xf32, #tpu.memory_space<hbm>>) target(%dma_start3A_1509 : memref<128xf32, #tpu.memory_space<vmem>>) offsets(%dma_start3A_1512 : memref<128xi32, #tpu.memory_space<vmem>>) semaphore(%arg10 : memref<!tpu.dma_semaphore, #tpu.memory_space<semaphore_mem>>)
      %dma_start3A_1515 = arith.constant 3 : i32
      %dma_start3A_1516 = arith.constant 384 : i32
      %dma_start3A_1517 = tpu.memref_slice %arg9[%dma_start3A_1516] : memref<768xf32, #tpu.memory_space<vmem>> -> memref<128xf32, #tpu.memory_space<vmem>>
      %dma_start3A_1518 = arith.constant 0 : i32
      %dma_start3A_1519 = tpu.memref_slice %arg7[%dma_start3A_1515, %dma_start3A_1518] : memref<6x128xi32, #tpu.memory_space<vmem>> -> memref<1x128xi32, #tpu.memory_space<vmem>>
      %dma_start3A_1520 = tpu.memref_squeeze %dma_start3A_1519 : memref<1x128xi32, #tpu.memory_space<vmem>> -> memref<128xi32, #tpu.memory_space<vmem>>
      %dma_start3A_1521 = arith.constant 0 : i32
      %dma_start3A_1522 = tpu.memref_slice %arg2[%dma_start3A_1521] : memref<25165824xf32, #tpu.memory_space<hbm>> -> memref<25165824xf32, #tpu.memory_space<hbm>>
      tpu.enqueue_indirect_dma source(%dma_start3A_1522 : memref<25165824xf32, #tpu.memory_space<hbm>>) target(%dma_start3A_1517 : memref<128xf32, #tpu.memory_space<vmem>>) offsets(%dma_start3A_1520 : memref<128xi32, #tpu.memory_space<vmem>>) semaphore(%arg10 : memref<!tpu.dma_semaphore, #tpu.memory_space<semaphore_mem>>)
      %dma_start3A_1523 = arith.constant 4 : i32
      %dma_start3A_1524 = arith.constant 512 : i32
      %dma_start3A_1525 = tpu.memref_slice %arg8[%dma_start3A_1524] : memref<768xf32, #tpu.memory_space<vmem>> -> memref<128xf32, #tpu.memory_space<vmem>>
      %dma_start3A_1526 = arith.constant 0 : i32
      %dma_start3A_1527 = tpu.memref_slice %arg6[%dma_start3A_1523, %dma_start3A_1526] : memref<6x128xi32, #tpu.memory_space<vmem>> -> memref<1x128xi32, #tpu.memory_space<vmem>>
      %dma_start3A_1528 = tpu.memref_squeeze %dma_start3A_1527 : memref<1x128xi32, #tpu.memory_space<vmem>> -> memref<128xi32, #tpu.memory_space<vmem>>
      %dma_start3A_1529 = arith.constant 0 : i32
      %dma_start3A_1530 = tpu.memref_slice %arg2[%dma_start3A_1529] : memref<25165824xf32, #tpu.memory_space<hbm>> -> memref<25165824xf32, #tpu.memory_space<hbm>>
      tpu.enqueue_indirect_dma source(%dma_start3A_1530 : memref<25165824xf32, #tpu.memory_space<hbm>>) target(%dma_start3A_1525 : memref<128xf32, #tpu.memory_space<vmem>>) offsets(%dma_start3A_1528 : memref<128xi32, #tpu.memory_space<vmem>>) semaphore(%arg10 : memref<!tpu.dma_semaphore, #tpu.memory_space<semaphore_mem>>)
      %dma_start3A_1531 = arith.constant 4 : i32
      %dma_start3A_1532 = arith.constant 512 : i32
      %dma_start3A_1533 = tpu.memref_slice %arg8[%dma_start3A_1532] : memref<768xf32, #tpu.memory_space<vmem>> -> memref<128xf32, #tpu.memory_space<vmem>>
      %dma_start3A_1534 = arith.constant 0 : i32
      %dma_start3A_1535 = tpu.memref_slice %arg6[%dma_start3A_1531, %dma_start3A_1534] : memref<6x128xi32, #tpu.memory_space<vmem>> -> memref<1x128xi32, #tpu.memory_space<vmem>>
      %dma_start3A_1536 = tpu.memref_squeeze %dma_start3A_1535 : memref<1x128xi32, #tpu.memory_space<vmem>> -> memref<128xi32, #tpu.memory_space<vmem>>
      %dma_start3A_1537 = arith.constant 0 : i32
      %dma_start3A_1538 = tpu.memref_slice %arg2[%dma_start3A_1537] : memref<25165824xf32, #tpu.memory_space<hbm>> -> memref<25165824xf32, #tpu.memory_space<hbm>>
      tpu.enqueue_indirect_dma source(%dma_start3A_1538 : memref<25165824xf32, #tpu.memory_space<hbm>>) target(%dma_start3A_1533 : memref<128xf32, #tpu.memory_space<vmem>>) offsets(%dma_start3A_1536 : memref<128xi32, #tpu.memory_space<vmem>>) semaphore(%arg10 : memref<!tpu.dma_semaphore, #tpu.memory_space<semaphore_mem>>)
      %dma_start3A_1539 = arith.constant 4 : i32
      %dma_start3A_1540 = arith.constant 512 : i32
      %dma_start3A_1541 = tpu.memref_slice %arg9[%dma_start3A_1540] : memref<768xf32, #tpu.memory_space<vmem>> -> memref<128xf32, #tpu.memory_space<vmem>>
      %dma_start3A_1542 = arith.constant 0 : i32
      %dma_start3A_1543 = tpu.memref_slice %arg7[%dma_start3A_1539, %dma_start3A_1542] : memref<6x128xi32, #tpu.memory_space<vmem>> -> memref<1x128xi32, #tpu.memory_space<vmem>>
      %dma_start3A_1544 = tpu.memref_squeeze %dma_start3A_1543 : memref<1x128xi32, #tpu.memory_space<vmem>> -> memref<128xi32, #tpu.memory_space<vmem>>
      %dma_start3A_1545 = arith.constant 0 : i32
      %dma_start3A_1546 = tpu.memref_slice %arg2[%dma_start3A_1545] : memref<25165824xf32, #tpu.memory_space<hbm>> -> memref<25165824xf32, #tpu.memory_space<hbm>>
      tpu.enqueue_indirect_dma source(%dma_start3A_1546 : memref<25165824xf32, #tpu.memory_space<hbm>>) target(%dma_start3A_1541 : memref<128xf32, #tpu.memory_space<vmem>>) offsets(%dma_start3A_1544 : memref<128xi32, #tpu.memory_space<vmem>>) semaphore(%arg10 : memref<!tpu.dma_semaphore, #tpu.memory_space<semaphore_mem>>)
      %dma_start3A_1547 = arith.constant 4 : i32
      %dma_start3A_1548 = arith.constant 512 : i32
      %dma_start3A_1549 = tpu.memref_slice %arg9[%dma_start3A_1548] : memref<768xf32, #tpu.memory_space<vmem>> -> memref<128xf32, #tpu.memory_space<vmem>>
      %dma_start3A_1550 = arith.constant 0 : i32
      %dma_start3A_1551 = tpu.memref_slice %arg7[%dma_start3A_1547, %dma_start3A_1550] : memref<6x128xi32, #tpu.memory_space<vmem>> -> memref<1x128xi32, #tpu.memory_space<vmem>>
      %dma_start3A_1552 = tpu.memref_squeeze %dma_start3A_1551 : memref<1x128xi32, #tpu.memory_space<vmem>> -> memref<128xi32, #tpu.memory_space<vmem>>
      %dma_start3A_1553 = arith.constant 0 : i32
      %dma_start3A_1554 = tpu.memref_slice %arg2[%dma_start3A_1553] : memref<25165824xf32, #tpu.memory_space<hbm>> -> memref<25165824xf32, #tpu.memory_space<hbm>>
      tpu.enqueue_indirect_dma source(%dma_start3A_1554 : memref<25165824xf32, #tpu.memory_space<hbm>>) target(%dma_start3A_1549 : memref<128xf32, #tpu.memory_space<vmem>>) offsets(%dma_start3A_1552 : memref<128xi32, #tpu.memory_space<vmem>>) semaphore(%arg10 : memref<!tpu.dma_semaphore, #tpu.memory_space<semaphore_mem>>)
      %dma_start3A_1555 = arith.constant 5 : i32
      %dma_start3A_1556 = arith.constant 640 : i32
      %dma_start3A_1557 = tpu.memref_slice %arg8[%dma_start3A_1556] : memref<768xf32, #tpu.memory_space<vmem>> -> memref<128xf32, #tpu.memory_space<vmem>>
      %dma_start3A_1558 = arith.constant 0 : i32
      %dma_start3A_1559 = tpu.memref_slice %arg6[%dma_start3A_1555, %dma_start3A_1558] : memref<6x128xi32, #tpu.memory_space<vmem>> -> memref<1x128xi32, #tpu.memory_space<vmem>>
      %dma_start3A_1560 = tpu.memref_squeeze %dma_start3A_1559 : memref<1x128xi32, #tpu.memory_space<vmem>> -> memref<128xi32, #tpu.memory_space<vmem>>
      %dma_start3A_1561 = arith.constant 0 : i32
      %dma_start3A_1562 = tpu.memref_slice %arg2[%dma_start3A_1561] : memref<25165824xf32, #tpu.memory_space<hbm>> -> memref<25165824xf32, #tpu.memory_space<hbm>>
      tpu.enqueue_indirect_dma source(%dma_start3A_1562 : memref<25165824xf32, #tpu.memory_space<hbm>>) target(%dma_start3A_1557 : memref<128xf32, #tpu.memory_space<vmem>>) offsets(%dma_start3A_1560 : memref<128xi32, #tpu.memory_space<vmem>>) semaphore(%arg10 : memref<!tpu.dma_semaphore, #tpu.memory_space<semaphore_mem>>)
      %dma_start3A_1563 = arith.constant 5 : i32
      %dma_start3A_1564 = arith.constant 640 : i32
      %dma_start3A_1565 = tpu.memref_slice %arg8[%dma_start3A_1564] : memref<768xf32, #tpu.memory_space<vmem>> -> memref<128xf32, #tpu.memory_space<vmem>>
      %dma_start3A_1566 = arith.constant 0 : i32
      %dma_start3A_1567 = tpu.memref_slice %arg6[%dma_start3A_1563, %dma_start3A_1566] : memref<6x128xi32, #tpu.memory_space<vmem>> -> memref<1x128xi32, #tpu.memory_space<vmem>>
      %dma_start3A_1568 = tpu.memref_squeeze %dma_start3A_1567 : memref<1x128xi32, #tpu.memory_space<vmem>> -> memref<128xi32, #tpu.memory_space<vmem>>
      %dma_start3A_1569 = arith.constant 0 : i32
      %dma_start3A_1570 = tpu.memref_slice %arg2[%dma_start3A_1569] : memref<25165824xf32, #tpu.memory_space<hbm>> -> memref<25165824xf32, #tpu.memory_space<hbm>>
      tpu.enqueue_indirect_dma source(%dma_start3A_1570 : memref<25165824xf32, #tpu.memory_space<hbm>>) target(%dma_start3A_1565 : memref<128xf32, #tpu.memory_space<vmem>>) offsets(%dma_start3A_1568 : memref<128xi32, #tpu.memory_space<vmem>>) semaphore(%arg10 : memref<!tpu.dma_semaphore, #tpu.memory_space<semaphore_mem>>)
      %dma_start3A_1571 = arith.constant 5 : i32
      %dma_start3A_1572 = arith.constant 640 : i32
      %dma_start3A_1573 = tpu.memref_slice %arg9[%dma_start3A_1572] : memref<768xf32, #tpu.memory_space<vmem>> -> memref<128xf32, #tpu.memory_space<vmem>>
      %dma_start3A_1574 = arith.constant 0 : i32
      %dma_start3A_1575 = tpu.memref_slice %arg7[%dma_start3A_1571, %dma_start3A_1574] : memref<6x128xi32, #tpu.memory_space<vmem>> -> memref<1x128xi32, #tpu.memory_space<vmem>>
      %dma_start3A_1576 = tpu.memref_squeeze %dma_start3A_1575 : memref<1x128xi32, #tpu.memory_space<vmem>> -> memref<128xi32, #tpu.memory_space<vmem>>
      %dma_start3A_1577 = arith.constant 0 : i32
      %dma_start3A_1578 = tpu.memref_slice %arg2[%dma_start3A_1577] : memref<25165824xf32, #tpu.memory_space<hbm>> -> memref<25165824xf32, #tpu.memory_space<hbm>>
      tpu.enqueue_indirect_dma source(%dma_start3A_1578 : memref<25165824xf32, #tpu.memory_space<hbm>>) target(%dma_start3A_1573 : memref<128xf32, #tpu.memory_space<vmem>>) offsets(%dma_start3A_1576 : memref<128xi32, #tpu.memory_space<vmem>>) semaphore(%arg10 : memref<!tpu.dma_semaphore, #tpu.memory_space<semaphore_mem>>)
      %dma_start3A_1579 = arith.constant 5 : i32
      %dma_start3A_1580 = arith.constant 640 : i32
      %dma_start3A_1581 = tpu.memref_slice %arg9[%dma_start3A_1580] : memref<768xf32, #tpu.memory_space<vmem>> -> memref<128xf32, #tpu.memory_space<vmem>>
      %dma_start3A_1582 = arith.constant 0 : i32
      %dma_start3A_1583 = tpu.memref_slice %arg7[%dma_start3A_1579, %dma_start3A_1582] : memref<6x128xi32, #tpu.memory_space<vmem>> -> memref<1x128xi32, #tpu.memory_space<vmem>>
      %dma_start3A_1584 = tpu.memref_squeeze %dma_start3A_1583 : memref<1x128xi32, #tpu.memory_space<vmem>> -> memref<128xi32, #tpu.memory_space<vmem>>
      %dma_start3A_1585 = arith.constant 0 : i32
      %dma_start3A_1586 = tpu.memref_slice %arg2[%dma_start3A_1585] : memref<25165824xf32, #tpu.memory_space<hbm>> -> memref<25165824xf32, #tpu.memory_space<hbm>>
      tpu.enqueue_indirect_dma source(%dma_start3A_1586 : memref<25165824xf32, #tpu.memory_space<hbm>>) target(%dma_start3A_1581 : memref<128xf32, #tpu.memory_space<vmem>>) offsets(%dma_start3A_1584 : memref<128xi32, #tpu.memory_space<vmem>>) semaphore(%arg10 : memref<!tpu.dma_semaphore, #tpu.memory_space<semaphore_mem>>)
      %dma_wait3A = arith.constant 0 : i32
      %dma_wait3A_1587 = arith.constant 0 : i32
      %dma_wait3A_1588 = tpu.memref_slice %arg8[%dma_wait3A_1587] : memref<768xf32, #tpu.memory_space<vmem>> -> memref<128xf32, #tpu.memory_space<vmem>>
      %dma_wait3A_1589 = arith.constant 0 : i32
      %dma_wait3A_1590 = tpu.memref_slice %arg6[%dma_wait3A, %dma_wait3A_1589] : memref<6x128xi32, #tpu.memory_space<vmem>> -> memref<1x128xi32, #tpu.memory_space<vmem>>
      %dma_wait3A_1591 = tpu.memref_squeeze %dma_wait3A_1590 : memref<1x128xi32, #tpu.memory_space<vmem>> -> memref<128xi32, #tpu.memory_space<vmem>>
      %dma_wait3A_1592 = arith.constant 0 : i32
      %dma_wait3A_1593 = tpu.memref_slice %arg2[%dma_wait3A_1592] : memref<25165824xf32, #tpu.memory_space<hbm>> -> memref<25165824xf32, #tpu.memory_space<hbm>>
      tpu.wait_indirect_dma semaphore(%arg10 : memref<!tpu.dma_semaphore, #tpu.memory_space<semaphore_mem>>) src(%dma_wait3A_1593 : memref<25165824xf32, #tpu.memory_space<hbm>>) dst(%dma_wait3A_1588 : memref<128xf32, #tpu.memory_space<vmem>>)
      %dma_wait3A_1594 = arith.constant 0 : i32
      %dma_wait3A_1595 = arith.constant 0 : i32
      %dma_wait3A_1596 = tpu.memref_slice %arg9[%dma_wait3A_1595] : memref<768xf32, #tpu.memory_space<vmem>> -> memref<128xf32, #tpu.memory_space<vmem>>
      %dma_wait3A_1597 = arith.constant 0 : i32
      %dma_wait3A_1598 = tpu.memref_slice %arg7[%dma_wait3A_1594, %dma_wait3A_1597] : memref<6x128xi32, #tpu.memory_space<vmem>> -> memref<1x128xi32, #tpu.memory_space<vmem>>
      %dma_wait3A_1599 = tpu.memref_squeeze %dma_wait3A_1598 : memref<1x128xi32, #tpu.memory_space<vmem>> -> memref<128xi32, #tpu.memory_space<vmem>>
      %dma_wait3A_1600 = arith.constant 0 : i32
      %dma_wait3A_1601 = tpu.memref_slice %arg2[%dma_wait3A_1600] : memref<25165824xf32, #tpu.memory_space<hbm>> -> memref<25165824xf32, #tpu.memory_space<hbm>>
      tpu.wait_indirect_dma semaphore(%arg10 : memref<!tpu.dma_semaphore, #tpu.memory_space<semaphore_mem>>) src(%dma_wait3A_1601 : memref<25165824xf32, #tpu.memory_space<hbm>>) dst(%dma_wait3A_1596 : memref<128xf32, #tpu.memory_space<vmem>>)
      %dma_wait3A_1602 = arith.constant 1 : i32
      %dma_wait3A_1603 = arith.constant 128 : i32
      %dma_wait3A_1604 = tpu.memref_slice %arg8[%dma_wait3A_1603] : memref<768xf32, #tpu.memory_space<vmem>> -> memref<128xf32, #tpu.memory_space<vmem>>
      %dma_wait3A_1605 = arith.constant 0 : i32
      %dma_wait3A_1606 = tpu.memref_slice %arg6[%dma_wait3A_1602, %dma_wait3A_1605] : memref<6x128xi32, #tpu.memory_space<vmem>> -> memref<1x128xi32, #tpu.memory_space<vmem>>
      %dma_wait3A_1607 = tpu.memref_squeeze %dma_wait3A_1606 : memref<1x128xi32, #tpu.memory_space<vmem>> -> memref<128xi32, #tpu.memory_space<vmem>>
      %dma_wait3A_1608 = arith.constant 0 : i32
      %dma_wait3A_1609 = tpu.memref_slice %arg2[%dma_wait3A_1608] : memref<25165824xf32, #tpu.memory_space<hbm>> -> memref<25165824xf32, #tpu.memory_space<hbm>>
      tpu.wait_indirect_dma semaphore(%arg10 : memref<!tpu.dma_semaphore, #tpu.memory_space<semaphore_mem>>) src(%dma_wait3A_1609 : memref<25165824xf32, #tpu.memory_space<hbm>>) dst(%dma_wait3A_1604 : memref<128xf32, #tpu.memory_space<vmem>>)
      %dma_wait3A_1610 = arith.constant 1 : i32
      %dma_wait3A_1611 = arith.constant 128 : i32
      %dma_wait3A_1612 = tpu.memref_slice %arg9[%dma_wait3A_1611] : memref<768xf32, #tpu.memory_space<vmem>> -> memref<128xf32, #tpu.memory_space<vmem>>
      %dma_wait3A_1613 = arith.constant 0 : i32
      %dma_wait3A_1614 = tpu.memref_slice %arg7[%dma_wait3A_1610, %dma_wait3A_1613] : memref<6x128xi32, #tpu.memory_space<vmem>> -> memref<1x128xi32, #tpu.memory_space<vmem>>
      %dma_wait3A_1615 = tpu.memref_squeeze %dma_wait3A_1614 : memref<1x128xi32, #tpu.memory_space<vmem>> -> memref<128xi32, #tpu.memory_space<vmem>>
      %dma_wait3A_1616 = arith.constant 0 : i32
      %dma_wait3A_1617 = tpu.memref_slice %arg2[%dma_wait3A_1616] : memref<25165824xf32, #tpu.memory_space<hbm>> -> memref<25165824xf32, #tpu.memory_space<hbm>>
      tpu.wait_indirect_dma semaphore(%arg10 : memref<!tpu.dma_semaphore, #tpu.memory_space<semaphore_mem>>) src(%dma_wait3A_1617 : memref<25165824xf32, #tpu.memory_space<hbm>>) dst(%dma_wait3A_1612 : memref<128xf32, #tpu.memory_space<vmem>>)
      %dma_wait3A_1618 = arith.constant 2 : i32
      %dma_wait3A_1619 = arith.constant 256 : i32
      %dma_wait3A_1620 = tpu.memref_slice %arg8[%dma_wait3A_1619] : memref<768xf32, #tpu.memory_space<vmem>> -> memref<128xf32, #tpu.memory_space<vmem>>
      %dma_wait3A_1621 = arith.constant 0 : i32
      %dma_wait3A_1622 = tpu.memref_slice %arg6[%dma_wait3A_1618, %dma_wait3A_1621] : memref<6x128xi32, #tpu.memory_space<vmem>> -> memref<1x128xi32, #tpu.memory_space<vmem>>
      %dma_wait3A_1623 = tpu.memref_squeeze %dma_wait3A_1622 : memref<1x128xi32, #tpu.memory_space<vmem>> -> memref<128xi32, #tpu.memory_space<vmem>>
      %dma_wait3A_1624 = arith.constant 0 : i32
      %dma_wait3A_1625 = tpu.memref_slice %arg2[%dma_wait3A_1624] : memref<25165824xf32, #tpu.memory_space<hbm>> -> memref<25165824xf32, #tpu.memory_space<hbm>>
      tpu.wait_indirect_dma semaphore(%arg10 : memref<!tpu.dma_semaphore, #tpu.memory_space<semaphore_mem>>) src(%dma_wait3A_1625 : memref<25165824xf32, #tpu.memory_space<hbm>>) dst(%dma_wait3A_1620 : memref<128xf32, #tpu.memory_space<vmem>>)
      %dma_wait3A_1626 = arith.constant 2 : i32
      %dma_wait3A_1627 = arith.constant 256 : i32
      %dma_wait3A_1628 = tpu.memref_slice %arg9[%dma_wait3A_1627] : memref<768xf32, #tpu.memory_space<vmem>> -> memref<128xf32, #tpu.memory_space<vmem>>
      %dma_wait3A_1629 = arith.constant 0 : i32
      %dma_wait3A_1630 = tpu.memref_slice %arg7[%dma_wait3A_1626, %dma_wait3A_1629] : memref<6x128xi32, #tpu.memory_space<vmem>> -> memref<1x128xi32, #tpu.memory_space<vmem>>
      %dma_wait3A_1631 = tpu.memref_squeeze %dma_wait3A_1630 : memref<1x128xi32, #tpu.memory_space<vmem>> -> memref<128xi32, #tpu.memory_space<vmem>>
      %dma_wait3A_1632 = arith.constant 0 : i32
      %dma_wait3A_1633 = tpu.memref_slice %arg2[%dma_wait3A_1632] : memref<25165824xf32, #tpu.memory_space<hbm>> -> memref<25165824xf32, #tpu.memory_space<hbm>>
      tpu.wait_indirect_dma semaphore(%arg10 : memref<!tpu.dma_semaphore, #tpu.memory_space<semaphore_mem>>) src(%dma_wait3A_1633 : memref<25165824xf32, #tpu.memory_space<hbm>>) dst(%dma_wait3A_1628 : memref<128xf32, #tpu.memory_space<vmem>>)
      %dma_wait3A_1634 = arith.constant 3 : i32
      %dma_wait3A_1635 = arith.constant 384 : i32
      %dma_wait3A_1636 = tpu.memref_slice %arg8[%dma_wait3A_1635] : memref<768xf32, #tpu.memory_space<vmem>> -> memref<128xf32, #tpu.memory_space<vmem>>
      %dma_wait3A_1637 = arith.constant 0 : i32
      %dma_wait3A_1638 = tpu.memref_slice %arg6[%dma_wait3A_1634, %dma_wait3A_1637] : memref<6x128xi32, #tpu.memory_space<vmem>> -> memref<1x128xi32, #tpu.memory_space<vmem>>
      %dma_wait3A_1639 = tpu.memref_squeeze %dma_wait3A_1638 : memref<1x128xi32, #tpu.memory_space<vmem>> -> memref<128xi32, #tpu.memory_space<vmem>>
      %dma_wait3A_1640 = arith.constant 0 : i32
      %dma_wait3A_1641 = tpu.memref_slice %arg2[%dma_wait3A_1640] : memref<25165824xf32, #tpu.memory_space<hbm>> -> memref<25165824xf32, #tpu.memory_space<hbm>>
      tpu.wait_indirect_dma semaphore(%arg10 : memref<!tpu.dma_semaphore, #tpu.memory_space<semaphore_mem>>) src(%dma_wait3A_1641 : memref<25165824xf32, #tpu.memory_space<hbm>>) dst(%dma_wait3A_1636 : memref<128xf32, #tpu.memory_space<vmem>>)
      %dma_wait3A_1642 = arith.constant 3 : i32
      %dma_wait3A_1643 = arith.constant 384 : i32
      %dma_wait3A_1644 = tpu.memref_slice %arg9[%dma_wait3A_1643] : memref<768xf32, #tpu.memory_space<vmem>> -> memref<128xf32, #tpu.memory_space<vmem>>
      %dma_wait3A_1645 = arith.constant 0 : i32
      %dma_wait3A_1646 = tpu.memref_slice %arg7[%dma_wait3A_1642, %dma_wait3A_1645] : memref<6x128xi32, #tpu.memory_space<vmem>> -> memref<1x128xi32, #tpu.memory_space<vmem>>
      %dma_wait3A_1647 = tpu.memref_squeeze %dma_wait3A_1646 : memref<1x128xi32, #tpu.memory_space<vmem>> -> memref<128xi32, #tpu.memory_space<vmem>>
      %dma_wait3A_1648 = arith.constant 0 : i32
      %dma_wait3A_1649 = tpu.memref_slice %arg2[%dma_wait3A_1648] : memref<25165824xf32, #tpu.memory_space<hbm>> -> memref<25165824xf32, #tpu.memory_space<hbm>>
      tpu.wait_indirect_dma semaphore(%arg10 : memref<!tpu.dma_semaphore, #tpu.memory_space<semaphore_mem>>) src(%dma_wait3A_1649 : memref<25165824xf32, #tpu.memory_space<hbm>>) dst(%dma_wait3A_1644 : memref<128xf32, #tpu.memory_space<vmem>>)
      %dma_wait3A_1650 = arith.constant 4 : i32
      %dma_wait3A_1651 = arith.constant 512 : i32
      %dma_wait3A_1652 = tpu.memref_slice %arg8[%dma_wait3A_1651] : memref<768xf32, #tpu.memory_space<vmem>> -> memref<128xf32, #tpu.memory_space<vmem>>
      %dma_wait3A_1653 = arith.constant 0 : i32
      %dma_wait3A_1654 = tpu.memref_slice %arg6[%dma_wait3A_1650, %dma_wait3A_1653] : memref<6x128xi32, #tpu.memory_space<vmem>> -> memref<1x128xi32, #tpu.memory_space<vmem>>
      %dma_wait3A_1655 = tpu.memref_squeeze %dma_wait3A_1654 : memref<1x128xi32, #tpu.memory_space<vmem>> -> memref<128xi32, #tpu.memory_space<vmem>>
      %dma_wait3A_1656 = arith.constant 0 : i32
      %dma_wait3A_1657 = tpu.memref_slice %arg2[%dma_wait3A_1656] : memref<25165824xf32, #tpu.memory_space<hbm>> -> memref<25165824xf32, #tpu.memory_space<hbm>>
      tpu.wait_indirect_dma semaphore(%arg10 : memref<!tpu.dma_semaphore, #tpu.memory_space<semaphore_mem>>) src(%dma_wait3A_1657 : memref<25165824xf32, #tpu.memory_space<hbm>>) dst(%dma_wait3A_1652 : memref<128xf32, #tpu.memory_space<vmem>>)
      %dma_wait3A_1658 = arith.constant 4 : i32
      %dma_wait3A_1659 = arith.constant 512 : i32
      %dma_wait3A_1660 = tpu.memref_slice %arg9[%dma_wait3A_1659] : memref<768xf32, #tpu.memory_space<vmem>> -> memref<128xf32, #tpu.memory_space<vmem>>
      %dma_wait3A_1661 = arith.constant 0 : i32
      %dma_wait3A_1662 = tpu.memref_slice %arg7[%dma_wait3A_1658, %dma_wait3A_1661] : memref<6x128xi32, #tpu.memory_space<vmem>> -> memref<1x128xi32, #tpu.memory_space<vmem>>
      %dma_wait3A_1663 = tpu.memref_squeeze %dma_wait3A_1662 : memref<1x128xi32, #tpu.memory_space<vmem>> -> memref<128xi32, #tpu.memory_space<vmem>>
      %dma_wait3A_1664 = arith.constant 0 : i32
      %dma_wait3A_1665 = tpu.memref_slice %arg2[%dma_wait3A_1664] : memref<25165824xf32, #tpu.memory_space<hbm>> -> memref<25165824xf32, #tpu.memory_space<hbm>>
      tpu.wait_indirect_dma semaphore(%arg10 : memref<!tpu.dma_semaphore, #tpu.memory_space<semaphore_mem>>) src(%dma_wait3A_1665 : memref<25165824xf32, #tpu.memory_space<hbm>>) dst(%dma_wait3A_1660 : memref<128xf32, #tpu.memory_space<vmem>>)
      %dma_wait3A_1666 = arith.constant 5 : i32
      %dma_wait3A_1667 = arith.constant 640 : i32
      %dma_wait3A_1668 = tpu.memref_slice %arg8[%dma_wait3A_1667] : memref<768xf32, #tpu.memory_space<vmem>> -> memref<128xf32, #tpu.memory_space<vmem>>
      %dma_wait3A_1669 = arith.constant 0 : i32
      %dma_wait3A_1670 = tpu.memref_slice %arg6[%dma_wait3A_1666, %dma_wait3A_1669] : memref<6x128xi32, #tpu.memory_space<vmem>> -> memref<1x128xi32, #tpu.memory_space<vmem>>
      %dma_wait3A_1671 = tpu.memref_squeeze %dma_wait3A_1670 : memref<1x128xi32, #tpu.memory_space<vmem>> -> memref<128xi32, #tpu.memory_space<vmem>>
      %dma_wait3A_1672 = arith.constant 0 : i32
      %dma_wait3A_1673 = tpu.memref_slice %arg2[%dma_wait3A_1672] : memref<25165824xf32, #tpu.memory_space<hbm>> -> memref<25165824xf32, #tpu.memory_space<hbm>>
      tpu.wait_indirect_dma semaphore(%arg10 : memref<!tpu.dma_semaphore, #tpu.memory_space<semaphore_mem>>) src(%dma_wait3A_1673 : memref<25165824xf32, #tpu.memory_space<hbm>>) dst(%dma_wait3A_1668 : memref<128xf32, #tpu.memory_space<vmem>>)
      %dma_wait3A_1674 = arith.constant 5 : i32
      %dma_wait3A_1675 = arith.constant 640 : i32
      %dma_wait3A_1676 = tpu.memref_slice %arg9[%dma_wait3A_1675] : memref<768xf32, #tpu.memory_space<vmem>> -> memref<128xf32, #tpu.memory_space<vmem>>
      %dma_wait3A_1677 = arith.constant 0 : i32
      %dma_wait3A_1678 = tpu.memref_slice %arg7[%dma_wait3A_1674, %dma_wait3A_1677] : memref<6x128xi32, #tpu.memory_space<vmem>> -> memref<1x128xi32, #tpu.memory_space<vmem>>
      %dma_wait3A_1679 = tpu.memref_squeeze %dma_wait3A_1678 : memref<1x128xi32, #tpu.memory_space<vmem>> -> memref<128xi32, #tpu.memory_space<vmem>>
      %dma_wait3A_1680 = arith.constant 0 : i32
      %dma_wait3A_1681 = tpu.memref_slice %arg2[%dma_wait3A_1680] : memref<25165824xf32, #tpu.memory_space<hbm>> -> memref<25165824xf32, #tpu.memory_space<hbm>>
      tpu.wait_indirect_dma semaphore(%arg10 : memref<!tpu.dma_semaphore, #tpu.memory_space<semaphore_mem>>) src(%dma_wait3A_1681 : memref<25165824xf32, #tpu.memory_space<hbm>>) dst(%dma_wait3A_1676 : memref<128xf32, #tpu.memory_space<vmem>>)
      "tpu.region"() ({
        %run_scoped3A = tpu.sem_alloc : memref<!tpu.dma_semaphore, #tpu.memory_space<semaphore_mem>>
        %dma_start3A_1684 = arith.constant 0 : i32
        %dma_start3A_1685 = tpu.memref_slice %arg4[%add3A, %dma_start3A_1684] : memref<60x768xf32, #tpu.memory_space<hbm>> -> memref<1x768xf32, #tpu.memory_space<hbm>>
        %dma_start3A_1686 = tpu.memref_squeeze %dma_start3A_1685 : memref<1x768xf32, #tpu.memory_space<hbm>> -> memref<768xf32, #tpu.memory_space<hbm>>
        %dma_start3A_1687 = arith.constant 0 : i32
        %dma_start3A_1688 = tpu.memref_slice %arg4[%add3A, %dma_start3A_1687] : memref<60x768xf32, #tpu.memory_space<hbm>> -> memref<1x768xf32, #tpu.memory_space<hbm>>
        %dma_start3A_1689 = tpu.memref_squeeze %dma_start3A_1688 : memref<1x768xf32, #tpu.memory_space<hbm>> -> memref<768xf32, #tpu.memory_space<hbm>>
        tpu.enqueue_dma source(%arg8 : memref<768xf32, #tpu.memory_space<vmem>>) target(%dma_start3A_1689 : memref<768xf32, #tpu.memory_space<hbm>>) target_semaphore(%run_scoped3A : memref<!tpu.dma_semaphore, #tpu.memory_space<semaphore_mem>>)
        %dma_wait3A_1690 = arith.constant 0 : i32
        %dma_wait3A_1691 = tpu.memref_slice %arg4[%add3A, %dma_wait3A_1690] : memref<60x768xf32, #tpu.memory_space<hbm>> -> memref<1x768xf32, #tpu.memory_space<hbm>>
        %dma_wait3A_1692 = tpu.memref_squeeze %dma_wait3A_1691 : memref<1x768xf32, #tpu.memory_space<hbm>> -> memref<768xf32, #tpu.memory_space<hbm>>
        %dma_wait3A_1693 = arith.constant 0 : i32
        %dma_wait3A_1694 = tpu.memref_slice %arg4[%add3A, %dma_wait3A_1693] : memref<60x768xf32, #tpu.memory_space<hbm>> -> memref<1x768xf32, #tpu.memory_space<hbm>>
        %dma_wait3A_1695 = tpu.memref_squeeze %dma_wait3A_1694 : memref<1x768xf32, #tpu.memory_space<hbm>> -> memref<768xf32, #tpu.memory_space<hbm>>
        tpu.wait_dma2 semaphore(%run_scoped3A : memref<!tpu.dma_semaphore, #tpu.memory_space<semaphore_mem>>) src(%arg8 : memref<768xf32, #tpu.memory_space<vmem>>) dst(%dma_wait3A_1695 : memref<768xf32, #tpu.memory_space<hbm>>)
        tpu.yield
      }) : () -> ()
      %add3A_1682 = arith.constant 30 : i32
      %add3A_1683 = arith.addi %add3A, %add3A_1682 : i32
      "tpu.region"() ({
        %run_scoped3A = tpu.sem_alloc : memref<!tpu.dma_semaphore, #tpu.memory_space<semaphore_mem>>
        %dma_start3A_1684 = arith.constant 0 : i32
        %dma_start3A_1685 = tpu.memref_slice %arg4[%add3A_1683, %dma_start3A_1684] : memref<60x768xf32, #tpu.memory_space<hbm>> -> memref<1x768xf32, #tpu.memory_space<hbm>>
        %dma_start3A_1686 = tpu.memref_squeeze %dma_start3A_1685 : memref<1x768xf32, #tpu.memory_space<hbm>> -> memref<768xf32, #tpu.memory_space<hbm>>
        %dma_start3A_1687 = arith.constant 0 : i32
        %dma_start3A_1688 = tpu.memref_slice %arg4[%add3A_1683, %dma_start3A_1687] : memref<60x768xf32, #tpu.memory_space<hbm>> -> memref<1x768xf32, #tpu.memory_space<hbm>>
        %dma_start3A_1689 = tpu.memref_squeeze %dma_start3A_1688 : memref<1x768xf32, #tpu.memory_space<hbm>> -> memref<768xf32, #tpu.memory_space<hbm>>
        tpu.enqueue_dma source(%arg9 : memref<768xf32, #tpu.memory_space<vmem>>) target(%dma_start3A_1689 : memref<768xf32, #tpu.memory_space<hbm>>) target_semaphore(%run_scoped3A : memref<!tpu.dma_semaphore, #tpu.memory_space<semaphore_mem>>)
        %dma_wait3A_1690 = arith.constant 0 : i32
        %dma_wait3A_1691 = tpu.memref_slice %arg4[%add3A_1683, %dma_wait3A_1690] : memref<60x768xf32, #tpu.memory_space<hbm>> -> memref<1x768xf32, #tpu.memory_space<hbm>>
        %dma_wait3A_1692 = tpu.memref_squeeze %dma_wait3A_1691 : memref<1x768xf32, #tpu.memory_space<hbm>> -> memref<768xf32, #tpu.memory_space<hbm>>
        %dma_wait3A_1693 = arith.constant 0 : i32
        %dma_wait3A_1694 = tpu.memref_slice %arg4[%add3A_1683, %dma_wait3A_1693] : memref<60x768xf32, #tpu.memory_space<hbm>> -> memref<1x768xf32, #tpu.memory_space<hbm>>
        %dma_wait3A_1695 = tpu.memref_squeeze %dma_wait3A_1694 : memref<1x768xf32, #tpu.memory_space<hbm>> -> memref<768xf32, #tpu.memory_space<hbm>>
        tpu.wait_dma2 semaphore(%run_scoped3A : memref<!tpu.dma_semaphore, #tpu.memory_space<semaphore_mem>>) src(%arg9 : memref<768xf32, #tpu.memory_space<vmem>>) dst(%dma_wait3A_1695 : memref<768xf32, #tpu.memory_space<hbm>>)
        tpu.yield
      }) : () -> ()
    } else {
    }
    return
  }
}

module attributes {stable_mosaic.version = 14 : i64} {
  func.func @_center_topk_body(%arg0: i32, %arg1: memref<2x768x16x128xf32, #tpu.memory_space<vmem>>, %arg2: memref<768x1xf32, #tpu.memory_space<vmem>>, %arg3: memref<1x1xf32, #tpu.memory_space<vmem>>, %arg4: memref<1x32xf32, #tpu.memory_space<vmem>>, %arg5: memref<1x32xi32, #tpu.memory_space<vmem>>, %arg6: memref<32x128xi32, #tpu.memory_space<vmem>>, %arg7: memref<128x128xf32, #tpu.memory_space<vmem>>) attributes {dimension_semantics = [#tpu.dimension_semantics<arbitrary>], iteration_bounds = array<i64: 8>, scalar_prefetch = 0 : i64, scratch_operands = 1 : i64, tpu.core_type = #tpu.core_type<tc>, window_params = [{transform_indices = @transform_0, window_bounds = array<i64: 2, 768, 16, 128>}, {pipeline_mode = #tpu.pipeline_mode<synchronous>, transform_indices = @transform_1, window_bounds = array<i64: 768, 1>}, {pipeline_mode = #tpu.pipeline_mode<synchronous>, transform_indices = @transform_2, window_bounds = array<i64: 1, 1>}, {pipeline_mode = #tpu.pipeline_mode<synchronous>, transform_indices = @transform_3, window_bounds = array<i64: 1, 32>}, {pipeline_mode = #tpu.pipeline_mode<synchronous>, transform_indices = @transform_4, window_bounds = array<i64: 1, 32>}, {pipeline_mode = #tpu.pipeline_mode<synchronous>, transform_indices = @transform_5, window_bounds = array<i64: 32, 128>}]} {
    %get3A = arith.constant 0 : index
    %get3A_0 = arith.constant 0 : index
    %get3A_1 = arith.constant 0 : index
    %get3A_2 = arith.constant 0 : index
    %get3A_3 = vector.load %arg1[%get3A, %get3A_0, %get3A_1, %get3A_2] : memref<2x768x16x128xf32, #tpu.memory_space<vmem>>, vector<2x768x16x128xf32>
    %convert_element_type3A = arith.truncf %get3A_3 : vector<2x768x16x128xf32> to vector<2x768x16x128xbf16>
    %convert_element_type3A_4 = arith.extf %convert_element_type3A : vector<2x768x16x128xbf16> to vector<2x768x16x128xf32>
    %get3A_5 = arith.constant 0 : index
    %get3A_6 = arith.constant 0 : index
    %get3A_7 = vector.load %arg2[%get3A_5, %get3A_6] : memref<768x1xf32, #tpu.memory_space<vmem>>, vector<768x1xf32>
    %convert_element_type3A_8 = arith.truncf %get3A_7 : vector<768x1xf32> to vector<768x1xbf16>
    %convert_element_type3A_9 = arith.extf %convert_element_type3A_8 : vector<768x1xbf16> to vector<768x1xf32>
    %broadcast_in_dim3A = vector.shape_cast %convert_element_type3A_9 : vector<768x1xf32> to vector<1x768x1x1xf32>
    %mul3A = vector.broadcast %broadcast_in_dim3A : vector<1x768x1x1xf32> to vector<2x768x16x128xf32>
    %mul3A_10 = arith.mulf %convert_element_type3A_4, %mul3A : vector<2x768x16x128xf32>
    %reduce_sum3A = arith.constant dense<0.000000e+00> : vector<2x16x128xf32>
    %reduce_sum3A_11 = vector.multi_reduction <add>, %mul3A_10, %reduce_sum3A [1] : vector<2x768x16x128xf32> to vector<2x16x128xf32>
    %get3A_12 = arith.constant 0 : index
    %get3A_13 = arith.constant 0 : index
    %get3A_14 = vector.load %arg3[%get3A_12, %get3A_13] : memref<1x1xf32, #tpu.memory_space<vmem>>, vector<1x1xf32>
    %get3A_15 = vector.extract %get3A_14[0, 0] : f32 from vector<1x1xf32>
    %add3A = vector.broadcast %get3A_15 : f32 to vector<2x16x128xf32>
    %add3A_16 = arith.addf %reduce_sum3A_11, %add3A : vector<2x16x128xf32>
    %neg3A = arith.constant 0.000000e+00 : f32
    %neg3A_17 = vector.broadcast %neg3A : f32 to vector<2x16x128xf32>
    %neg3A_18 = arith.subf %neg3A_17, %add3A_16 : vector<2x16x128xf32>
    %exp3A = math.exp %neg3A_18 : vector<2x16x128xf32>
    %add3A_19 = arith.constant 1.000000e+00 : f32
    %add3A_20 = vector.broadcast %add3A_19 : f32 to vector<2x16x128xf32>
    %add3A_21 = arith.addf %add3A_20, %exp3A : vector<2x16x128xf32>
    %div3A = arith.constant 1.000000e+00 : f32
    %div3A_22 = vector.broadcast %div3A : f32 to vector<2x16x128xf32>
    %div3A_23 = arith.divf %div3A_22, %add3A_21 : vector<2x16x128xf32>
    %jit3A = arith.constant 9.99999974E-5 : f32
    %jit3A_24 = arith.constant 0.999899983 : f32
    %max3A = vector.broadcast %jit3A : f32 to vector<2x16x128xf32>
    %max3A_25 = arith.maximumf %max3A, %div3A_23 : vector<2x16x128xf32>
    %min3A = vector.broadcast %jit3A_24 : f32 to vector<2x16x128xf32>
    %min3A_26 = arith.minimumf %min3A, %max3A_25 : vector<2x16x128xf32>
    %slice3A = vector.extract_strided_slice %min3A_26 {offsets = [0, 0, 0], sizes = [1, 16, 128], strides = [1, 1, 1]} : vector<2x16x128xf32> to vector<1x16x128xf32>
    %squeeze3A = vector.shape_cast %slice3A : vector<1x16x128xf32> to vector<16x128xf32>
    %slice3A_27 = vector.extract_strided_slice %min3A_26 {offsets = [1, 0, 0], sizes = [1, 16, 128], strides = [1, 1, 1]} : vector<2x16x128xf32> to vector<1x16x128xf32>
    %squeeze3A_28 = vector.shape_cast %slice3A_27 : vector<1x16x128xf32> to vector<16x128xf32>
    %add3A_29 = arith.addf %squeeze3A, %squeeze3A_28 : vector<16x128xf32>
    %mul3A_30 = arith.constant 5.000000e-01 : f32
    %mul3A_31 = vector.broadcast %mul3A_30 : f32 to vector<16x128xf32>
    %mul3A_32 = arith.mulf %add3A_29, %mul3A_31 : vector<16x128xf32>
    %mul3A_33 = arith.constant 16 : i32
    %mul3A_34 = arith.muli %arg0, %mul3A_33 : i32
    %swap3A = arith.index_cast %mul3A_34 : i32 to index
    %swap3A_35 = arith.constant 0 : index
    %swap3A_36 = vector.load %arg7[%swap3A, %swap3A_35] : memref<128x128xf32, #tpu.memory_space<vmem>>, vector<16x128xf32>
    tpu.vector_store %arg7[%swap3A, %swap3A_35], %mul3A_32 {strides = array<i32>} : memref<128x128xf32, #tpu.memory_space<vmem>>, vector<16x128xf32>,
    %eq3A = arith.constant 7 : i32
    %eq3A_37 = arith.cmpi eq, %arg0, %eq3A : i32
    %convert_element_type3A_38 = arith.extui %eq3A_37 : i1 to i32
    %cond3A = arith.constant 0 : i32
    %cond3A_39 = arith.cmpi ne, %convert_element_type3A_38, %cond3A : i32
    scf.if %cond3A_39 {
      %get3A_40 = arith.constant 0 : index
      %get3A_41 = arith.constant 0 : index
      %get3A_42 = vector.load %arg7[%get3A_40, %get3A_41] : memref<128x128xf32, #tpu.memory_space<vmem>>, vector<128x128xf32>
      %broadcast_in_dim3A_43 = arith.constant 0.000000e+00 : f32
      %broadcast_in_dim3A_44 = vector.broadcast %broadcast_in_dim3A_43 : f32 to vector<1x128xf32>
      %broadcast_in_dim3A_45 = arith.constant 0.000000e+00 : f32
      %broadcast_in_dim3A_46 = vector.broadcast %broadcast_in_dim3A_45 : f32 to vector<128x1xf32>
      %slice3A_47 = vector.extract_strided_slice %get3A_42 {offsets = [1, 0], sizes = [127, 128], strides = [1, 1]} : vector<128x128xf32> to vector<127x128xf32>
      %concatenate3A = tpu.concatenate %slice3A_47, %broadcast_in_dim3A_44 in 0 : vector<127x128xf32>, vector<1x128xf32> -> vector<128x128xf32>
      %slice3A_48 = vector.extract_strided_slice %get3A_42 {offsets = [0, 0], sizes = [127, 128], strides = [1, 1]} : vector<128x128xf32> to vector<127x128xf32>
      %concatenate3A_49 = tpu.concatenate %broadcast_in_dim3A_44, %slice3A_48 in 0 : vector<1x128xf32>, vector<127x128xf32> -> vector<128x128xf32>
      %add3A_50 = arith.addf %concatenate3A, %get3A_42 : vector<128x128xf32>
      %add3A_51 = arith.addf %add3A_50, %concatenate3A_49 : vector<128x128xf32>
      %slice3A_52 = vector.extract_strided_slice %add3A_51 {offsets = [0, 1], sizes = [128, 127], strides = [1, 1]} : vector<128x128xf32> to vector<128x127xf32>
      %concatenate3A_53 = tpu.concatenate %slice3A_52, %broadcast_in_dim3A_46 in 1 : vector<128x127xf32>, vector<128x1xf32> -> vector<128x128xf32>
      %slice3A_54 = vector.extract_strided_slice %add3A_51 {offsets = [0, 0], sizes = [128, 127], strides = [1, 1]} : vector<128x128xf32> to vector<128x127xf32>
      %concatenate3A_55 = tpu.concatenate %broadcast_in_dim3A_46, %slice3A_54 in 1 : vector<128x1xf32>, vector<128x127xf32> -> vector<128x128xf32>
      %add3A_56 = arith.addf %concatenate3A_53, %add3A_51 : vector<128x128xf32>
      %add3A_57 = arith.addf %add3A_56, %concatenate3A_55 : vector<128x128xf32>
      %div3A_58 = arith.constant 9.000000e+00 : f32
      %div3A_59 = vector.broadcast %div3A_58 : f32 to vector<128x128xf32>
      %div3A_60 = arith.divf %add3A_57, %div3A_59 : vector<128x128xf32>
      %add3A_61 = arith.addf %get3A_42, %div3A_60 : vector<128x128xf32>
      %mul3A_62 = arith.constant 5.000000e-01 : f32
      %mul3A_63 = vector.broadcast %mul3A_62 : f32 to vector<128x128xf32>
      %mul3A_64 = arith.mulf %add3A_61, %mul3A_63 : vector<128x128xf32>
      %broadcast_in_dim3A_65 = arith.constant 0xFF800000 : f32
      %broadcast_in_dim3A_66 = vector.broadcast %broadcast_in_dim3A_65 : f32 to vector<1x128xf32>
      %broadcast_in_dim3A_67 = arith.constant 0xFF800000 : f32
      %broadcast_in_dim3A_68 = vector.broadcast %broadcast_in_dim3A_67 : f32 to vector<128x1xf32>
      %slice3A_69 = vector.extract_strided_slice %mul3A_64 {offsets = [1, 0], sizes = [127, 128], strides = [1, 1]} : vector<128x128xf32> to vector<127x128xf32>
      %concatenate3A_70 = tpu.concatenate %slice3A_69, %broadcast_in_dim3A_66 in 0 : vector<127x128xf32>, vector<1x128xf32> -> vector<128x128xf32>
      %slice3A_71 = vector.extract_strided_slice %mul3A_64 {offsets = [0, 0], sizes = [127, 128], strides = [1, 1]} : vector<128x128xf32> to vector<127x128xf32>
      %concatenate3A_72 = tpu.concatenate %broadcast_in_dim3A_66, %slice3A_71 in 0 : vector<1x128xf32>, vector<127x128xf32> -> vector<128x128xf32>
      %max3A_73 = arith.maximumf %concatenate3A_70, %mul3A_64 : vector<128x128xf32>
      %max3A_74 = arith.maximumf %max3A_73, %concatenate3A_72 : vector<128x128xf32>
      %slice3A_75 = vector.extract_strided_slice %max3A_74 {offsets = [0, 1], sizes = [128, 127], strides = [1, 1]} : vector<128x128xf32> to vector<128x127xf32>
      %concatenate3A_76 = tpu.concatenate %slice3A_75, %broadcast_in_dim3A_68 in 1 : vector<128x127xf32>, vector<128x1xf32> -> vector<128x128xf32>
      %slice3A_77 = vector.extract_strided_slice %max3A_74 {offsets = [0, 0], sizes = [128, 127], strides = [1, 1]} : vector<128x128xf32> to vector<128x127xf32>
      %concatenate3A_78 = tpu.concatenate %broadcast_in_dim3A_68, %slice3A_77 in 1 : vector<128x1xf32>, vector<128x127xf32> -> vector<128x128xf32>
      %max3A_79 = arith.maximumf %concatenate3A_76, %max3A_74 : vector<128x128xf32>
      %max3A_80 = arith.maximumf %max3A_79, %concatenate3A_78 : vector<128x128xf32>
      %eq3A_81 = arith.cmpf oeq, %max3A_80, %mul3A_64 : vector<128x128xf32>
      %jit3A_82 = arith.constant 0.000000e+00 : f32
      %broadcast_in_dim3A_83 = vector.broadcast %jit3A_82 : f32 to vector<128x128xf32>
      %select_n3A = arith.select %eq3A_81, %mul3A_64, %broadcast_in_dim3A_83 : vector<128x128xi1>, vector<128x128xf32>
      %iota3A = tpu.iota {dimensions = array<i32: 0>} : vector<128x128xi32>
      %iota3A_84 = tpu.iota {dimensions = array<i32: 1>} : vector<128x128xi32>
      %mul3A_85 = arith.constant 128 : i32
      %mul3A_86 = vector.broadcast %mul3A_85 : i32 to vector<128x128xi32>
      %mul3A_87 = arith.muli %iota3A, %mul3A_86 : vector<128x128xi32>
      %add3A_88 = arith.addi %mul3A_87, %iota3A_84 : vector<128x128xi32>
      %iota3A_89 = tpu.iota {dimensions = array<i32: 1>} : vector<1x32xi32>
      %iota3A_90 = tpu.iota {dimensions = array<i32: 0>} : vector<8x128xi32>
      %iota3A_91 = tpu.iota {dimensions = array<i32: 1>} : vector<8x128xi32>
      %mul3A_92 = arith.constant 128 : i32
      %mul3A_93 = vector.broadcast %mul3A_92 : i32 to vector<8x128xi32>
      %mul3A_94 = arith.muli %iota3A_90, %mul3A_93 : vector<8x128xi32>
      %add3A_95 = arith.addi %mul3A_94, %iota3A_91 : vector<8x128xi32>
      %broadcast_in_dim3A_96 = arith.constant 0.000000e+00 : f32
      %broadcast_in_dim3A_97 = vector.broadcast %broadcast_in_dim3A_96 : f32 to vector<1x32xf32>
      %broadcast_in_dim3A_98 = arith.constant 0 : i32
      %broadcast_in_dim3A_99 = vector.broadcast %broadcast_in_dim3A_98 : i32 to vector<1x32xi32>
      %scan3A = arith.constant 0 : i32
      %scan3A_100 = arith.constant 30 : i32
      %scan3A_101 = arith.addi %scan3A, %scan3A_100 : i32
      %scan3A_102 = arith.constant 1 : i32
      %scan3A_103:3 = scf.for %scan3A_117 = %scan3A to %scan3A_101 step %scan3A_102 iter_args(%scan3A_118 = %select_n3A, %scan3A_119 = %broadcast_in_dim3A_97, %scan3A_120 = %broadcast_in_dim3A_99) -> (vector<128x128xf32>, vector<1x32xf32>, vector<1x32xi32>)  : i32 {
        %slice3A_121 = vector.extract_strided_slice %scan3A_118 {offsets = [0, 0], sizes = [8, 128], strides = [1, 1]} : vector<128x128xf32> to vector<8x128xf32>
        %broadcast_in_dim3A_122 = arith.constant 0 : i32
        %broadcast_in_dim3A_123 = vector.broadcast %broadcast_in_dim3A_122 : i32 to vector<8x128xi32>
        %slice3A_124 = vector.extract_strided_slice %scan3A_118 {offsets = [8, 0], sizes = [8, 128], strides = [1, 1]} : vector<128x128xf32> to vector<8x128xf32>
        %gt3A = arith.cmpf ogt, %slice3A_124, %slice3A_121 : vector<8x128xf32>
        %select_n3A_125 = arith.select %gt3A, %slice3A_124, %slice3A_121 : vector<8x128xi1>, vector<8x128xf32>
        %jit3A_126 = arith.constant 1 : i32
        %broadcast_in_dim3A_127 = vector.broadcast %jit3A_126 : i32 to vector<8x128xi32>
        %select_n3A_128 = arith.select %gt3A, %broadcast_in_dim3A_127, %broadcast_in_dim3A_123 : vector<8x128xi1>, vector<8x128xi32>
        %slice3A_129 = vector.extract_strided_slice %scan3A_118 {offsets = [16, 0], sizes = [8, 128], strides = [1, 1]} : vector<128x128xf32> to vector<8x128xf32>
        %gt3A_130 = arith.cmpf ogt, %slice3A_129, %select_n3A_125 : vector<8x128xf32>
        %select_n3A_131 = arith.select %gt3A_130, %slice3A_129, %select_n3A_125 : vector<8x128xi1>, vector<8x128xf32>
        %jit3A_132 = arith.constant 2 : i32
        %broadcast_in_dim3A_133 = vector.broadcast %jit3A_132 : i32 to vector<8x128xi32>
        %select_n3A_134 = arith.select %gt3A_130, %broadcast_in_dim3A_133, %select_n3A_128 : vector<8x128xi1>, vector<8x128xi32>
        %slice3A_135 = vector.extract_strided_slice %scan3A_118 {offsets = [24, 0], sizes = [8, 128], strides = [1, 1]} : vector<128x128xf32> to vector<8x128xf32>
        %gt3A_136 = arith.cmpf ogt, %slice3A_135, %select_n3A_131 : vector<8x128xf32>
        %select_n3A_137 = arith.select %gt3A_136, %slice3A_135, %select_n3A_131 : vector<8x128xi1>, vector<8x128xf32>
        %jit3A_138 = arith.constant 3 : i32
        %broadcast_in_dim3A_139 = vector.broadcast %jit3A_138 : i32 to vector<8x128xi32>
        %select_n3A_140 = arith.select %gt3A_136, %broadcast_in_dim3A_139, %select_n3A_134 : vector<8x128xi1>, vector<8x128xi32>
        %slice3A_141 = vector.extract_strided_slice %scan3A_118 {offsets = [32, 0], sizes = [8, 128], strides = [1, 1]} : vector<128x128xf32> to vector<8x128xf32>
        %gt3A_142 = arith.cmpf ogt, %slice3A_141, %select_n3A_137 : vector<8x128xf32>
        %select_n3A_143 = arith.select %gt3A_142, %slice3A_141, %select_n3A_137 : vector<8x128xi1>, vector<8x128xf32>
        %jit3A_144 = arith.constant 4 : i32
        %broadcast_in_dim3A_145 = vector.broadcast %jit3A_144 : i32 to vector<8x128xi32>
        %select_n3A_146 = arith.select %gt3A_142, %broadcast_in_dim3A_145, %select_n3A_140 : vector<8x128xi1>, vector<8x128xi32>
        %slice3A_147 = vector.extract_strided_slice %scan3A_118 {offsets = [40, 0], sizes = [8, 128], strides = [1, 1]} : vector<128x128xf32> to vector<8x128xf32>
        %gt3A_148 = arith.cmpf ogt, %slice3A_147, %select_n3A_143 : vector<8x128xf32>
        %select_n3A_149 = arith.select %gt3A_148, %slice3A_147, %select_n3A_143 : vector<8x128xi1>, vector<8x128xf32>
        %jit3A_150 = arith.constant 5 : i32
        %broadcast_in_dim3A_151 = vector.broadcast %jit3A_150 : i32 to vector<8x128xi32>
        %select_n3A_152 = arith.select %gt3A_148, %broadcast_in_dim3A_151, %select_n3A_146 : vector<8x128xi1>, vector<8x128xi32>
        %slice3A_153 = vector.extract_strided_slice %scan3A_118 {offsets = [48, 0], sizes = [8, 128], strides = [1, 1]} : vector<128x128xf32> to vector<8x128xf32>
        %gt3A_154 = arith.cmpf ogt, %slice3A_153, %select_n3A_149 : vector<8x128xf32>
        %select_n3A_155 = arith.select %gt3A_154, %slice3A_153, %select_n3A_149 : vector<8x128xi1>, vector<8x128xf32>
        %jit3A_156 = arith.constant 6 : i32
        %broadcast_in_dim3A_157 = vector.broadcast %jit3A_156 : i32 to vector<8x128xi32>
        %select_n3A_158 = arith.select %gt3A_154, %broadcast_in_dim3A_157, %select_n3A_152 : vector<8x128xi1>, vector<8x128xi32>
        %slice3A_159 = vector.extract_strided_slice %scan3A_118 {offsets = [56, 0], sizes = [8, 128], strides = [1, 1]} : vector<128x128xf32> to vector<8x128xf32>
        %gt3A_160 = arith.cmpf ogt, %slice3A_159, %select_n3A_155 : vector<8x128xf32>
        %select_n3A_161 = arith.select %gt3A_160, %slice3A_159, %select_n3A_155 : vector<8x128xi1>, vector<8x128xf32>
        %jit3A_162 = arith.constant 7 : i32
        %broadcast_in_dim3A_163 = vector.broadcast %jit3A_162 : i32 to vector<8x128xi32>
        %select_n3A_164 = arith.select %gt3A_160, %broadcast_in_dim3A_163, %select_n3A_158 : vector<8x128xi1>, vector<8x128xi32>
        %slice3A_165 = vector.extract_strided_slice %scan3A_118 {offsets = [64, 0], sizes = [8, 128], strides = [1, 1]} : vector<128x128xf32> to vector<8x128xf32>
        %gt3A_166 = arith.cmpf ogt, %slice3A_165, %select_n3A_161 : vector<8x128xf32>
        %select_n3A_167 = arith.select %gt3A_166, %slice3A_165, %select_n3A_161 : vector<8x128xi1>, vector<8x128xf32>
        %jit3A_168 = arith.constant 8 : i32
        %broadcast_in_dim3A_169 = vector.broadcast %jit3A_168 : i32 to vector<8x128xi32>
        %select_n3A_170 = arith.select %gt3A_166, %broadcast_in_dim3A_169, %select_n3A_164 : vector<8x128xi1>, vector<8x128xi32>
        %slice3A_171 = vector.extract_strided_slice %scan3A_118 {offsets = [72, 0], sizes = [8, 128], strides = [1, 1]} : vector<128x128xf32> to vector<8x128xf32>
        %gt3A_172 = arith.cmpf ogt, %slice3A_171, %select_n3A_167 : vector<8x128xf32>
        %select_n3A_173 = arith.select %gt3A_172, %slice3A_171, %select_n3A_167 : vector<8x128xi1>, vector<8x128xf32>
        %jit3A_174 = arith.constant 9 : i32
        %broadcast_in_dim3A_175 = vector.broadcast %jit3A_174 : i32 to vector<8x128xi32>
        %select_n3A_176 = arith.select %gt3A_172, %broadcast_in_dim3A_175, %select_n3A_170 : vector<8x128xi1>, vector<8x128xi32>
        %slice3A_177 = vector.extract_strided_slice %scan3A_118 {offsets = [80, 0], sizes = [8, 128], strides = [1, 1]} : vector<128x128xf32> to vector<8x128xf32>
        %gt3A_178 = arith.cmpf ogt, %slice3A_177, %select_n3A_173 : vector<8x128xf32>
        %select_n3A_179 = arith.select %gt3A_178, %slice3A_177, %select_n3A_173 : vector<8x128xi1>, vector<8x128xf32>
        %jit3A_180 = arith.constant 10 : i32
        %broadcast_in_dim3A_181 = vector.broadcast %jit3A_180 : i32 to vector<8x128xi32>
        %select_n3A_182 = arith.select %gt3A_178, %broadcast_in_dim3A_181, %select_n3A_176 : vector<8x128xi1>, vector<8x128xi32>
        %slice3A_183 = vector.extract_strided_slice %scan3A_118 {offsets = [88, 0], sizes = [8, 128], strides = [1, 1]} : vector<128x128xf32> to vector<8x128xf32>
        %gt3A_184 = arith.cmpf ogt, %slice3A_183, %select_n3A_179 : vector<8x128xf32>
        %select_n3A_185 = arith.select %gt3A_184, %slice3A_183, %select_n3A_179 : vector<8x128xi1>, vector<8x128xf32>
        %jit3A_186 = arith.constant 11 : i32
        %broadcast_in_dim3A_187 = vector.broadcast %jit3A_186 : i32 to vector<8x128xi32>
        %select_n3A_188 = arith.select %gt3A_184, %broadcast_in_dim3A_187, %select_n3A_182 : vector<8x128xi1>, vector<8x128xi32>
        %slice3A_189 = vector.extract_strided_slice %scan3A_118 {offsets = [96, 0], sizes = [8, 128], strides = [1, 1]} : vector<128x128xf32> to vector<8x128xf32>
        %gt3A_190 = arith.cmpf ogt, %slice3A_189, %select_n3A_185 : vector<8x128xf32>
        %select_n3A_191 = arith.select %gt3A_190, %slice3A_189, %select_n3A_185 : vector<8x128xi1>, vector<8x128xf32>
        %jit3A_192 = arith.constant 12 : i32
        %broadcast_in_dim3A_193 = vector.broadcast %jit3A_192 : i32 to vector<8x128xi32>
        %select_n3A_194 = arith.select %gt3A_190, %broadcast_in_dim3A_193, %select_n3A_188 : vector<8x128xi1>, vector<8x128xi32>
        %slice3A_195 = vector.extract_strided_slice %scan3A_118 {offsets = [104, 0], sizes = [8, 128], strides = [1, 1]} : vector<128x128xf32> to vector<8x128xf32>
        %gt3A_196 = arith.cmpf ogt, %slice3A_195, %select_n3A_191 : vector<8x128xf32>
        %select_n3A_197 = arith.select %gt3A_196, %slice3A_195, %select_n3A_191 : vector<8x128xi1>, vector<8x128xf32>
        %jit3A_198 = arith.constant 13 : i32
        %broadcast_in_dim3A_199 = vector.broadcast %jit3A_198 : i32 to vector<8x128xi32>
        %select_n3A_200 = arith.select %gt3A_196, %broadcast_in_dim3A_199, %select_n3A_194 : vector<8x128xi1>, vector<8x128xi32>
        %slice3A_201 = vector.extract_strided_slice %scan3A_118 {offsets = [112, 0], sizes = [8, 128], strides = [1, 1]} : vector<128x128xf32> to vector<8x128xf32>
        %gt3A_202 = arith.cmpf ogt, %slice3A_201, %select_n3A_197 : vector<8x128xf32>
        %select_n3A_203 = arith.select %gt3A_202, %slice3A_201, %select_n3A_197 : vector<8x128xi1>, vector<8x128xf32>
        %jit3A_204 = arith.constant 14 : i32
        %broadcast_in_dim3A_205 = vector.broadcast %jit3A_204 : i32 to vector<8x128xi32>
        %select_n3A_206 = arith.select %gt3A_202, %broadcast_in_dim3A_205, %select_n3A_200 : vector<8x128xi1>, vector<8x128xi32>
        %slice3A_207 = vector.extract_strided_slice %scan3A_118 {offsets = [120, 0], sizes = [8, 128], strides = [1, 1]} : vector<128x128xf32> to vector<8x128xf32>
        %gt3A_208 = arith.cmpf ogt, %slice3A_207, %select_n3A_203 : vector<8x128xf32>
        %select_n3A_209 = arith.select %gt3A_208, %slice3A_207, %select_n3A_203 : vector<8x128xi1>, vector<8x128xf32>
        %jit3A_210 = arith.constant 15 : i32
        %broadcast_in_dim3A_211 = vector.broadcast %jit3A_210 : i32 to vector<8x128xi32>
        %select_n3A_212 = arith.select %gt3A_208, %broadcast_in_dim3A_211, %select_n3A_206 : vector<8x128xi1>, vector<8x128xi32>
        %reduce_max3A = vector.shape_cast %select_n3A_209 : vector<8x128xf32> to vector<1x8x128xf32>
        %reduce_max3A_213 = arith.constant dense<0xFF800000> : vector<1xf32>
        %reduce_max3A_214 = vector.multi_reduction <maximumf>, %reduce_max3A, %reduce_max3A_213 [1, 2] : vector<1x8x128xf32> to vector<1xf32>
        %reduce_max3A_215 = vector.shape_cast %reduce_max3A_214 : vector<1xf32> to vector<1x1x1xf32>
        %reduce_max3A_216 = vector.extract %reduce_max3A_215[0, 0, 0] : f32 from vector<1x1x1xf32>
        %eq3A_217 = vector.broadcast %reduce_max3A_216 : f32 to vector<8x128xf32>
        %eq3A_218 = arith.cmpf oeq, %select_n3A_209, %eq3A_217 : vector<8x128xf32>
        %mul3A_219 = arith.constant 1024 : i32
        %mul3A_220 = vector.broadcast %mul3A_219 : i32 to vector<8x128xi32>
        %mul3A_221 = arith.muli %select_n3A_212, %mul3A_220 : vector<8x128xi32>
        %add3A_222 = arith.addi %mul3A_221, %add3A_95 : vector<8x128xi32>
        %jit3A_223 = arith.constant 1073741824 : i32
        %broadcast_in_dim3A_224 = vector.broadcast %jit3A_223 : i32 to vector<8x128xi32>
        %select_n3A_225 = arith.select %eq3A_218, %add3A_222, %broadcast_in_dim3A_224 : vector<8x128xi1>, vector<8x128xi32>
        %reduce_min3A = vector.shape_cast %select_n3A_225 : vector<8x128xi32> to vector<1x8x128xi32>
        %reduce_min3A_226 = arith.constant dense<2147483647> : vector<1xi32>
        %reduce_min3A_227 = vector.multi_reduction <minsi>, %reduce_min3A, %reduce_min3A_226 [1, 2] : vector<1x8x128xi32> to vector<1xi32>
        %reduce_min3A_228 = vector.shape_cast %reduce_min3A_227 : vector<1xi32> to vector<1x1x1xi32>
        %reduce_min3A_229 = vector.extract %reduce_min3A_228[0, 0, 0] : i32 from vector<1x1x1xi32>
        %eq3A_230 = vector.broadcast %scan3A_117 : i32 to vector<1x32xi32>
        %eq3A_231 = arith.cmpi eq, %iota3A_89, %eq3A_230 : vector<1x32xi32>
        %broadcast_in_dim3A_232 = vector.broadcast %reduce_max3A_216 : f32 to vector<1x32xf32>
        %select_n3A_233 = arith.select %eq3A_231, %broadcast_in_dim3A_232, %scan3A_119 : vector<1x32xi1>, vector<1x32xf32>
        %eq3A_234 = vector.broadcast %scan3A_117 : i32 to vector<1x32xi32>
        %eq3A_235 = arith.cmpi eq, %iota3A_89, %eq3A_234 : vector<1x32xi32>
        %broadcast_in_dim3A_236 = vector.broadcast %reduce_min3A_229 : i32 to vector<1x32xi32>
        %select_n3A_237 = arith.select %eq3A_235, %broadcast_in_dim3A_236, %scan3A_120 : vector<1x32xi1>, vector<1x32xi32>
        %eq3A_238 = vector.broadcast %reduce_min3A_229 : i32 to vector<128x128xi32>
        %eq3A_239 = arith.cmpi eq, %add3A_88, %eq3A_238 : vector<128x128xi32>
        %jit3A_240 = arith.constant 0xFF800000 : f32
        %broadcast_in_dim3A_241 = vector.broadcast %jit3A_240 : f32 to vector<128x128xf32>
        %select_n3A_242 = arith.select %eq3A_239, %broadcast_in_dim3A_241, %scan3A_118 : vector<128x128xi1>, vector<128x128xf32>
        scf.yield %select_n3A_242, %select_n3A_233, %select_n3A_237 : vector<128x128xf32>, vector<1x32xf32>, vector<1x32xi32>
      }
      %scan3A_104 = arith.constant 30 : i32
      %swap3A_105 = arith.constant 0 : index
      %swap3A_106 = arith.constant 0 : index
      %swap3A_107 = vector.load %arg4[%swap3A_105, %swap3A_106] : memref<1x32xf32, #tpu.memory_space<vmem>>, vector<1x32xf32>
      tpu.vector_store %arg4[%swap3A_105, %swap3A_106], %scan3A_103#1 {strides = array<i32>} : memref<1x32xf32, #tpu.memory_space<vmem>>, vector<1x32xf32>,
      %swap3A_108 = arith.constant 0 : index
      %swap3A_109 = arith.constant 0 : index
      %swap3A_110 = vector.load %arg5[%swap3A_108, %swap3A_109] : memref<1x32xi32, #tpu.memory_space<vmem>>, vector<1x32xi32>
      tpu.vector_store %arg5[%swap3A_108, %swap3A_109], %scan3A_103#2 {strides = array<i32>} : memref<1x32xi32, #tpu.memory_space<vmem>>, vector<1x32xi32>,
      %broadcast_in_dim3A_111 = vector.shape_cast %scan3A_103#2 : vector<1x32xi32> to vector<1x32xi32>
      %broadcast_in_dim3A_112 = vector.broadcast %broadcast_in_dim3A_111 : vector<1x32xi32> to vector<32x32xi32>
      %transpose3A = tpu.transpose %broadcast_in_dim3A_112, [1, 0] : vector<32x32xi32> -> vector<32x32xi32>
      %concatenate3A_113 = tpu.concatenate %transpose3A, %transpose3A, %transpose3A, %transpose3A in 1 : vector<32x32xi32>, vector<32x32xi32>, vector<32x32xi32>, vector<32x32xi32> -> vector<32x128xi32>
      %swap3A_114 = arith.constant 0 : index
      %swap3A_115 = arith.constant 0 : index
      %swap3A_116 = vector.load %arg6[%swap3A_114, %swap3A_115] : memref<32x128xi32, #tpu.memory_space<vmem>>, vector<32x128xi32>
      tpu.vector_store %arg6[%swap3A_114, %swap3A_115], %concatenate3A_113 {strides = array<i32>} : memref<32x128xi32, #tpu.memory_space<vmem>>, vector<32x128xi32>,
    } else {
    }
    return
  }
  func.func @transform_0(%arg0: i32) -> (i32, i32, i32, i32) {
    %c0_i32 = arith.constant 0 : i32
    %c0_i32_0 = arith.constant 0 : i32
    %c0_i32_1 = arith.constant 0 : i32
    %c0_i32_2 = arith.constant 0 : i32
    return %c0_i32, %c0_i32_0, %arg0, %c0_i32_1 : i32, i32, i32, i32
  }
  func.func @transform_1(%arg0: i32) -> (i32, i32) {
    %c0_i32 = arith.constant 0 : i32
    %c0_i32_0 = arith.constant 0 : i32
    %c0_i32_1 = arith.constant 0 : i32
    return %c0_i32, %c0_i32_0 : i32, i32
  }
  func.func @transform_2(%arg0: i32) -> (i32, i32) {
    %c0_i32 = arith.constant 0 : i32
    %c0_i32_0 = arith.constant 0 : i32
    %c0_i32_1 = arith.constant 0 : i32
    return %c0_i32, %c0_i32_0 : i32, i32
  }
  func.func @transform_3(%arg0: i32) -> (i32, i32) {
    %c0_i32 = arith.constant 0 : i32
    %c0_i32_0 = arith.constant 0 : i32
    %c0_i32_1 = arith.constant 0 : i32
    return %c0_i32, %c0_i32_0 : i32, i32
  }
  func.func @transform_4(%arg0: i32) -> (i32, i32) {
    %c0_i32 = arith.constant 0 : i32
    %c0_i32_0 = arith.constant 0 : i32
    %c0_i32_1 = arith.constant 0 : i32
    return %c0_i32, %c0_i32_0 : i32, i32
  }
  func.func @transform_5(%arg0: i32) -> (i32, i32) {
    %c0_i32 = arith.constant 0 : i32
    %c0_i32_0 = arith.constant 0 : i32
    %c0_i32_1 = arith.constant 0 : i32
    return %c0_i32, %c0_i32_0 : i32, i32
  }
}

</mosaic_0001>

<sc_bundles>
// kernel: sc_peak_gather.3.cloned.1.call-start
scs
__scs_entry_jumppad:
0x0: {  	(pc) =	sbr.rel $0x88, $3  }
0x1: {  	(tag) =	ssettag $0x0;
	lr =	simm.s32 $0x1  }
0x2: {  	[smem:$0x3F9E] =	sst lr;
	_ =	strace $0xD0000000  }
0x3: {  	_ = 	snop  }
0x4: {  	_ = 	snop  }
0x5: {  	_ = 	snop  }
0x6: {  	_ = 	snop  }
0x7: {  	_ = 	snop  }
__scs_overlays_trampoline_lowered:
0x8: {  	[smem:$0x3FAD] =	sst s0  }
0x9: {  	[smem:$0x3FAE] =	sst s1  }
0xa: {  	[smem:$0x3FAF] =	sst s2  }
0xb: {  	[smem:$0x3FB0] =	sst s3  }
0xc: {  	[smem:$0x3FB1] =	sst s4  }
0xd: {  	[smem:$0x3FB2] =	sst s5  }
0xe: {  	[smem:$0x3FB3] =	sst s6  }
0xf: {  	[smem:$0x3FB4] =	sst s7  }
0x10: {  	[smem:$0x3FB5] =	sst s8  }
0x11: {  	[smem:$0x3FB6] =	sst s9;
	s0 =	simm.s32 @!p0 $0x0  }
0x12: {  	s1 =	sld [smem:$0x3F9C];
	s0 =	simm.s32 @p0 $0x1  }
0x13: {  	[smem:$0x3FB7] =	sst s0;
	s0 =	simm.s32 @!p1 $0x0  }
0x14: {  	s2 =	sld [smem:$0x3F9B];
	s0 =	simm.s32 @p1 $0x1  }
0x15: {  	[smem:$0x3FB8] =	sst s0;
	s0 =	simm.s32 @!p2 $0x0  }
0x16: {  	s3 =	sld [smem:$0x3FDB];
	s0 =	simm.s32 @p2 $0x1  }
0x17: {  	s4 =	simm.s32 $0x1BF5;
	[smem:$0x3FBA] =	sst s0  }
0x18: {  	s0 =	sld [smem:$0x3F9D];
	_ =	swait.ge [sflag:s4], $0x0  }
0x19: {  	s7 =	sld [smem:$0x3F9E]  }
0x1a: {  	s8 =	sadd.s32 $0xFFFFE003, lr  }
0x1b: {  	s9 =	sadd.s32 $0xFFFFFEF7, lr;
	s5 =	simm.s32 $0xFFFFFFFF;
	p2 =	slt.u32 s8, $0xFFFFF086  }
0x1c: {  	p1 =	slt.u32 s9, $0xF7A;
	s5 =	simm.s32 @!p2 $0x0  }
0x1d: {  	s5 =	simm.s32 @p1 $0x1;
	p0 =	seq.s32 s7, s2  }
0x1e: {  	s7 =	smul.u32 @!p0 $0xF7A, s2;
	p2 =	seq.s32 @!p0 s5, $0x0  }
0x1f: {  	s9 =	smul.u32 $0xF7A, s1;
	s8 =	simm.s32 @!p0 $0x1BF5;
	p2 =	por !p2, p0  }
0x20: {  	[sflag:s8] =	ssyncset.s32 @!p0 $0xFFFFF086;
	s6 =	sadd.s32 @!p0 s3, s7;
	s7 =	simm.s32 @!p0 $0x108  }
0x21: {  	s3 =	sadd.s32 s3, s9;
	s6 =	sadd.s32 @!p0 $0x88, s6;
	s7 =	simm.s32 @p2 $0x1082  }
0x22: {  	[simem:s7], [sflag:s8] =	dma.local @!p0 [hbm:s6], $0xF7A  }
0x23: {  	s9 =	sor.u32 $0xD0000000, s2;
	s6 =	simm.s32 $0x108;
	_ =	swait.ge @!p0 [sflag:s8], $0x0  }
0x24: {  	s3 =	sadd.s32 $0x88, s3;
	s6 =	simm.s32 @!p1 $0x1082;
	[sflag:s4] =	ssyncset.s32 $0xFFFFF086  }
0x25: {  	[simem:s6], [sflag:s4] =	dma.local [hbm:s3], $0xF7A  }
0x26: {  	[smem:$0x3F9E] =	sst s1;
	(tag) =	ssettag s2;
	_ =	strace s9  }
0x27: {  	s1 =	sld [smem:$0x3FAE]  }
0x28: {  	s2 =	sld [smem:$0x3FAF]  }
0x29: {  	s4 =	sld [smem:$0x3FB1]  }
0x2a: {  	p0 =	seq.s32 s5, $0x0;
	s5 =	sld [smem:$0x3FB2]  }
0x2b: {  	s6 =	sld [smem:$0x3FB3]  }
0x2c: {  	s7 =	sld [smem:$0x3FB4]  }
0x2d: {  	s3 =	simm.s32 $0x108;
	s8 =	sld [smem:$0x3FB5]  }
0x2e: {  	s3 =	simm.s32 @!p0 $0x1082;
	s9 =	sld [smem:$0x3FB6]  }
0x2f: {  	lr =	sadd.s32 s0, s3;
	s0 =	sld [smem:$0x3FAD]  }
0x30: {  	s3 =	sld [smem:$0x3FB0]  }
0x31: {  	[smem:$0x3FB9] =	sst s10  }
0x32: {  	s10 =	sld [smem:$0x3FB7];
	_ =	sdelay $0x3  }
0x33: {  	p0 =	seq.s32 s10, $0x1;
	s10 =	sld [smem:$0x3FB9];
	_ =	sdelay $0x3  }
0x34: {  	[smem:$0x3FB9] =	sst s10  }
0x35: {  	s10 =	sld [smem:$0x3FB8];
	_ =	sdelay $0x3  }
0x36: {  	p1 =	seq.s32 s10, $0x1;
	s10 =	sld [smem:$0x3FB9];
	_ =	sdelay $0x3  }
0x37: {  	[smem:$0x3FB9] =	sst s10  }
0x38: {  	s10 =	sld [smem:$0x3FBA]  }
0x39: {  	_ = 	snop;
	(pc) =	sbr.ind lr, $3  }
0x3a: {  	_ = 	snop  }
0x3b: {  	_ = 	snop  }
0x3c: {  	p2 =	seq.s32 s10, $0x1;
	s10 =	sld [smem:$0x3FB9]  }
0x3d: {  	_ =	shalt  }
0x3e: {  	_ =	shalt  }
0x3f: {  	_ =	shalt  }
0x40: {  	_ =	shalt  }
0x41: {  	_ =	shalt  }
0x42: {  	_ =	shalt  }
0x43: {  	_ =	shalt  }
0x44: {  	_ =	shalt  }
0x45: {  	_ =	shalt  }
0x46: {  	_ =	shalt  }
0x47: {  	_ =	shalt  }
0x48: {  	_ =	shalt  }
0x49: {  	_ =	shalt  }
0x4a: {  	_ =	shalt  }
0x4b: {  	_ =	shalt  }
0x4c: {  	_ =	shalt  }
0x4d: {  	_ =	shalt  }
0x4e: {  	_ =	shalt  }
0x4f: {  	_ =	shalt  }
0x50: {  	_ =	shalt  }
0x51: {  	_ =	shalt  }
0x52: {  	_ =	shalt  }
0x53: {  	_ =	shalt  }
0x54: {  	_ =	shalt  }
0x55: {  	_ =	shalt  }
0x56: {  	_ =	shalt  }
0x57: {  	_ =	shalt  }
0x58: {  	_ =	shalt  }
0x59: {  	_ =	shalt  }
0x5a: {  	_ =	shalt  }
0x5b: {  	_ =	shalt  }
0x5c: {  	_ =	shalt  }
0x5d: {  	_ =	shalt  }
0x5e: {  	_ =	shalt  }
0x5f: {  	_ =	shalt  }
0x60: {  	_ =	shalt  }
0x61: {  	_ =	shalt  }
0x62: {  	_ =	shalt  }
0x63: {  	_ =	shalt  }
0x64: {  	_ =	shalt  }
0x65: {  	_ =	shalt  }
0x66: {  	_ =	shalt  }
0x67: {  	_ =	shalt  }
0x68: {  	_ =	shalt  }
0x69: {  	_ =	shalt  }
0x6a: {  	_ =	shalt  }
0x6b: {  	_ =	shalt  }
0x6c: {  	_ =	shalt  }
0x6d: {  	_ =	shalt  }
0x6e: {  	_ =	shalt  }
0x6f: {  	_ =	shalt  }
0x70: {  	_ =	shalt  }
0x71: {  	_ =	shalt  }
0x72: {  	_ =	shalt  }
0x73: {  	_ =	shalt  }
0x74: {  	_ =	shalt  }
0x75: {  	_ =	shalt  }
0x76: {  	_ =	shalt  }
0x77: {  	_ =	shalt  }
0x78: {  	_ =	shalt  }
0x79: {  	_ =	shalt  }
0x7a: {  	_ =	shalt  }
0x7b: {  	_ =	shalt  }
0x7c: {  	_ =	shalt  }
0x7d: {  	_ =	shalt  }
0x7e: {  	_ =	shalt  }
0x7f: {  	_ =	shalt  }
0x80: {  	_ =	shalt  }
0x81: {  	_ =	shalt  }
0x82: {  	_ =	shalt  }
0x83: {  	_ =	shalt  }
0x84: {  	_ =	shalt  }
0x85: {  	_ =	shalt  }
0x86: {  	_ =	shalt  }
0x87: {  	_ =	shalt  }
.Lfunc_end0:
.L_simem_size_0:
called_computation_lowered:
.L_overlay_start_0:
0x88: {  	s2 =	sld [smem:$0x3FD9]  }
0x89: {  	s3 =	sld [smem:$0x3FFE];
	_ =	sdelay $0x1  }
0x8a: {  	s1 =	srdreg.scid  }
0x8b: {  	s0 =	sand.u32 $0x1, s1  }
0x8c: {  	s14 =	sshll.u32 s0, $0xA;
	s2 =	sadd.s32 s3, s2  }
0x8d: {  	s2 =	sadd.s32 s2, s14  }
0x8e: {  	[smem:$0x3FC5] =	sst s2  }
0x8f: {  	_ = 	snop  }
0x90: {  	s2 =	sld [smem:$0x3FD0];
	_ =	sdelay $0x2  }
0x91: {  	s4 =	simm.s32 $0xA;
	s5 =	simm.s32 $0x10;
	s15 =	sld [smem:$0x3FC9]  }
0x92: {  	[smem:s5], [sflag:s4] =	dma.local [hbm:s2], $0x1  }
0x93: {  	_ =	swait.eq [sflag:s4], $0x1  }
0x94: {  	[sflag:s4] =	ssyncset.done $0x0  }
0x95: {  	[sflag:s4] =	ssyncadd.s32 $0xFFFFFFFF  }
0x96: {  	s16 =	sld [smem:$0x12];
	(tm) =	ssettm $0x1  }
0x97: {  	s17 =	sld [smem:$0x3FFB];
	_ =	sdelay $0x3  }
0x98: {  	_ =	strace s17  }
0x99: {  	s4 =	sld [smem:$0x3FFC];
	_ =	sdelay $0x3  }
0x9a: {  	_ =	strace s4  }
0x9b: {  	s4 =	sld [smem:$0x3FFD];
	_ =	sdelay $0x3  }
0x9c: {  	_ =	strace s4  }
0x9d: {  	_ =	strace $0x8FFFFFFF  }
0x9e: {  	s18 =	sld [smem:$0x3FDB];
	_ =	sdelay $0x1  }
0x9f: {  	s19 =	simm.s32 $_scs_section_size  }
0xa0: {  	s6 =	simm.s32 $_size__tile_overlayer_lowered;
	s7 =	simm.s32 $_tile_overlayer_lowered  }
0xa1: {  	s22 =	simm.s32 $0x1BFF;
	s21 =	sshll.u32 s7, $0x1;
	s4 =	sadd.s32 s19, s18  }
0xa2: {  	s8 =	simm.s32 $0x0;
	s20 =	sshll.u32 s6, $0x1;
	s6 =	sadd.s32 s21, s4  }
0xa3: {  	[timem:s8], [sflag:s22] =	dma.local [hbm:s6], s20  }
0xa4: {  	_ =	swait.ge [sflag:s22], s20  }
0xa5: {  	s5 =	ssub.s32 $0x0, s20;
	[sflag:s22] =	ssyncset.done $0x0  }
0xa6: {  	[sflag:s22] =	ssyncadd.s32 s5;
	_ =	sdelay $0x1  }
0xa7: {  	s23 =	simm.s32 $0x1B8B  }
0xa8: {  	_ =	swait.ge [sflag:s23], $0x1  }
0xa9: {  	[sflag:s23] =	ssyncset.done $0x0  }
0xaa: {  	s25 =	simm.s32 $0x1B8E;
	s24 =	sld [smem:$0x3FFE];
	[sflag:s23] =	ssyncadd.s32 $0xFFFFFFFF  }
0xab: {  	s26 =	simm.s32 $execute0_lowered;
	[smem:$0x3FD2] =	sst s25  }
0xac: {  	s6 =	sshll.u32 s26, $0x1;
	_ =	strace $0x80000046;
	[dreg:$0x1] =	wrdreg $0xFFFFFFFF  }
0xad: {  	s28 =	simm.s32 $_size_execute0_lowered;
	s4 =	sadd.s32 s4, s6;
	[dreg:$0x0] =	wrdreg $0x0  }
0xae: {  	s6 =	sshll.u32 s28, $0x1;
	[dreg:$0x2] =	wrdreg s4  }
0xaf: {  	[dreg:$0x3] =	wrdreg s6  }
0xb0: {  	[dreg:$0x4] =	wrdreg $0xC0  }
0xb1: {  	_ =	task [dreg:s8], $0x5FFFF  }
0xb2: {  	[dreg:$0x1] =	wrdreg $0xFFFFFFFF  }
0xb3: {  	[dreg:$0x0] =	wrdreg $0x60  }
0xb4: {  	[dreg:$0x2] =	wrdreg s15  }
0xb5: {  	[dreg:$0x3] =	wrdreg s24  }
0xb6: {  	[dreg:$0x4] =	wrdreg s16  }
0xb7: {  	[dreg:$0x5] =	wrdreg $0x9  }
0xb8: {  	_ =	task.clear_ibuf [dreg:s8], $0x6FFFF;
	_ =	strace $0x90000046  }
0xb9: {  	s29 =	simm.s32 $0x9;
	_ =	strace $0x80000048  }
0xba: {  	_ =	swait.ge [sflag:s29], $0x1  }
0xbb: {  	[sflag:s29] =	ssyncadd.s32 $0xFFFFFFFF  }
0xbc: {  	_ =	strace $0x90000048  }
0xbd: {  	_ =	sfence  }
0xbe: {  	s30 =	sld [smem:$0x0];
	_ =	sdelay $0x2  }
0xbf: {  	s31 =	sshll.u32 s1, $0xD;
	s1 =	sshrl.u32 s1, $0x2  }
0xc0: {  	s3 =	sand.u32 $0x4000, s31;
	s1 =	sadd.s32 s1, s30  }
0xc1: {  	s0 =	sor.u32 s3, s0;
	s1 =	sshll.u32 s1, $0x11  }
0xc2: {  	s0 =	sor.u32 s1, s0  }
0xc3: {  	s0 =	sadd.s32 $0x8F2B, s0  }
0xc4: {  	[sflag:s0] =	ssyncadd.remote.s32 $0x1  }
0xc5: {  	_ =	sfence.sel $0xFFFF  }
0xc6: {  	[dreg:$0x0] =	wrdreg $0xFFFFFFFF;
	(pc) =	sbr.abs _section_cstart, $3  }
0xc7: {  	[dreg:$0x1] =	wrdreg $0xFFFFFFFF  }
0xc8: {  	_ =	task.clear_ibuf [dreg:s8], $0x2FFFF;
	_ =	strace $0x9FFFFFFF  }
0xc9: {  	(tm) =	ssettm $0x7FFFFFFF  }
tec
execute0_lowered:
.L_overlay_start_1:
0x0: {  	(tag) =	ssettag $0x1  }
0x1: {  	s2 =	stileid.u32  }
0x2: {  	p0 =	seq.s32 s2, $0xF  }
.Ltmp0:
0x3: {  	_ = 	snop;
	(pc) =	sbr.rel @p0 .LBB2_3-.Ltmp0, $4  }
0x4: {  	s1 =	rddreg [dreg:$0x0]  }
0x5: {  	s4 =	rddreg [dreg:$0x1];
	s3 =	simm.s32 $0x0  }
0x6: {  	[smem:$0x7FF] =	sst s3  }
0x7: {  	s0 =	rddreg [dreg:$0x2];
	_ =	strace $0x80000047  }
0x8: {  	v0 =	vlaneseq.u32  }
0x9: {  	v0 =	vmul.u32 $0x4000, v0;
	_ =	sdelay $0x1  }
0xa: {  	v1 =	vor.u32 $0xC00000, v0;
	v4 =	vor.u32 $0x80000, v0;
	v5 =	vor.u32 $0xC80000, v0  }
0xb: {  	s5 =	srdreg.scid;
	s2 =	stileid.u32;
	v6 =	vor.u32 $0xC0000, v0;
	v7 =	vor.u32 $0xCC0000, v0;
	v8 =	vor.u32 $0x100000, v0  }
0xc: {  	s4 =	sadd.s32 $0xC00, s4;
	s11 =	simm.s32 $0x900;
	s12 =	simm.s32 $0x500;
	v9 =	vor.u32 $0xD00000, v0;
	v10 =	vor.u32 $0x140000, v0;
	v11 =	vor.u32 $0xD40000, v0  }
0xd: {  	s13 =	simm.s32 $0xC00;
	s14 =	simm.s32 $0x180;
	s15 =	simm.s32 $0x980;
	v12 =	vor.u32 $0x180000, v0;
	v13 =	vor.u32 $0xD80000, v0;
	v14 =	vor.u32 $0x1C0000, v0  }
0xe: {  	s16 =	simm.s32 $0x580;
	s17 =	simm.s32 $0xC80;
	s18 =	simm.s32 $0x200;
	v15 =	vor.u32 $0xDC0000, v0;
	v16 =	vor.u32 $0x200000, v0;
	v17 =	vor.u32 $0xE00000, v0  }
0xf: {  	s19 =	simm.s32 $0xA00;
	s20 =	simm.s32 $0x600;
	s21 =	simm.s32 $0xD00;
	v18 =	vor.u32 $0x240000, v0;
	v19 =	vor.u32 $0xE40000, v0;
	v20 =	vor.u32 $0x280000, v0  }
0x10: {  	s22 =	simm.s32 $0x280;
	s23 =	simm.s32 $0xA80;
	s28 =	simm.s32 $0xB00;
	v21 =	vor.u32 $0xE80000, v0;
	v22 =	vor.u32 $0x2C0000, v0;
	v23 =	vor.u32 $0xEC0000, v0  }
0x11: {  	s29 =	simm.s32 $0x700;
	s30 =	simm.s32 $0xE00;
	s31 =	simm.s32 $0x1;
	v24 =	vor.u32 $0x300000, v0;
	v25 =	vor.u32 $0xF00000, v0;
	v26 =	vor.u32 $0x340000, v0  }
0x12: {  	s5 =	sand.u32 $0x1, s5;
	s6 =	sshll.u32 s2, $0x1;
	s7 =	sshrl.u32 s2, $0x2;
	v27 =	vor.u32 $0xF40000, v0;
	v28 =	vor.u32 $0x380000, v0;
	v29 =	vor.u32 $0xF80000, v0  }
0x13: {  	s6 =	sor.u32 s5, s6;
	s9 =	smul.u32 $0x1800, s7;
	s7 =	sshll.u32 s7, $0xA;
	v30 =	vor.u32 $0x3C0000, v0;
	v31 =	vor.u32 $0xFC0000, v0;
	v32 =	vor.u32 $0x400000, v0  }
0x14: {  	s5 =	ssub.s32 $0x2, s5;
	s8 =	sshll.u32 s6, $0x7;
	s6 =	sadd.s32 $0x1E, s6;
	v33 =	vor.u32 $0x1000000, v0;
	v34 =	vor.u32 $0x440000, v0;
	v35 =	vor.u32 $0x1040000, v0  }
0x15: {  	s25 =	sshrl.u32 s5, $0x1;
	v36 =	vor.u32 $0x480000, v0;
	v37 =	vor.u32 $0x1080000, v0;
	v38 =	vor.u32 $0x4C0000, v0;
	s8 =	sand.u32 $0x380, s8;
	s10 =	sshrl.u32 s6, $0x3  }
0x16: {  	v39 =	vor.u32 $0x10C0000, v0;
	v40 =	vor.u32 $0x500000, v0;
	v41 =	vor.u32 $0x1100000, v0;
	s6 =	sshll.u32 s6, $0x7;
	s26 =	ssub.s32 s5, s25;
	s5 =	simm.s32 $0x2  }
0x17: {  	v42 =	vor.u32 $0x540000, v0;
	v43 =	vor.u32 $0x1140000, v0;
	v44 =	vor.u32 $0x580000, v0;
	s25 =	simm.s32 $0xD80;
	s9 =	sor.u32 s9, s8;
	s10 =	smul.u32 $0x1800, s10  }
0x18: {  	v45 =	vor.u32 $0x1180000, v0;
	v46 =	vor.u32 $0x5C0000, v0;
	v47 =	vor.u32 $0x11C0000, v0;
	s6 =	sand.u32 $0x380, s6;
	s7 =	sor.u32 s7, s8;
	s9 =	sshrl.u32 s9, $0x3  }
0x19: {  	v48 =	vor.u32 $0x600000, v0;
	v49 =	vor.u32 $0x1200000, v0;
	v50 =	vor.u32 $0x640000, v0;
	s8 =	simm.s32 $0x480;
	s7 =	sshrl.u32 s7, $0x3;
	s9 =	sadd.s32 s0, s9  }
0x1a: {  	v51 =	vor.u32 $0x1240000, v0;
	v52 =	vor.u32 $0x680000, v0;
	v53 =	vor.u32 $0x1280000, v0;
	s6 =	sor.u32 s6, s10;
	s4 =	sadd.s32 s4, s7;
	s7 =	simm.s32 $0x880  }
0x1b: {  	v54 =	vor.u32 $0x6C0000, v0;
	v55 =	vor.u32 $0x12C0000, v0;
	v56 =	vor.u32 $0x700000, v0;
	s10 =	simm.s32 $0x100;
	[dreg:$0x4] =	wrdreg s9;
	s6 =	sshrl.u32 s6, $0x3  }
0x1c: {  	v57 =	vor.u32 $0x1300000, v0;
	v58 =	vor.u32 $0x740000, v0;
	[tilespmem:$0x1FFD0] =	vst v1;
	v1 =	vor.u32 $0x40000, v0;
	[dreg:$0x6] =	wrdreg s4;
	s4 =	smax.u32 s26, $0x1;
	s9 =	simm.s32 $0xB80  }
0x1d: {  	v59 =	vor.u32 $0x1340000, v0;
	v60 =	vor.u32 $0x780000, v0;
	[tilespmem:$0x1FFE0] =	vst v1;
	v1 =	vor.u32 $0xC40000, v0;
	s26 =	simm.s32 $0x300;
	s24 =	sadd.s32 s0, s6;
	s6 =	simm.s32 $0x80  }
0x1e: {  	v61 =	vor.u32 $0x1380000, v0;
	v62 =	vor.u32 $0x7C0000, v0;
	v63 =	vor.u32 $0x13C0000, v0;
	[tilespmem:$0x1FFF0] =	vst v1;
	s0 =	simm.s32 $0x400;
	[dreg:$0x5] =	wrdreg s24;
	s24 =	simm.s32 $0x680  }
.LBB2_2:
0x1f: {  	s2 =	rddreg [dreg:$0x6]  }
0x20: {  	[tilespmem:s3], [sflag:$0x2] =	stream.linear.gather [hbm4b:s2+s3], $0x80, $0x38;
	[tilespmem:$0xE80] =	vst v63  }
0x21: {  	_ =	swait.ge [sflag:s5], $0x80  }
0x22: {  	[sflag:s5] =	ssyncset.done $0x0  }
0x23: {  	[sflag:s5] =	ssyncadd.s32 $0xFFFFFF80  }
0x24: {  	v1 =	vld [tilespmem:$0x0];
	_ =	sdelay $0x4  }
0x25: {  	v2 =	vadd.s32 v0, v1  }
0x26: {  	[tilespmem:$0x80] =	vst v2;
	v2 =	vld [tilespmem:$0x1FFD0];
	_ =	sdelay $0x4  }
0x27: {  	v2 =	vadd.s32 v2, v1  }
0x28: {  	[tilespmem:$0x480] =	vst v2;
	v2 =	vld [tilespmem:$0x1FFE0];
	_ =	sdelay $0x4  }
0x29: {  	v2 =	vadd.s32 v2, v1  }
0x2a: {  	[tilespmem:$0x90] =	vst v2;
	v2 =	vld [tilespmem:$0x1FFF0];
	_ =	sdelay $0x4  }
0x2b: {  	v2 =	vadd.s32 v2, v1  }
0x2c: {  	[tilespmem:$0x490] =	vst v2;
	v2 =	vadd.s32 v4, v1  }
0x2d: {  	[tilespmem:$0xA0] =	vst v2;
	v2 =	vadd.s32 v5, v1  }
0x2e: {  	[tilespmem:$0x4A0] =	vst v2;
	v2 =	vadd.s32 v6, v1  }
0x2f: {  	[tilespmem:$0xB0] =	vst v2;
	v2 =	vadd.s32 v7, v1  }
0x30: {  	[tilespmem:$0x4B0] =	vst v2;
	v2 =	vadd.s32 v8, v1  }
0x31: {  	[tilespmem:$0xC0] =	vst v2;
	v2 =	vadd.s32 v9, v1  }
0x32: {  	[tilespmem:$0x4C0] =	vst v2;
	v2 =	vadd.s32 v10, v1  }
0x33: {  	[tilespmem:$0xD0] =	vst v2;
	v2 =	vadd.s32 v11, v1  }
0x34: {  	[tilespmem:$0x4D0] =	vst v2;
	v2 =	vadd.s32 v12, v1  }
0x35: {  	[tilespmem:$0xE0] =	vst v2;
	v2 =	vadd.s32 v13, v1  }
0x36: {  	[tilespmem:$0x4E0] =	vst v2;
	v2 =	vadd.s32 v14, v1  }
0x37: {  	[tilespmem:$0xF0] =	vst v2;
	v2 =	vadd.s32 v15, v1  }
0x38: {  	[tilespmem:$0x4F0] =	vst v2;
	v2 =	vadd.s32 v16, v1  }
0x39: {  	[tilespmem:$0x100] =	vst v2;
	v2 =	vadd.s32 v17, v1  }
0x3a: {  	[tilespmem:$0x500] =	vst v2;
	v2 =	vadd.s32 v18, v1  }
0x3b: {  	[tilespmem:$0x110] =	vst v2;
	v2 =	vadd.s32 v19, v1  }
0x3c: {  	[tilespmem:$0x510] =	vst v2;
	v2 =	vadd.s32 v20, v1  }
0x3d: {  	[tilespmem:$0x120] =	vst v2;
	v2 =	vadd.s32 v21, v1  }
0x3e: {  	[tilespmem:$0x520] =	vst v2;
	v2 =	vadd.s32 v22, v1  }
0x3f: {  	[tilespmem:$0x130] =	vst v2;
	v2 =	vadd.s32 v23, v1  }
0x40: {  	[tilespmem:$0x530] =	vst v2;
	v2 =	vadd.s32 v24, v1  }
0x41: {  	[tilespmem:$0x140] =	vst v2;
	v2 =	vadd.s32 v25, v1  }
0x42: {  	[tilespmem:$0x540] =	vst v2;
	v2 =	vadd.s32 v26, v1  }
0x43: {  	[tilespmem:$0x150] =	vst v2;
	v2 =	vadd.s32 v27, v1  }
0x44: {  	[tilespmem:$0x550] =	vst v2;
	v2 =	vadd.s32 v28, v1  }
0x45: {  	[tilespmem:$0x160] =	vst v2;
	v2 =	vadd.s32 v29, v1  }
0x46: {  	[tilespmem:$0x560] =	vst v2;
	v2 =	vadd.s32 v30, v1  }
0x47: {  	[tilespmem:$0x170] =	vst v2;
	v2 =	vadd.s32 v31, v1  }
0x48: {  	[tilespmem:$0x570] =	vst v2;
	v2 =	vadd.s32 v32, v1  }
0x49: {  	[tilespmem:$0x180] =	vst v2;
	v2 =	vadd.s32 v33, v1  }
0x4a: {  	[tilespmem:$0x580] =	vst v2;
	v2 =	vadd.s32 v34, v1  }
0x4b: {  	[tilespmem:$0x190] =	vst v2;
	v2 =	vadd.s32 v35, v1  }
0x4c: {  	[tilespmem:$0x590] =	vst v2;
	v2 =	vadd.s32 v36, v1  }
0x4d: {  	[tilespmem:$0x1A0] =	vst v2;
	v2 =	vadd.s32 v37, v1  }
0x4e: {  	[tilespmem:$0x5A0] =	vst v2;
	v2 =	vadd.s32 v38, v1  }
0x4f: {  	[tilespmem:$0x1B0] =	vst v2;
	v2 =	vadd.s32 v39, v1  }
0x50: {  	[tilespmem:$0x5B0] =	vst v2;
	v2 =	vadd.s32 v40, v1  }
0x51: {  	[tilespmem:$0x1C0] =	vst v2;
	v2 =	vadd.s32 v41, v1  }
0x52: {  	[tilespmem:$0x5C0] =	vst v2;
	v2 =	vadd.s32 v42, v1  }
0x53: {  	[tilespmem:$0x1D0] =	vst v2;
	v2 =	vadd.s32 v43, v1  }
0x54: {  	[tilespmem:$0x5D0] =	vst v2;
	v2 =	vadd.s32 v44, v1  }
0x55: {  	[tilespmem:$0x1E0] =	vst v2;
	v2 =	vadd.s32 v45, v1  }
0x56: {  	[tilespmem:$0x5E0] =	vst v2;
	v2 =	vadd.s32 v46, v1  }
0x57: {  	[tilespmem:$0x1F0] =	vst v2;
	v2 =	vadd.s32 v47, v1  }
0x58: {  	[tilespmem:$0x5F0] =	vst v2;
	v2 =	vadd.s32 v48, v1  }
0x59: {  	[tilespmem:$0x200] =	vst v2;
	v2 =	vadd.s32 v49, v1  }
0x5a: {  	[tilespmem:$0x600] =	vst v2;
	v2 =	vadd.s32 v50, v1  }
0x5b: {  	[tilespmem:$0x210] =	vst v2;
	v2 =	vadd.s32 v51, v1  }
0x5c: {  	[tilespmem:$0x610] =	vst v2;
	v2 =	vadd.s32 v52, v1  }
0x5d: {  	[tilespmem:$0x220] =	vst v2;
	v2 =	vadd.s32 v53, v1  }
0x5e: {  	[tilespmem:$0x620] =	vst v2;
	v2 =	vadd.s32 v54, v1  }
0x5f: {  	[tilespmem:$0x230] =	vst v2;
	v2 =	vadd.s32 v55, v1  }
0x60: {  	[tilespmem:$0x630] =	vst v2;
	v2 =	vadd.s32 v56, v1  }
0x61: {  	[tilespmem:$0x240] =	vst v2;
	v2 =	vadd.s32 v57, v1  }
0x62: {  	[tilespmem:$0x640] =	vst v2;
	v2 =	vadd.s32 v58, v1  }
0x63: {  	[tilespmem:$0x250] =	vst v2;
	v2 =	vadd.s32 v59, v1  }
0x64: {  	[tilespmem:$0x650] =	vst v2;
	v2 =	vadd.s32 v60, v1  }
0x65: {  	[tilespmem:$0x260] =	vst v2;
	v2 =	vadd.s32 v61, v1  }
0x66: {  	[tilespmem:$0x660] =	vst v2;
	v2 =	vadd.s32 v62, v1  }
0x67: {  	v3 =	vor.u32 $0x800000, v0;
	[tilespmem:$0x270] =	vst v2;
	v2 =	vadd.s32 v63, v1  }
0x68: {  	[tilespmem:$0x670] =	vst v2;
	v2 =	vadd.s32 v3, v1;
	v3 =	vor.u32 $0x1400000, v0  }
0x69: {  	[tilespmem:$0x280] =	vst v2;
	v2 =	vadd.s32 v3, v1;
	v3 =	vor.u32 $0x840000, v0  }
0x6a: {  	[tilespmem:$0x680] =	vst v2;
	v2 =	vadd.s32 v3, v1;
	v3 =	vor.u32 $0x1440000, v0  }
0x6b: {  	[tilespmem:$0x290] =	vst v2;
	v2 =	vadd.s32 v3, v1;
	v3 =	vor.u32 $0x880000, v0  }
0x6c: {  	[tilespmem:$0x690] =	vst v2;
	v2 =	vadd.s32 v3, v1;
	v3 =	vor.u32 $0x1480000, v0  }
0x6d: {  	[tilespmem:$0x2A0] =	vst v2;
	v2 =	vadd.s32 v3, v1;
	v3 =	vor.u32 $0x8C0000, v0  }
0x6e: {  	[tilespmem:$0x6A0] =	vst v2;
	v2 =	vadd.s32 v3, v1;
	v3 =	vor.u32 $0x14C0000, v0  }
0x6f: {  	[tilespmem:$0x2B0] =	vst v2;
	v2 =	vadd.s32 v3, v1;
	v3 =	vor.u32 $0x900000, v0  }
0x70: {  	[tilespmem:$0x6B0] =	vst v2;
	v2 =	vadd.s32 v3, v1;
	v3 =	vor.u32 $0x1500000, v0  }
0x71: {  	[tilespmem:$0x2C0] =	vst v2;
	v2 =	vadd.s32 v3, v1;
	v3 =	vor.u32 $0x940000, v0  }
0x72: {  	[tilespmem:$0x6C0] =	vst v2;
	v2 =	vadd.s32 v3, v1;
	v3 =	vor.u32 $0x1540000, v0  }
0x73: {  	[tilespmem:$0x2D0] =	vst v2;
	v2 =	vadd.s32 v3, v1;
	v3 =	vor.u32 $0x980000, v0  }
0x74: {  	[tilespmem:$0x6D0] =	vst v2;
	v2 =	vadd.s32 v3, v1;
	v3 =	vor.u32 $0x1580000, v0  }
0x75: {  	[tilespmem:$0x2E0] =	vst v2;
	v2 =	vadd.s32 v3, v1;
	v3 =	vor.u32 $0x9C0000, v0  }
0x76: {  	[tilespmem:$0x6E0] =	vst v2;
	v2 =	vadd.s32 v3, v1;
	v3 =	vor.u32 $0x15C0000, v0  }
0x77: {  	[tilespmem:$0x2F0] =	vst v2;
	v2 =	vadd.s32 v3, v1;
	v3 =	vor.u32 $0xA00000, v0  }
0x78: {  	[tilespmem:$0x6F0] =	vst v2;
	v2 =	vadd.s32 v3, v1;
	v3 =	vor.u32 $0x1600000, v0  }
0x79: {  	[tilespmem:$0x300] =	vst v2;
	v2 =	vadd.s32 v3, v1;
	v3 =	vor.u32 $0xA40000, v0  }
0x7a: {  	[tilespmem:$0x700] =	vst v2;
	v2 =	vadd.s32 v3, v1;
	v3 =	vor.u32 $0x1640000, v0  }
0x7b: {  	[tilespmem:$0x310] =	vst v2;
	v2 =	vadd.s32 v3, v1;
	v3 =	vor.u32 $0xA80000, v0  }
0x7c: {  	[tilespmem:$0x710] =	vst v2;
	v2 =	vadd.s32 v3, v1;
	v3 =	vor.u32 $0x1680000, v0  }
0x7d: {  	[tilespmem:$0x320] =	vst v2;
	v2 =	vadd.s32 v3, v1;
	v3 =	vor.u32 $0xAC0000, v0  }
0x7e: {  	[tilespmem:$0x720] =	vst v2;
	v2 =	vadd.s32 v3, v1;
	v3 =	vor.u32 $0x16C0000, v0  }
0x7f: {  	[tilespmem:$0x330] =	vst v2;
	v2 =	vadd.s32 v3, v1;
	v3 =	vor.u32 $0xB00000, v0  }
0x80: {  	[tilespmem:$0x730] =	vst v2;
	v2 =	vadd.s32 v3, v1;
	v3 =	vor.u32 $0x1700000, v0  }
0x81: {  	[tilespmem:$0x340] =	vst v2;
	v2 =	vadd.s32 v3, v1;
	v3 =	vor.u32 $0xB40000, v0  }
0x82: {  	[tilespmem:$0x740] =	vst v2;
	v2 =	vadd.s32 v3, v1;
	v3 =	vor.u32 $0x1740000, v0  }
0x83: {  	[tilespmem:$0x350] =	vst v2;
	v2 =	vadd.s32 v3, v1;
	v3 =	vor.u32 $0xB80000, v0  }
0x84: {  	[tilespmem:$0x750] =	vst v2;
	v2 =	vadd.s32 v3, v1;
	v3 =	vor.u32 $0x1780000, v0  }
0x85: {  	[tilespmem:$0x360] =	vst v2;
	v2 =	vadd.s32 v3, v1;
	v3 =	vor.u32 $0xBC0000, v0  }
0x86: {  	[tilespmem:$0x760] =	vst v2;
	v2 =	vadd.s32 v3, v1;
	v3 =	vor.u32 $0x17C0000, v0  }
0x87: {  	[tilespmem:$0x370] =	vst v2;
	v1 =	vadd.s32 v3, v1  }
0x88: {  	[tilespmem:$0x770] =	vst v1  }
0x89: {  	[tilespmem:s7], [sflag:$0x1] =	stream.indirect.gather [hbm4b:s1+s6], $0x1, s6, s6, $0xb8;
	[tilespmem:$0xE80] =	vst v63  }
0x8a: {  	_ = 	snop  }
0x8b: {  	[tilespmem:s7], [sflag:$0x1] =	stream.indirect.gather [hbm4b:s1+s6], $0x1, s6, s6, $0xb8;
	[tilespmem:$0xE80] =	vst v63  }
0x8c: {  	_ = 	snop  }
0x8d: {  	[tilespmem:s9], [sflag:$0x1] =	stream.indirect.gather [hbm4b:s1+s6], $0x1, s8, s6, $0xb8;
	[tilespmem:$0xE80] =	vst v63  }
0x8e: {  	_ = 	snop  }
0x8f: {  	[tilespmem:s9], [sflag:$0x1] =	stream.indirect.gather [hbm4b:s1+s6], $0x1, s8, s6, $0xb8;
	[tilespmem:$0xE80] =	vst v63  }
0x90: {  	_ = 	snop  }
0x91: {  	[tilespmem:s11], [sflag:$0x1] =	stream.indirect.gather [hbm4b:s1+s6], $0x1, s10, s6, $0xb8;
	[tilespmem:$0xE80] =	vst v63  }
0x92: {  	_ = 	snop  }
0x93: {  	[tilespmem:s11], [sflag:$0x1] =	stream.indirect.gather [hbm4b:s1+s6], $0x1, s10, s6, $0xb8;
	[tilespmem:$0xE80] =	vst v63  }
0x94: {  	_ = 	snop  }
0x95: {  	[tilespmem:s13], [sflag:$0x1] =	stream.indirect.gather [hbm4b:s1+s6], $0x1, s12, s6, $0xb8;
	[tilespmem:$0xE80] =	vst v63  }
0x96: {  	_ = 	snop  }
0x97: {  	[tilespmem:s13], [sflag:$0x1] =	stream.indirect.gather [hbm4b:s1+s6], $0x1, s12, s6, $0xb8;
	[tilespmem:$0xE80] =	vst v63  }
0x98: {  	_ = 	snop  }
0x99: {  	[tilespmem:s15], [sflag:$0x1] =	stream.indirect.gather [hbm4b:s1+s6], $0x1, s14, s6, $0xb8;
	[tilespmem:$0xE80] =	vst v63  }
0x9a: {  	_ = 	snop  }
0x9b: {  	[tilespmem:s15], [sflag:$0x1] =	stream.indirect.gather [hbm4b:s1+s6], $0x1, s14, s6, $0xb8;
	[tilespmem:$0xE80] =	vst v63  }
0x9c: {  	_ = 	snop  }
0x9d: {  	[tilespmem:s17], [sflag:$0x1] =	stream.indirect.gather [hbm4b:s1+s6], $0x1, s16, s6, $0xb8;
	[tilespmem:$0xE80] =	vst v63  }
0x9e: {  	_ = 	snop  }
0x9f: {  	[tilespmem:s17], [sflag:$0x1] =	stream.indirect.gather [hbm4b:s1+s6], $0x1, s16, s6, $0xb8;
	[tilespmem:$0xE80] =	vst v63  }
0xa0: {  	_ = 	snop  }
0xa1: {  	[tilespmem:s19], [sflag:$0x1] =	stream.indirect.gather [hbm4b:s1+s6], $0x1, s18, s6, $0xb8;
	[tilespmem:$0xE80] =	vst v63  }
0xa2: {  	_ = 	snop  }
0xa3: {  	[tilespmem:s19], [sflag:$0x1] =	stream.indirect.gather [hbm4b:s1+s6], $0x1, s18, s6, $0xb8;
	[tilespmem:$0xE80] =	vst v63  }
0xa4: {  	_ = 	snop  }
0xa5: {  	[tilespmem:s21], [sflag:$0x1] =	stream.indirect.gather [hbm4b:s1+s6], $0x1, s20, s6, $0xb8;
	[tilespmem:$0xE80] =	vst v63  }
0xa6: {  	_ = 	snop  }
0xa7: {  	[tilespmem:s21], [sflag:$0x1] =	stream.indirect.gather [hbm4b:s1+s6], $0x1, s20, s6, $0xb8;
	[tilespmem:$0xE80] =	vst v63  }
0xa8: {  	_ = 	snop  }
0xa9: {  	[tilespmem:s23], [sflag:$0x1] =	stream.indirect.gather [hbm4b:s1+s6], $0x1, s22, s6, $0xb8;
	[tilespmem:$0xE80] =	vst v63  }
0xaa: {  	_ = 	snop  }
0xab: {  	[tilespmem:s23], [sflag:$0x1] =	stream.indirect.gather [hbm4b:s1+s6], $0x1, s22, s6, $0xb8;
	[tilespmem:$0xE80] =	vst v63  }
0xac: {  	_ = 	snop  }
0xad: {  	[tilespmem:s25], [sflag:$0x1] =	stream.indirect.gather [hbm4b:s1+s6], $0x1, s24, s6, $0xb8;
	[tilespmem:$0xE80] =	vst v63  }
0xae: {  	_ = 	snop  }
0xaf: {  	[tilespmem:s25], [sflag:$0x1] =	stream.indirect.gather [hbm4b:s1+s6], $0x1, s24, s6, $0xb8;
	[tilespmem:$0xE80] =	vst v63  }
0xb0: {  	_ = 	snop  }
0xb1: {  	[tilespmem:s28], [sflag:$0x1] =	stream.indirect.gather [hbm4b:s1+s6], $0x1, s26, s6, $0xb8;
	[tilespmem:$0xE80] =	vst v63  }
0xb2: {  	_ = 	snop  }
0xb3: {  	[tilespmem:s28], [sflag:$0x1] =	stream.indirect.gather [hbm4b:s1+s6], $0x1, s26, s6, $0xb8;
	[tilespmem:$0xE80] =	vst v63  }
0xb4: {  	_ = 	snop  }
0xb5: {  	[tilespmem:s30], [sflag:$0x1] =	stream.indirect.gather [hbm4b:s1+s6], $0x1, s29, s6, $0xb8;
	[tilespmem:$0xE80] =	vst v63  }
0xb6: {  	_ = 	snop  }
0xb7: {  	[tilespmem:s30], [sflag:$0x1] =	stream.indirect.gather [hbm4b:s1+s6], $0x1, s29, s6, $0xb8;
	[tilespmem:$0xE80] =	vst v63  }
0xb8: {  	_ =	swait.ge [sflag:s31], $0x80  }
0xb9: {  	[sflag:s31] =	ssyncset.done $0x0  }
0xba: {  	[sflag:s31] =	ssyncadd.s32 $0xFFFFFF80  }
0xbb: {  	_ =	swait.ge [sflag:s31], $0x80  }
0xbc: {  	[sflag:s31] =	ssyncset.done $0x0  }
0xbd: {  	[sflag:s31] =	ssyncadd.s32 $0xFFFFFF80  }
0xbe: {  	_ =	swait.ge [sflag:s31], $0x80  }
0xbf: {  	[sflag:s31] =	ssyncset.done $0x0  }
0xc0: {  	[sflag:s31] =	ssyncadd.s32 $0xFFFFFF80  }
0xc1: {  	_ =	swait.ge [sflag:s31], $0x80  }
0xc2: {  	[sflag:s31] =	ssyncset.done $0x0  }
0xc3: {  	[sflag:s31] =	ssyncadd.s32 $0xFFFFFF80  }
0xc4: {  	_ =	swait.ge [sflag:s31], $0x80  }
0xc5: {  	[sflag:s31] =	ssyncset.done $0x0  }
0xc6: {  	[sflag:s31] =	ssyncadd.s32 $0xFFFFFF80  }
0xc7: {  	_ =	swait.ge [sflag:s31], $0x80  }
0xc8: {  	[sflag:s31] =	ssyncset.done $0x0  }
0xc9: {  	[sflag:s31] =	ssyncadd.s32 $0xFFFFFF80  }
0xca: {  	_ =	swait.ge [sflag:s31], $0x80  }
0xcb: {  	[sflag:s31] =	ssyncset.done $0x0  }
0xcc: {  	[sflag:s31] =	ssyncadd.s32 $0xFFFFFF80  }
0xcd: {  	_ =	swait.ge [sflag:s31], $0x80  }
0xce: {  	[sflag:s31] =	ssyncset.done $0x0  }
0xcf: {  	[sflag:s31] =	ssyncadd.s32 $0xFFFFFF80  }
0xd0: {  	_ =	swait.ge [sflag:s31], $0x80  }
0xd1: {  	[sflag:s31] =	ssyncset.done $0x0  }
0xd2: {  	[sflag:s31] =	ssyncadd.s32 $0xFFFFFF80  }
0xd3: {  	_ =	swait.ge [sflag:s31], $0x80  }
0xd4: {  	[sflag:s31] =	ssyncset.done $0x0  }
0xd5: {  	[sflag:s31] =	ssyncadd.s32 $0xFFFFFF80  }
0xd6: {  	_ =	swait.ge [sflag:s31], $0x80  }
0xd7: {  	[sflag:s31] =	ssyncset.done $0x0  }
0xd8: {  	[sflag:s31] =	ssyncadd.s32 $0xFFFFFF80  }
0xd9: {  	_ =	swait.ge [sflag:s31], $0x80  }
0xda: {  	[sflag:s31] =	ssyncset.done $0x0  }
0xdb: {  	s2 =	rddreg [dreg:$0x4];
	[sflag:s31] =	ssyncadd.s32 $0xFFFFFF80  }
0xdc: {  	[hbm4b:s2+s6] =	stream.strided.scatter [tilespmem:s7], [sflag:$0x2], $0x300, s0, s6, $0x38;
	[tilespmem:$0xE80] =	vst v63  }
0xdd: {  	_ =	swait.ge [sflag:s5], $0x300  }
0xde: {  	p0 =	sne.s32 s4, $0x1;
	[sflag:s5] =	ssyncset.done $0x0  }
.Ltmp1:
0xdf: {  	s2 =	rddreg [dreg:$0x5];
	[sflag:s5] =	ssyncadd.s32 $0xFFFFFD00;
	(pc) =	sbr.rel @p0 .LBB2_2-.Ltmp1, $4  }
0xe0: {  	[hbm4b:s2+s6] =	stream.strided.scatter [tilespmem:s9], [sflag:$0x2], $0x300, s0, s6, $0x38;
	[tilespmem:$0xE80] =	vst v63  }
0xe1: {  	_ =	swait.ge [sflag:s5], $0x300  }
0xe2: {  	[sflag:s5] =	ssyncset.done $0x0  }
0xe3: {  	s4 =	sadd.s32 $0xFFFFFFFF, s4;
	[sflag:s5] =	ssyncadd.s32 $0xFFFFFD00  }
.LBB2_3:
0xe4: {  	_ =	sfence.sel $0x180000  }
0xe5: {  	[bflag:$0x0] =	sbarrier.arrive $0xFFFF  }
0xe6: {  	_ =	strace $0x90000047  }
0xe7: {  	s0 =	stileid.u32;
	[bflag:$0x2] =	sbarrier.arrive $0xFFFF  }
0xe8: {  	p0 =	sne.s32 s0, $0x0;
	s0 =	rddreg [dreg:$0x3]  }
0xe9: {  	s0 =	sadd.s32 @!p0 $0x100000, s0  }
0xea: {  	[sflag:s0] =	ssyncadd.tile.s32 @!p0 $0x1;
	_ =	shalt  }
.Lfunc_end2:
_tile_overlayer_lowered:
.L_overlay_start_2:
0xeb: {  	(tag) =	ssettag $0x2  }
0xec: {  	s0 =	rddreg [dreg:$0x0];
	s2 =	stileid.u32  }
0xed: {  	s1 =	rddreg [dreg:$0x1];
	p0 =	sne.s32 s2, $0x0  }
0xee: {  	s3 =	rddreg [dreg:$0x2];
	[bflag:$0x3] =	sbarrier.arrive $0xFFFF;
	s2 =	simm.s32 @!p0 $0x1C02  }
0xef: {  	[timem:s3], [sflag:s2] =	dma.local @!p0 [hbm:s0], s1  }
0xf0: {  	s0 =	simm.s32 @!p0 $0x2  }
0xf1: {  	_ =	swait.ge @!p0 [sflag:s0], s1  }
0xf2: {  	s1 =	ssub.s32 @!p0 $0x0, s1;
	[sflag:s0] =	ssyncset.done @!p0 $0x0  }
0xf3: {  	[sflag:s0] =	ssyncadd.s32 @!p0 s1  }
0xf4: {  	[bflag:$0x3] =	sbarrier.arrive $0xFFFF  }
0xf5: {  	_ =	shalt  }

</sc_bundles>
